<compile_context>
chip_gen: v7x
topology: tpu7x:2x2x1
jax: 0.10.2.dev20260603
libtpu: 0.0.44.dev20260713+nightly
codegen_flags: <defaults>
</compile_context>

<pallas_src>
import functools

import jax
import jax.numpy as jnp
from jax import lax
from jax.experimental import pallas as pl
from jax.experimental.pallas import tpu as pltpu
from jax.experimental.pallas import tpu_sc as plsc

NUM_CLASSES = 512
EMB_DIM = 512
N_SUPPORT = 16384
N_QUERY = 8192

_NC = 2
_NS = 16
_NW = _NC * _NS
_RPW = N_SUPPORT // _NW
_CHUNK = 64
_NCHUNKS = _RPW // _CHUNK
_NV = EMB_DIM // 16


def _sc_segment_sum_body(support_hbm, labels_hbm, nextlo_hbm,
                         dense_hbm, side_hbm,
                         rows_a, rows_b, flush_slots, zeros_v, labs_s,
                         nextlo_s, sem_a, sem_b, fsem):
    cid = lax.axis_index("c")
    sid = lax.axis_index("s")
    w = cid * _NS + sid
    row0 = w * _RPW

    pltpu.sync_copy(labels_hbm.at[pl.ds(row0, _RPW)],
                    labs_s.at[pl.ds(0, _RPW)])
    pltpu.sync_copy(nextlo_hbm, nextlo_s.at[pl.ds(0, _NW)])

    def _lab_at(i):
        return labs_s[pl.ds(i, 16)][0]

    for j in range(_NV):
        zeros_v[pl.ds(j * 16, 16)] = jnp.zeros((16,), jnp.float32)

    lo = _lab_at(0)
    nextlo = nextlo_s[pl.ds(w, 16)][0]

    def _zero_dense(c, _):
        pltpu.async_copy(zeros_v, dense_hbm.at[pl.ds(c * EMB_DIM, EMB_DIM)],
                         fsem)
        return 0

    @pl.when(w == 0)
    def _():
        lax.fori_loop(0, lo, _zero_dense, 0)

    def _flush(cls, acc, slot):
        base = (slot % 32) * EMB_DIM
        for j in range(_NV):
            flush_slots[pl.ds(base + j * 16, 16)] = acc[j]

        @pl.when(cls == lo)
        def _():
            pltpu.async_copy(flush_slots.at[pl.ds(base, EMB_DIM)],
                             side_hbm.at[pl.ds(2 * w * EMB_DIM, EMB_DIM)],
                             fsem)

        @pl.when(cls != lo)
        def _():
            pltpu.async_copy(flush_slots.at[pl.ds(base, EMB_DIM)],
                             dense_hbm.at[pl.ds(cls * EMB_DIM, EMB_DIM)],
                             fsem)

    zero16 = jnp.zeros((16,), jnp.float32)

    def _gather_start(k, buf, sem):
        pltpu.async_copy(
            support_hbm.at[pl.ds((row0 + k * _CHUNK) * EMB_DIM,
                                 _CHUNK * EMB_DIM)], buf, sem)

    def _gather_wait(buf, sem):
        pltpu.make_async_copy(
            support_hbm.at[pl.ds(0, _CHUNK * EMB_DIM)], buf, sem).wait()

    def _chunk_walk(buf, k, carry):
        def _row(r, carry):
            cur = carry[0]
            nf = carry[1]
            acc = carry[2:]
            lab = _lab_at(k * _CHUNK + r)
            changed = lab != cur

            @pl.when(changed)
            def _():
                _flush(cur, acc, nf)
                lax.fori_loop(cur + 1, lab, _zero_dense, 0)

            row = [buf[pl.ds(r * EMB_DIM + j * 16, 16)]
                   for j in range(_NV)]
            new_acc = [
                jnp.where(changed, row[j], acc[j] + row[j])
                for j in range(_NV)
            ]
            return (lab, jnp.where(changed, nf + (lab - cur), nf)) \
                + tuple(new_acc)

        return lax.fori_loop(0, _CHUNK, _row, carry)

    _gather_start(0, rows_a, sem_a)

    def _outer(t, carry):
        k0 = 2 * t
        _gather_wait(rows_a, sem_a)
        _gather_start(k0 + 1, rows_b, sem_b)
        carry = _chunk_walk(rows_a, k0, carry)
        _gather_wait(rows_b, sem_b)

        @pl.when(t < _NCHUNKS // 2 - 1)
        def _():
            _gather_start(k0 + 2, rows_a, sem_a)

        return _chunk_walk(rows_b, k0 + 1, carry)

    nf0 = jnp.where(w == 0, lo, 0)
    init = (lo, nf0) + tuple(zero16 for _ in range(_NV))
    final = lax.fori_loop(0, _NCHUNKS // 2, _outer, init)
    hi = final[0]
    nf = final[1]
    acc = final[2:]

    _flush(hi, acc, nf)

    @pl.when(hi == lo)
    def _():
        pltpu.async_copy(zeros_v,
                         side_hbm.at[pl.ds((2 * w + 1) * EMB_DIM, EMB_DIM)],
                         fsem)

    lax.fori_loop(hi, nextlo + 1, _zero_dense, 0)

    total = nf + 1 + jnp.where(hi == lo, 1, 0) + (nextlo + 1 - hi)

    def _drain(i, _):
        pltpu.make_async_copy(
            flush_slots.at[pl.ds(0, EMB_DIM)],
            dense_hbm.at[pl.ds(0, EMB_DIM)], fsem).wait()
        return 0

    lax.fori_loop(0, total, _drain, 0)


@functools.lru_cache(maxsize=1)
def _build_sc_segment_sum():
    return functools.partial(
        pl.kernel,
        out_type=(
            jax.ShapeDtypeStruct((NUM_CLASSES * EMB_DIM,), jnp.float32),
            jax.ShapeDtypeStruct((2 * _NW * EMB_DIM,), jnp.float32),
        ),
        mesh=plsc.VectorSubcoreMesh(core_axis_name="c", subcore_axis_name="s",
                                    num_cores=_NC, num_subcores=_NS),
        scratch_types=[
            pltpu.VMEM((_CHUNK * EMB_DIM,), jnp.float32),
            pltpu.VMEM((_CHUNK * EMB_DIM,), jnp.float32),
            pltpu.VMEM((32 * EMB_DIM,), jnp.float32),
            pltpu.VMEM((EMB_DIM,), jnp.float32),
            pltpu.VMEM((_RPW + 16,), jnp.int32),
            pltpu.VMEM((_NW + 16,), jnp.int32),
            pltpu.SemaphoreType.DMA,
            pltpu.SemaphoreType.DMA,
            pltpu.SemaphoreType.DMA,
        ],
    )(_sc_segment_sum_body)


_QBLK = 256
_LABCHUNK = 2048


def _tc_enc_body(q_ref, w_ref, b_ref, qe_ref):
    qe_ref[...] = lax.dot_general(
        q_ref[...], w_ref[...], (((1,), (1,)), ((), ())),
        preferred_element_type=jnp.float32) + b_ref[...]


_tc_enc = pl.pallas_call(
    _tc_enc_body,
    grid=(N_QUERY // _QBLK,),
    in_specs=[
        pl.BlockSpec((_QBLK, EMB_DIM), lambda i: (i, 0)),
        pl.BlockSpec((EMB_DIM, EMB_DIM), lambda i: (0, 0)),
        pl.BlockSpec((1, EMB_DIM), lambda i: (0, 0)),
    ],
    out_specs=pl.BlockSpec((_QBLK, EMB_DIM), lambda i: (i, 0)),
    out_shape=jax.ShapeDtypeStruct((N_QUERY, EMB_DIM), jnp.float32),
)


def _tc_main_body(qe_in_ref, w_ref, b_ref, dense_ref, side_ref, bidx_ref,
                  lab_ref, out_ref, protos_ref, p2_ref):
    i = pl.program_id(0)

    @pl.when(i == 0)
    def _():
        cls = lax.broadcasted_iota(jnp.int32, (NUM_CLASSES, 1), 0)
        clsf = cls.astype(jnp.float32)
        onehot = (clsf == bidx_ref[...]).astype(jnp.float32)
        sums = dense_ref[...] + lax.dot_general(
            onehot, side_ref[...], (((1,), (0,)), ((), ())),
            preferred_element_type=jnp.float32)
        acc = jnp.zeros((NUM_CLASSES, 1), jnp.float32)
        labs = lab_ref[...]
        for r in range(N_SUPPORT // _LABCHUNK):
            row = labs[r:r + 1, :]
            acc = acc + jnp.sum((row == cls).astype(jnp.float32), axis=1,
                                keepdims=True)
        inv = 1.0 / jnp.maximum(acc, 1.0)
        pm = lax.dot_general(sums, w_ref[...], (((1,), (1,)), ((), ())),
                             preferred_element_type=jnp.float32)
        protos = pm * inv + (acc * inv) * b_ref[...]
        protos_ref[...] = protos
        ones = jnp.ones((1, EMB_DIM), jnp.float32)
        p2_ref[...] = lax.dot_general(ones, protos * protos,
                                      (((1,), (1,)), ((), ())),
                                      preferred_element_type=jnp.float32)

    qe = qe_in_ref[...]
    protos = protos_ref[...]
    cross = lax.dot_general(qe, protos, (((1,), (1,)), ((), ())),
                            preferred_element_type=jnp.float32)
    q2 = jnp.sum(qe * qe, axis=1, keepdims=True)
    d2 = q2 + p2_ref[0:1, :] - 2.0 * cross
    out_ref[...] = -jnp.sqrt(jnp.maximum(d2, 1e-12))


_tc_main = pl.pallas_call(
    _tc_main_body,
    grid=(N_QUERY // _QBLK,),
    in_specs=[
        pl.BlockSpec((_QBLK, EMB_DIM), lambda i: (i, 0)),
        pl.BlockSpec((EMB_DIM, EMB_DIM), lambda i: (0, 0)),
        pl.BlockSpec((1, EMB_DIM), lambda i: (0, 0)),
        pl.BlockSpec((NUM_CLASSES, EMB_DIM), lambda i: (0, 0)),
        pl.BlockSpec((2 * _NW, EMB_DIM), lambda i: (0, 0)),
        pl.BlockSpec((1, 2 * _NW), lambda i: (0, 0)),
        pl.BlockSpec((N_SUPPORT // _LABCHUNK, _LABCHUNK), lambda i: (0, 0)),
    ],
    out_specs=pl.BlockSpec((_QBLK, NUM_CLASSES), lambda i: (i, 0)),
    out_shape=jax.ShapeDtypeStruct((N_QUERY, NUM_CLASSES), jnp.float32),
    scratch_shapes=[
        pltpu.VMEM((NUM_CLASSES, EMB_DIM), jnp.float32),
        pltpu.VMEM((1, NUM_CLASSES), jnp.float32),
    ],
)


def kernel(query_set, support_set, support_labels, W, b):
    labels = support_labels.astype(jnp.int32)
    nextlo = jnp.concatenate(
        [labels[_RPW::_RPW],
         jnp.full((1,), NUM_CLASSES, jnp.int32)])
    b2e = b.reshape(1, EMB_DIM)
    qe = _tc_enc(query_set, W, b2e)
    dense, side = _build_sc_segment_sum()(support_set.reshape(-1), labels,
                                          nextlo)
    dense = dense.reshape(NUM_CLASSES, EMB_DIM)
    side = side.reshape(2 * _NW, EMB_DIM)
    heads = labels[::_RPW]
    tails = labels[_RPW - 1::_RPW]
    bidx = jnp.stack([heads, tails], axis=1).reshape(1, 2 * _NW)
    bidx = bidx.astype(jnp.float32)
    b2 = b.reshape(1, EMB_DIM)
    lab2d = labels.reshape(N_SUPPORT // _LABCHUNK, _LABCHUNK)
    return _tc_main(qe, W, b2, dense, side, bidx, lab2d)

# --- scband reference (transcript-rebuilt; emitter-appended) ---
"""Pipeline reference for scband-prototypical-network-74131135529939 (READ-ONLY COPY).

The authoritative reference and input builder live on the scoring server;
editing this copy changes nothing except your own understanding.
"""

import jax, jax.numpy as jnp
import numpy as np

NUM_CLASSES = 512
EMB_DIM = 512
N_SUPPORT = 16384
N_QUERY = 8192


def setup_inputs(seed: int = 0):
    key = jax.random.key(seed)
    k1, k2, k3, k4, k5 = jax.random.split(key, 5)
    query_set = jax.random.normal(k1, (N_QUERY, EMB_DIM), dtype=jnp.float32)
    support_set = jax.random.normal(k2, (N_SUPPORT, EMB_DIM), dtype=jnp.float32)
    support_labels = jnp.sort(jax.random.randint(k3, (N_SUPPORT,), 0, NUM_CLASSES, dtype=jnp.int32))
    W = jax.random.normal(k4, (EMB_DIM, EMB_DIM), dtype=jnp.float32) * (1.0 / np.sqrt(EMB_DIM))
    b = jax.random.normal(k5, (EMB_DIM,), dtype=jnp.float32) * 0.01
    return {"query_set": query_set, "support_set": support_set, "support_labels": support_labels, "W": W, "b": b}


def reference(query_set, support_set, support_labels, W, b):
    # Encoder: Linear(512, 512), applied to both query and support sets
    q_emb = query_set @ W.T + b
    s_emb = support_set @ W.T + b
    # Prototype computation = segment-mean over class labels
    sums = jax.ops.segment_sum(s_emb, support_labels, num_segments=NUM_CLASSES)
    counts = jax.ops.segment_sum(jnp.ones((s_emb.shape[0],), dtype=jnp.float32), support_labels, num_segments=NUM_CLASSES)
    prototypes = sums / jnp.maximum(counts, 1.0)[:, None]
    # Euclidean distance ||q - p||_2 via the expansion q^2 + p^2 - 2 q.p
    # (mathematically identical to torch.norm(q - p, dim=1); avoids a Q x C x D intermediate)
    q2 = jnp.sum(q_emb * q_emb, axis=1)
    p2 = jnp.sum(prototypes * prototypes, axis=1)
    d2 = q2[:, None] + p2[None, :] - 2.0 * (q_emb @ prototypes.T)
    distances = jnp.sqrt(jnp.maximum(d2, 1e-12))
    logits = -distances
    return logits

if __name__ == "__main__":
    import jax
    _d = setup_inputs()
    print(jax.jit(kernel)(*tuple(_d.values())))

</pallas_src>

<mosaic_0001>
#map = affine_map<(d0, d1) -> (0)>
module attributes {stable_mosaic.version = 14 : i64} {
  func.func @_sc_segment_sum_body(%arg0: i32, %arg1: i32, %arg2: memref<8388608xf32, #tpu.memory_space<hbm>>, %arg3: memref<16384xi32, #tpu.memory_space<hbm>>, %arg4: memref<32xi32, #tpu.memory_space<hbm>>, %arg5: memref<262144xf32, #tpu.memory_space<hbm>>, %arg6: memref<32768xf32, #tpu.memory_space<hbm>>, %arg7: memref<32768xf32, #tpu.memory_space<vmem>>, %arg8: memref<32768xf32, #tpu.memory_space<vmem>>, %arg9: memref<16384xf32, #tpu.memory_space<vmem>>, %arg10: memref<512xf32, #tpu.memory_space<vmem>>, %arg11: memref<528xi32, #tpu.memory_space<vmem>>, %arg12: memref<48xi32, #tpu.memory_space<vmem>>, %arg13: memref<!tpu.dma_semaphore, #tpu.memory_space<semaphore_mem>>, %arg14: memref<!tpu.dma_semaphore, #tpu.memory_space<semaphore_mem>>, %arg15: memref<!tpu.dma_semaphore, #tpu.memory_space<semaphore_mem>>) attributes {dimension_semantics = [#tpu.dimension_semantics<core_parallel>, #tpu.dimension_semantics<subcore_parallel>], iteration_bounds = array<i64: 2, 16>, scalar_prefetch = 0 : i64, scratch_operands = 9 : i64, tpu.core_type = #tpu.core_type<sc_vector_subcore>, window_params = [{transform_indices = #map}, {transform_indices = #map}, {transform_indices = #map}, {transform_indices = #map}, {transform_indices = #map}]} {
    %mul3A = arith.constant 16 : i32
    %mul3A_0 = arith.muli %arg0, %mul3A : i32
    %add3A = arith.addi %mul3A_0, %arg1 : i32
    %mul3A_1 = arith.constant 512 : i32
    %mul3A_2 = arith.muli %add3A, %mul3A_1 : i32
    "tpu.region"() ({
      %run_scoped3A = tpu.sem_alloc : memref<!tpu.dma_semaphore, #tpu.memory_space<semaphore_mem>>
      %dma_start3A_468 = arith.constant 0 : i32
      %dma_start3A_469 = tpu.memref_slice %arg11[%dma_start3A_468] : memref<528xi32, #tpu.memory_space<vmem>> -> memref<512xi32, #tpu.memory_space<vmem>>
      %dma_start3A_470 = tpu.memref_slice %arg3[%mul3A_2] : memref<16384xi32, #tpu.memory_space<hbm>> -> memref<512xi32, #tpu.memory_space<hbm>>
      %dma_start3A_471 = arith.constant 0 : i32
      %dma_start3A_472 = tpu.memref_slice %arg11[%dma_start3A_471] : memref<528xi32, #tpu.memory_space<vmem>> -> memref<512xi32, #tpu.memory_space<vmem>>
      %dma_start3A_473 = tpu.memref_slice %arg3[%mul3A_2] : memref<16384xi32, #tpu.memory_space<hbm>> -> memref<512xi32, #tpu.memory_space<hbm>>
      tpu.enqueue_dma source(%dma_start3A_473 : memref<512xi32, #tpu.memory_space<hbm>>) target(%dma_start3A_472 : memref<512xi32, #tpu.memory_space<vmem>>) target_semaphore(%run_scoped3A : memref<!tpu.dma_semaphore, #tpu.memory_space<semaphore_mem>>)
      %dma_wait3A = arith.constant 0 : i32
      %dma_wait3A_474 = tpu.memref_slice %arg11[%dma_wait3A] : memref<528xi32, #tpu.memory_space<vmem>> -> memref<512xi32, #tpu.memory_space<vmem>>
      %dma_wait3A_475 = tpu.memref_slice %arg3[%mul3A_2] : memref<16384xi32, #tpu.memory_space<hbm>> -> memref<512xi32, #tpu.memory_space<hbm>>
      %dma_wait3A_476 = arith.constant 0 : i32
      %dma_wait3A_477 = tpu.memref_slice %arg11[%dma_wait3A_476] : memref<528xi32, #tpu.memory_space<vmem>> -> memref<512xi32, #tpu.memory_space<vmem>>
      %dma_wait3A_478 = tpu.memref_slice %arg3[%mul3A_2] : memref<16384xi32, #tpu.memory_space<hbm>> -> memref<512xi32, #tpu.memory_space<hbm>>
      tpu.wait_dma2 semaphore(%run_scoped3A : memref<!tpu.dma_semaphore, #tpu.memory_space<semaphore_mem>>) src(%dma_wait3A_478 : memref<512xi32, #tpu.memory_space<hbm>>) dst(%dma_wait3A_477 : memref<512xi32, #tpu.memory_space<vmem>>)
      tpu.yield
    }) : () -> ()
    "tpu.region"() ({
      %run_scoped3A = tpu.sem_alloc : memref<!tpu.dma_semaphore, #tpu.memory_space<semaphore_mem>>
      %dma_start3A_468 = arith.constant 0 : i32
      %dma_start3A_469 = tpu.memref_slice %arg12[%dma_start3A_468] : memref<48xi32, #tpu.memory_space<vmem>> -> memref<32xi32, #tpu.memory_space<vmem>>
      %dma_start3A_470 = arith.constant 0 : i32
      %dma_start3A_471 = tpu.memref_slice %arg12[%dma_start3A_470] : memref<48xi32, #tpu.memory_space<vmem>> -> memref<32xi32, #tpu.memory_space<vmem>>
      tpu.enqueue_dma source(%arg4 : memref<32xi32, #tpu.memory_space<hbm>>) target(%dma_start3A_471 : memref<32xi32, #tpu.memory_space<vmem>>) target_semaphore(%run_scoped3A : memref<!tpu.dma_semaphore, #tpu.memory_space<semaphore_mem>>)
      %dma_wait3A = arith.constant 0 : i32
      %dma_wait3A_472 = tpu.memref_slice %arg12[%dma_wait3A] : memref<48xi32, #tpu.memory_space<vmem>> -> memref<32xi32, #tpu.memory_space<vmem>>
      %dma_wait3A_473 = arith.constant 0 : i32
      %dma_wait3A_474 = tpu.memref_slice %arg12[%dma_wait3A_473] : memref<48xi32, #tpu.memory_space<vmem>> -> memref<32xi32, #tpu.memory_space<vmem>>
      tpu.wait_dma2 semaphore(%run_scoped3A : memref<!tpu.dma_semaphore, #tpu.memory_space<semaphore_mem>>) src(%arg4 : memref<32xi32, #tpu.memory_space<hbm>>) dst(%dma_wait3A_474 : memref<32xi32, #tpu.memory_space<vmem>>)
      tpu.yield
    }) : () -> ()
    %broadcast_in_dim3A = arith.constant 0.000000e+00 : f32
    %broadcast_in_dim3A_3 = vector.broadcast %broadcast_in_dim3A : f32 to vector<16xf32>
    %swap3A = arith.constant 0 : index
    %swap3A_4 = tpu.vector_load %arg10[%swap3A] {strides = array<i32>} : memref<512xf32, #tpu.memory_space<vmem>>, vector<16xf32>,
    %swap3A_5 = vector.shape_cast %swap3A_4 : vector<16xf32> to vector<16xf32>
    %swap3A_6 = vector.shape_cast %broadcast_in_dim3A_3 : vector<16xf32> to vector<16xf32>
    tpu.vector_store %arg10[%swap3A], %swap3A_6 {strides = array<i32>} : memref<512xf32, #tpu.memory_space<vmem>>, vector<16xf32>,
    %broadcast_in_dim3A_7 = arith.constant 0.000000e+00 : f32
    %broadcast_in_dim3A_8 = vector.broadcast %broadcast_in_dim3A_7 : f32 to vector<16xf32>
    %swap3A_9 = arith.constant 16 : index
    %swap3A_10 = tpu.vector_load %arg10[%swap3A_9] {strides = array<i32>} : memref<512xf32, #tpu.memory_space<vmem>>, vector<16xf32>,
    %swap3A_11 = vector.shape_cast %swap3A_10 : vector<16xf32> to vector<16xf32>
    %swap3A_12 = vector.shape_cast %broadcast_in_dim3A_8 : vector<16xf32> to vector<16xf32>
    tpu.vector_store %arg10[%swap3A_9], %swap3A_12 {strides = array<i32>} : memref<512xf32, #tpu.memory_space<vmem>>, vector<16xf32>,
    %broadcast_in_dim3A_13 = arith.constant 0.000000e+00 : f32
    %broadcast_in_dim3A_14 = vector.broadcast %broadcast_in_dim3A_13 : f32 to vector<16xf32>
    %swap3A_15 = arith.constant 32 : index
    %swap3A_16 = tpu.vector_load %arg10[%swap3A_15] {strides = array<i32>} : memref<512xf32, #tpu.memory_space<vmem>>, vector<16xf32>,
    %swap3A_17 = vector.shape_cast %swap3A_16 : vector<16xf32> to vector<16xf32>
    %swap3A_18 = vector.shape_cast %broadcast_in_dim3A_14 : vector<16xf32> to vector<16xf32>
    tpu.vector_store %arg10[%swap3A_15], %swap3A_18 {strides = array<i32>} : memref<512xf32, #tpu.memory_space<vmem>>, vector<16xf32>,
    %broadcast_in_dim3A_19 = arith.constant 0.000000e+00 : f32
    %broadcast_in_dim3A_20 = vector.broadcast %broadcast_in_dim3A_19 : f32 to vector<16xf32>
    %swap3A_21 = arith.constant 48 : index
    %swap3A_22 = tpu.vector_load %arg10[%swap3A_21] {strides = array<i32>} : memref<512xf32, #tpu.memory_space<vmem>>, vector<16xf32>,
    %swap3A_23 = vector.shape_cast %swap3A_22 : vector<16xf32> to vector<16xf32>
    %swap3A_24 = vector.shape_cast %broadcast_in_dim3A_20 : vector<16xf32> to vector<16xf32>
    tpu.vector_store %arg10[%swap3A_21], %swap3A_24 {strides = array<i32>} : memref<512xf32, #tpu.memory_space<vmem>>, vector<16xf32>,
    %broadcast_in_dim3A_25 = arith.constant 0.000000e+00 : f32
    %broadcast_in_dim3A_26 = vector.broadcast %broadcast_in_dim3A_25 : f32 to vector<16xf32>
    %swap3A_27 = arith.constant 64 : index
    %swap3A_28 = tpu.vector_load %arg10[%swap3A_27] {strides = array<i32>} : memref<512xf32, #tpu.memory_space<vmem>>, vector<16xf32>,
    %swap3A_29 = vector.shape_cast %swap3A_28 : vector<16xf32> to vector<16xf32>
    %swap3A_30 = vector.shape_cast %broadcast_in_dim3A_26 : vector<16xf32> to vector<16xf32>
    tpu.vector_store %arg10[%swap3A_27], %swap3A_30 {strides = array<i32>} : memref<512xf32, #tpu.memory_space<vmem>>, vector<16xf32>,
    %broadcast_in_dim3A_31 = arith.constant 0.000000e+00 : f32
    %broadcast_in_dim3A_32 = vector.broadcast %broadcast_in_dim3A_31 : f32 to vector<16xf32>
    %swap3A_33 = arith.constant 80 : index
    %swap3A_34 = tpu.vector_load %arg10[%swap3A_33] {strides = array<i32>} : memref<512xf32, #tpu.memory_space<vmem>>, vector<16xf32>,
    %swap3A_35 = vector.shape_cast %swap3A_34 : vector<16xf32> to vector<16xf32>
    %swap3A_36 = vector.shape_cast %broadcast_in_dim3A_32 : vector<16xf32> to vector<16xf32>
    tpu.vector_store %arg10[%swap3A_33], %swap3A_36 {strides = array<i32>} : memref<512xf32, #tpu.memory_space<vmem>>, vector<16xf32>,
    %broadcast_in_dim3A_37 = arith.constant 0.000000e+00 : f32
    %broadcast_in_dim3A_38 = vector.broadcast %broadcast_in_dim3A_37 : f32 to vector<16xf32>
    %swap3A_39 = arith.constant 96 : index
    %swap3A_40 = tpu.vector_load %arg10[%swap3A_39] {strides = array<i32>} : memref<512xf32, #tpu.memory_space<vmem>>, vector<16xf32>,
    %swap3A_41 = vector.shape_cast %swap3A_40 : vector<16xf32> to vector<16xf32>
    %swap3A_42 = vector.shape_cast %broadcast_in_dim3A_38 : vector<16xf32> to vector<16xf32>
    tpu.vector_store %arg10[%swap3A_39], %swap3A_42 {strides = array<i32>} : memref<512xf32, #tpu.memory_space<vmem>>, vector<16xf32>,
    %broadcast_in_dim3A_43 = arith.constant 0.000000e+00 : f32
    %broadcast_in_dim3A_44 = vector.broadcast %broadcast_in_dim3A_43 : f32 to vector<16xf32>
    %swap3A_45 = arith.constant 112 : index
    %swap3A_46 = tpu.vector_load %arg10[%swap3A_45] {strides = array<i32>} : memref<512xf32, #tpu.memory_space<vmem>>, vector<16xf32>,
    %swap3A_47 = vector.shape_cast %swap3A_46 : vector<16xf32> to vector<16xf32>
    %swap3A_48 = vector.shape_cast %broadcast_in_dim3A_44 : vector<16xf32> to vector<16xf32>
    tpu.vector_store %arg10[%swap3A_45], %swap3A_48 {strides = array<i32>} : memref<512xf32, #tpu.memory_space<vmem>>, vector<16xf32>,
    %broadcast_in_dim3A_49 = arith.constant 0.000000e+00 : f32
    %broadcast_in_dim3A_50 = vector.broadcast %broadcast_in_dim3A_49 : f32 to vector<16xf32>
    %swap3A_51 = arith.constant 128 : index
    %swap3A_52 = tpu.vector_load %arg10[%swap3A_51] {strides = array<i32>} : memref<512xf32, #tpu.memory_space<vmem>>, vector<16xf32>,
    %swap3A_53 = vector.shape_cast %swap3A_52 : vector<16xf32> to vector<16xf32>
    %swap3A_54 = vector.shape_cast %broadcast_in_dim3A_50 : vector<16xf32> to vector<16xf32>
    tpu.vector_store %arg10[%swap3A_51], %swap3A_54 {strides = array<i32>} : memref<512xf32, #tpu.memory_space<vmem>>, vector<16xf32>,
    %broadcast_in_dim3A_55 = arith.constant 0.000000e+00 : f32
    %broadcast_in_dim3A_56 = vector.broadcast %broadcast_in_dim3A_55 : f32 to vector<16xf32>
    %swap3A_57 = arith.constant 144 : index
    %swap3A_58 = tpu.vector_load %arg10[%swap3A_57] {strides = array<i32>} : memref<512xf32, #tpu.memory_space<vmem>>, vector<16xf32>,
    %swap3A_59 = vector.shape_cast %swap3A_58 : vector<16xf32> to vector<16xf32>
    %swap3A_60 = vector.shape_cast %broadcast_in_dim3A_56 : vector<16xf32> to vector<16xf32>
    tpu.vector_store %arg10[%swap3A_57], %swap3A_60 {strides = array<i32>} : memref<512xf32, #tpu.memory_space<vmem>>, vector<16xf32>,
    %broadcast_in_dim3A_61 = arith.constant 0.000000e+00 : f32
    %broadcast_in_dim3A_62 = vector.broadcast %broadcast_in_dim3A_61 : f32 to vector<16xf32>
    %swap3A_63 = arith.constant 160 : index
    %swap3A_64 = tpu.vector_load %arg10[%swap3A_63] {strides = array<i32>} : memref<512xf32, #tpu.memory_space<vmem>>, vector<16xf32>,
    %swap3A_65 = vector.shape_cast %swap3A_64 : vector<16xf32> to vector<16xf32>
    %swap3A_66 = vector.shape_cast %broadcast_in_dim3A_62 : vector<16xf32> to vector<16xf32>
    tpu.vector_store %arg10[%swap3A_63], %swap3A_66 {strides = array<i32>} : memref<512xf32, #tpu.memory_space<vmem>>, vector<16xf32>,
    %broadcast_in_dim3A_67 = arith.constant 0.000000e+00 : f32
    %broadcast_in_dim3A_68 = vector.broadcast %broadcast_in_dim3A_67 : f32 to vector<16xf32>
    %swap3A_69 = arith.constant 176 : index
    %swap3A_70 = tpu.vector_load %arg10[%swap3A_69] {strides = array<i32>} : memref<512xf32, #tpu.memory_space<vmem>>, vector<16xf32>,
    %swap3A_71 = vector.shape_cast %swap3A_70 : vector<16xf32> to vector<16xf32>
    %swap3A_72 = vector.shape_cast %broadcast_in_dim3A_68 : vector<16xf32> to vector<16xf32>
    tpu.vector_store %arg10[%swap3A_69], %swap3A_72 {strides = array<i32>} : memref<512xf32, #tpu.memory_space<vmem>>, vector<16xf32>,
    %broadcast_in_dim3A_73 = arith.constant 0.000000e+00 : f32
    %broadcast_in_dim3A_74 = vector.broadcast %broadcast_in_dim3A_73 : f32 to vector<16xf32>
    %swap3A_75 = arith.constant 192 : index
    %swap3A_76 = tpu.vector_load %arg10[%swap3A_75] {strides = array<i32>} : memref<512xf32, #tpu.memory_space<vmem>>, vector<16xf32>,
    %swap3A_77 = vector.shape_cast %swap3A_76 : vector<16xf32> to vector<16xf32>
    %swap3A_78 = vector.shape_cast %broadcast_in_dim3A_74 : vector<16xf32> to vector<16xf32>
    tpu.vector_store %arg10[%swap3A_75], %swap3A_78 {strides = array<i32>} : memref<512xf32, #tpu.memory_space<vmem>>, vector<16xf32>,
    %broadcast_in_dim3A_79 = arith.constant 0.000000e+00 : f32
    %broadcast_in_dim3A_80 = vector.broadcast %broadcast_in_dim3A_79 : f32 to vector<16xf32>
    %swap3A_81 = arith.constant 208 : index
    %swap3A_82 = tpu.vector_load %arg10[%swap3A_81] {strides = array<i32>} : memref<512xf32, #tpu.memory_space<vmem>>, vector<16xf32>,
    %swap3A_83 = vector.shape_cast %swap3A_82 : vector<16xf32> to vector<16xf32>
    %swap3A_84 = vector.shape_cast %broadcast_in_dim3A_80 : vector<16xf32> to vector<16xf32>
    tpu.vector_store %arg10[%swap3A_81], %swap3A_84 {strides = array<i32>} : memref<512xf32, #tpu.memory_space<vmem>>, vector<16xf32>,
    %broadcast_in_dim3A_85 = arith.constant 0.000000e+00 : f32
    %broadcast_in_dim3A_86 = vector.broadcast %broadcast_in_dim3A_85 : f32 to vector<16xf32>
    %swap3A_87 = arith.constant 224 : index
    %swap3A_88 = tpu.vector_load %arg10[%swap3A_87] {strides = array<i32>} : memref<512xf32, #tpu.memory_space<vmem>>, vector<16xf32>,
    %swap3A_89 = vector.shape_cast %swap3A_88 : vector<16xf32> to vector<16xf32>
    %swap3A_90 = vector.shape_cast %broadcast_in_dim3A_86 : vector<16xf32> to vector<16xf32>
    tpu.vector_store %arg10[%swap3A_87], %swap3A_90 {strides = array<i32>} : memref<512xf32, #tpu.memory_space<vmem>>, vector<16xf32>,
    %broadcast_in_dim3A_91 = arith.constant 0.000000e+00 : f32
    %broadcast_in_dim3A_92 = vector.broadcast %broadcast_in_dim3A_91 : f32 to vector<16xf32>
    %swap3A_93 = arith.constant 240 : index
    %swap3A_94 = tpu.vector_load %arg10[%swap3A_93] {strides = array<i32>} : memref<512xf32, #tpu.memory_space<vmem>>, vector<16xf32>,
    %swap3A_95 = vector.shape_cast %swap3A_94 : vector<16xf32> to vector<16xf32>
    %swap3A_96 = vector.shape_cast %broadcast_in_dim3A_92 : vector<16xf32> to vector<16xf32>
    tpu.vector_store %arg10[%swap3A_93], %swap3A_96 {strides = array<i32>} : memref<512xf32, #tpu.memory_space<vmem>>, vector<16xf32>,
    %broadcast_in_dim3A_97 = arith.constant 0.000000e+00 : f32
    %broadcast_in_dim3A_98 = vector.broadcast %broadcast_in_dim3A_97 : f32 to vector<16xf32>
    %swap3A_99 = arith.constant 256 : index
    %swap3A_100 = tpu.vector_load %arg10[%swap3A_99] {strides = array<i32>} : memref<512xf32, #tpu.memory_space<vmem>>, vector<16xf32>,
    %swap3A_101 = vector.shape_cast %swap3A_100 : vector<16xf32> to vector<16xf32>
    %swap3A_102 = vector.shape_cast %broadcast_in_dim3A_98 : vector<16xf32> to vector<16xf32>
    tpu.vector_store %arg10[%swap3A_99], %swap3A_102 {strides = array<i32>} : memref<512xf32, #tpu.memory_space<vmem>>, vector<16xf32>,
    %broadcast_in_dim3A_103 = arith.constant 0.000000e+00 : f32
    %broadcast_in_dim3A_104 = vector.broadcast %broadcast_in_dim3A_103 : f32 to vector<16xf32>
    %swap3A_105 = arith.constant 272 : index
    %swap3A_106 = tpu.vector_load %arg10[%swap3A_105] {strides = array<i32>} : memref<512xf32, #tpu.memory_space<vmem>>, vector<16xf32>,
    %swap3A_107 = vector.shape_cast %swap3A_106 : vector<16xf32> to vector<16xf32>
    %swap3A_108 = vector.shape_cast %broadcast_in_dim3A_104 : vector<16xf32> to vector<16xf32>
    tpu.vector_store %arg10[%swap3A_105], %swap3A_108 {strides = array<i32>} : memref<512xf32, #tpu.memory_space<vmem>>, vector<16xf32>,
    %broadcast_in_dim3A_109 = arith.constant 0.000000e+00 : f32
    %broadcast_in_dim3A_110 = vector.broadcast %broadcast_in_dim3A_109 : f32 to vector<16xf32>
    %swap3A_111 = arith.constant 288 : index
    %swap3A_112 = tpu.vector_load %arg10[%swap3A_111] {strides = array<i32>} : memref<512xf32, #tpu.memory_space<vmem>>, vector<16xf32>,
    %swap3A_113 = vector.shape_cast %swap3A_112 : vector<16xf32> to vector<16xf32>
    %swap3A_114 = vector.shape_cast %broadcast_in_dim3A_110 : vector<16xf32> to vector<16xf32>
    tpu.vector_store %arg10[%swap3A_111], %swap3A_114 {strides = array<i32>} : memref<512xf32, #tpu.memory_space<vmem>>, vector<16xf32>,
    %broadcast_in_dim3A_115 = arith.constant 0.000000e+00 : f32
    %broadcast_in_dim3A_116 = vector.broadcast %broadcast_in_dim3A_115 : f32 to vector<16xf32>
    %swap3A_117 = arith.constant 304 : index
    %swap3A_118 = tpu.vector_load %arg10[%swap3A_117] {strides = array<i32>} : memref<512xf32, #tpu.memory_space<vmem>>, vector<16xf32>,
    %swap3A_119 = vector.shape_cast %swap3A_118 : vector<16xf32> to vector<16xf32>
    %swap3A_120 = vector.shape_cast %broadcast_in_dim3A_116 : vector<16xf32> to vector<16xf32>
    tpu.vector_store %arg10[%swap3A_117], %swap3A_120 {strides = array<i32>} : memref<512xf32, #tpu.memory_space<vmem>>, vector<16xf32>,
    %broadcast_in_dim3A_121 = arith.constant 0.000000e+00 : f32
    %broadcast_in_dim3A_122 = vector.broadcast %broadcast_in_dim3A_121 : f32 to vector<16xf32>
    %swap3A_123 = arith.constant 320 : index
    %swap3A_124 = tpu.vector_load %arg10[%swap3A_123] {strides = array<i32>} : memref<512xf32, #tpu.memory_space<vmem>>, vector<16xf32>,
    %swap3A_125 = vector.shape_cast %swap3A_124 : vector<16xf32> to vector<16xf32>
    %swap3A_126 = vector.shape_cast %broadcast_in_dim3A_122 : vector<16xf32> to vector<16xf32>
    tpu.vector_store %arg10[%swap3A_123], %swap3A_126 {strides = array<i32>} : memref<512xf32, #tpu.memory_space<vmem>>, vector<16xf32>,
    %broadcast_in_dim3A_127 = arith.constant 0.000000e+00 : f32
    %broadcast_in_dim3A_128 = vector.broadcast %broadcast_in_dim3A_127 : f32 to vector<16xf32>
    %swap3A_129 = arith.constant 336 : index
    %swap3A_130 = tpu.vector_load %arg10[%swap3A_129] {strides = array<i32>} : memref<512xf32, #tpu.memory_space<vmem>>, vector<16xf32>,
    %swap3A_131 = vector.shape_cast %swap3A_130 : vector<16xf32> to vector<16xf32>
    %swap3A_132 = vector.shape_cast %broadcast_in_dim3A_128 : vector<16xf32> to vector<16xf32>
    tpu.vector_store %arg10[%swap3A_129], %swap3A_132 {strides = array<i32>} : memref<512xf32, #tpu.memory_space<vmem>>, vector<16xf32>,
    %broadcast_in_dim3A_133 = arith.constant 0.000000e+00 : f32
    %broadcast_in_dim3A_134 = vector.broadcast %broadcast_in_dim3A_133 : f32 to vector<16xf32>
    %swap3A_135 = arith.constant 352 : index
    %swap3A_136 = tpu.vector_load %arg10[%swap3A_135] {strides = array<i32>} : memref<512xf32, #tpu.memory_space<vmem>>, vector<16xf32>,
    %swap3A_137 = vector.shape_cast %swap3A_136 : vector<16xf32> to vector<16xf32>
    %swap3A_138 = vector.shape_cast %broadcast_in_dim3A_134 : vector<16xf32> to vector<16xf32>
    tpu.vector_store %arg10[%swap3A_135], %swap3A_138 {strides = array<i32>} : memref<512xf32, #tpu.memory_space<vmem>>, vector<16xf32>,
    %broadcast_in_dim3A_139 = arith.constant 0.000000e+00 : f32
    %broadcast_in_dim3A_140 = vector.broadcast %broadcast_in_dim3A_139 : f32 to vector<16xf32>
    %swap3A_141 = arith.constant 368 : index
    %swap3A_142 = tpu.vector_load %arg10[%swap3A_141] {strides = array<i32>} : memref<512xf32, #tpu.memory_space<vmem>>, vector<16xf32>,
    %swap3A_143 = vector.shape_cast %swap3A_142 : vector<16xf32> to vector<16xf32>
    %swap3A_144 = vector.shape_cast %broadcast_in_dim3A_140 : vector<16xf32> to vector<16xf32>
    tpu.vector_store %arg10[%swap3A_141], %swap3A_144 {strides = array<i32>} : memref<512xf32, #tpu.memory_space<vmem>>, vector<16xf32>,
    %broadcast_in_dim3A_145 = arith.constant 0.000000e+00 : f32
    %broadcast_in_dim3A_146 = vector.broadcast %broadcast_in_dim3A_145 : f32 to vector<16xf32>
    %swap3A_147 = arith.constant 384 : index
    %swap3A_148 = tpu.vector_load %arg10[%swap3A_147] {strides = array<i32>} : memref<512xf32, #tpu.memory_space<vmem>>, vector<16xf32>,
    %swap3A_149 = vector.shape_cast %swap3A_148 : vector<16xf32> to vector<16xf32>
    %swap3A_150 = vector.shape_cast %broadcast_in_dim3A_146 : vector<16xf32> to vector<16xf32>
    tpu.vector_store %arg10[%swap3A_147], %swap3A_150 {strides = array<i32>} : memref<512xf32, #tpu.memory_space<vmem>>, vector<16xf32>,
    %broadcast_in_dim3A_151 = arith.constant 0.000000e+00 : f32
    %broadcast_in_dim3A_152 = vector.broadcast %broadcast_in_dim3A_151 : f32 to vector<16xf32>
    %swap3A_153 = arith.constant 400 : index
    %swap3A_154 = tpu.vector_load %arg10[%swap3A_153] {strides = array<i32>} : memref<512xf32, #tpu.memory_space<vmem>>, vector<16xf32>,
    %swap3A_155 = vector.shape_cast %swap3A_154 : vector<16xf32> to vector<16xf32>
    %swap3A_156 = vector.shape_cast %broadcast_in_dim3A_152 : vector<16xf32> to vector<16xf32>
    tpu.vector_store %arg10[%swap3A_153], %swap3A_156 {strides = array<i32>} : memref<512xf32, #tpu.memory_space<vmem>>, vector<16xf32>,
    %broadcast_in_dim3A_157 = arith.constant 0.000000e+00 : f32
    %broadcast_in_dim3A_158 = vector.broadcast %broadcast_in_dim3A_157 : f32 to vector<16xf32>
    %swap3A_159 = arith.constant 416 : index
    %swap3A_160 = tpu.vector_load %arg10[%swap3A_159] {strides = array<i32>} : memref<512xf32, #tpu.memory_space<vmem>>, vector<16xf32>,
    %swap3A_161 = vector.shape_cast %swap3A_160 : vector<16xf32> to vector<16xf32>
    %swap3A_162 = vector.shape_cast %broadcast_in_dim3A_158 : vector<16xf32> to vector<16xf32>
    tpu.vector_store %arg10[%swap3A_159], %swap3A_162 {strides = array<i32>} : memref<512xf32, #tpu.memory_space<vmem>>, vector<16xf32>,
    %broadcast_in_dim3A_163 = arith.constant 0.000000e+00 : f32
    %broadcast_in_dim3A_164 = vector.broadcast %broadcast_in_dim3A_163 : f32 to vector<16xf32>
    %swap3A_165 = arith.constant 432 : index
    %swap3A_166 = tpu.vector_load %arg10[%swap3A_165] {strides = array<i32>} : memref<512xf32, #tpu.memory_space<vmem>>, vector<16xf32>,
    %swap3A_167 = vector.shape_cast %swap3A_166 : vector<16xf32> to vector<16xf32>
    %swap3A_168 = vector.shape_cast %broadcast_in_dim3A_164 : vector<16xf32> to vector<16xf32>
    tpu.vector_store %arg10[%swap3A_165], %swap3A_168 {strides = array<i32>} : memref<512xf32, #tpu.memory_space<vmem>>, vector<16xf32>,
    %broadcast_in_dim3A_169 = arith.constant 0.000000e+00 : f32
    %broadcast_in_dim3A_170 = vector.broadcast %broadcast_in_dim3A_169 : f32 to vector<16xf32>
    %swap3A_171 = arith.constant 448 : index
    %swap3A_172 = tpu.vector_load %arg10[%swap3A_171] {strides = array<i32>} : memref<512xf32, #tpu.memory_space<vmem>>, vector<16xf32>,
    %swap3A_173 = vector.shape_cast %swap3A_172 : vector<16xf32> to vector<16xf32>
    %swap3A_174 = vector.shape_cast %broadcast_in_dim3A_170 : vector<16xf32> to vector<16xf32>
    tpu.vector_store %arg10[%swap3A_171], %swap3A_174 {strides = array<i32>} : memref<512xf32, #tpu.memory_space<vmem>>, vector<16xf32>,
    %broadcast_in_dim3A_175 = arith.constant 0.000000e+00 : f32
    %broadcast_in_dim3A_176 = vector.broadcast %broadcast_in_dim3A_175 : f32 to vector<16xf32>
    %swap3A_177 = arith.constant 464 : index
    %swap3A_178 = tpu.vector_load %arg10[%swap3A_177] {strides = array<i32>} : memref<512xf32, #tpu.memory_space<vmem>>, vector<16xf32>,
    %swap3A_179 = vector.shape_cast %swap3A_178 : vector<16xf32> to vector<16xf32>
    %swap3A_180 = vector.shape_cast %broadcast_in_dim3A_176 : vector<16xf32> to vector<16xf32>
    tpu.vector_store %arg10[%swap3A_177], %swap3A_180 {strides = array<i32>} : memref<512xf32, #tpu.memory_space<vmem>>, vector<16xf32>,
    %broadcast_in_dim3A_181 = arith.constant 0.000000e+00 : f32
    %broadcast_in_dim3A_182 = vector.broadcast %broadcast_in_dim3A_181 : f32 to vector<16xf32>
    %swap3A_183 = arith.constant 480 : index
    %swap3A_184 = tpu.vector_load %arg10[%swap3A_183] {strides = array<i32>} : memref<512xf32, #tpu.memory_space<vmem>>, vector<16xf32>,
    %swap3A_185 = vector.shape_cast %swap3A_184 : vector<16xf32> to vector<16xf32>
    %swap3A_186 = vector.shape_cast %broadcast_in_dim3A_182 : vector<16xf32> to vector<16xf32>
    tpu.vector_store %arg10[%swap3A_183], %swap3A_186 {strides = array<i32>} : memref<512xf32, #tpu.memory_space<vmem>>, vector<16xf32>,
    %broadcast_in_dim3A_187 = arith.constant 0.000000e+00 : f32
    %broadcast_in_dim3A_188 = vector.broadcast %broadcast_in_dim3A_187 : f32 to vector<16xf32>
    %swap3A_189 = arith.constant 496 : index
    %swap3A_190 = tpu.vector_load %arg10[%swap3A_189] {strides = array<i32>} : memref<512xf32, #tpu.memory_space<vmem>>, vector<16xf32>,
    %swap3A_191 = vector.shape_cast %swap3A_190 : vector<16xf32> to vector<16xf32>
    %swap3A_192 = vector.shape_cast %broadcast_in_dim3A_188 : vector<16xf32> to vector<16xf32>
    tpu.vector_store %arg10[%swap3A_189], %swap3A_192 {strides = array<i32>} : memref<512xf32, #tpu.memory_space<vmem>>, vector<16xf32>,
    %get3A = arith.constant 0 : index
    %get3A_193 = tpu.vector_load %arg11[%get3A] {strides = array<i32>} : memref<528xi32, #tpu.memory_space<vmem>>, vector<16xi32>,
    %get3A_194 = vector.shape_cast %get3A_193 : vector<16xi32> to vector<16xi32>
    %slice3A = vector.extract_strided_slice %get3A_194 {offsets = [0], sizes = [1], strides = [1]} : vector<16xi32> to vector<1xi32>
    %squeeze3A = vector.extract %slice3A[0] : i32 from vector<1xi32>
    %get3A_195 = arith.index_cast %add3A : i32 to index
    %get3A_196 = tpu.vector_load %arg12[%get3A_195] {strides = array<i32>} : memref<48xi32, #tpu.memory_space<vmem>>, vector<16xi32>,
    %get3A_197 = vector.shape_cast %get3A_196 : vector<16xi32> to vector<16xi32>
    %slice3A_198 = vector.extract_strided_slice %get3A_197 {offsets = [0], sizes = [1], strides = [1]} : vector<16xi32> to vector<1xi32>
    %squeeze3A_199 = vector.extract %slice3A_198[0] : i32 from vector<1xi32>
    %eq3A = arith.constant 0 : i32
    %eq3A_200 = arith.cmpi eq, %add3A, %eq3A : i32
    %convert_element_type3A = arith.extui %eq3A_200 : i1 to i32
    %cond3A = arith.constant 0 : i32
    %cond3A_201 = arith.cmpi ne, %convert_element_type3A, %cond3A : i32
    scf.if %cond3A_201 {
      %while3A_468 = arith.constant 0 : i32
      %while3A_469 = arith.constant 0 : i32
      %while3A_470 = arith.subi %squeeze3A, %while3A_468 : i32
      %while3A_471 = arith.addi %while3A_468, %while3A_470 : i32
      %while3A_472 = arith.constant 1 : i32
      %while3A_473 = arith.divsi %while3A_470, %while3A_472 : i32
      %while3A_474 = arith.muli %while3A_473, %while3A_472 : i32
      %while3A_475 = arith.addi %while3A_468, %while3A_474 : i32
      %while3A_476 = arith.constant 1 : i32
      %while3A_477 = scf.for %while3A_480 = %while3A_468 to %while3A_475 step %while3A_476 iter_args(%while3A_481 = %while3A_469) -> (i32)  : i32 {
        %mul3A_482 = arith.constant 512 : i32
        %mul3A_483 = arith.muli %while3A_480, %mul3A_482 : i32
        %dma_start3A_484 = tpu.memref_slice %arg5[%mul3A_483] : memref<262144xf32, #tpu.memory_space<hbm>> -> memref<512xf32, #tpu.memory_space<hbm>>
        %dma_start3A_485 = tpu.memref_slice %arg5[%mul3A_483] : memref<262144xf32, #tpu.memory_space<hbm>> -> memref<512xf32, #tpu.memory_space<hbm>>
        tpu.enqueue_dma source(%arg10 : memref<512xf32, #tpu.memory_space<vmem>>) target(%dma_start3A_485 : memref<512xf32, #tpu.memory_space<hbm>>) target_semaphore(%arg15 : memref<!tpu.dma_semaphore, #tpu.memory_space<semaphore_mem>>)
        %while3A_486 = arith.constant 0 : i32
        scf.yield %while3A_486 : i32
      }
      %while3A_478 = arith.constant 1 : i32
      %while3A_479 = scf.for %while3A_480 = %while3A_475 to %while3A_471 step %while3A_478 iter_args(%while3A_481 = %while3A_477) -> (i32)  : i32 {
        %mul3A_482 = arith.constant 512 : i32
        %mul3A_483 = arith.muli %while3A_480, %mul3A_482 : i32
        %dma_start3A_484 = tpu.memref_slice %arg5[%mul3A_483] : memref<262144xf32, #tpu.memory_space<hbm>> -> memref<512xf32, #tpu.memory_space<hbm>>
        %dma_start3A_485 = tpu.memref_slice %arg5[%mul3A_483] : memref<262144xf32, #tpu.memory_space<hbm>> -> memref<512xf32, #tpu.memory_space<hbm>>
        tpu.enqueue_dma source(%arg10 : memref<512xf32, #tpu.memory_space<vmem>>) target(%dma_start3A_485 : memref<512xf32, #tpu.memory_space<hbm>>) target_semaphore(%arg15 : memref<!tpu.dma_semaphore, #tpu.memory_space<semaphore_mem>>)
        %while3A_486 = arith.constant 0 : i32
        scf.yield %while3A_486 : i32
      }
    } else {
    }
    %broadcast_in_dim3A_202 = arith.constant 0.000000e+00 : f32
    %broadcast_in_dim3A_203 = vector.broadcast %broadcast_in_dim3A_202 : f32 to vector<16xf32>
    %add3A_204 = arith.constant 0 : i32
    %add3A_205 = arith.addi %mul3A_2, %add3A_204 : i32
    %mul3A_206 = arith.constant 512 : i32
    %mul3A_207 = arith.muli %add3A_205, %mul3A_206 : i32
    %dma_start3A = tpu.memref_slice %arg2[%mul3A_207] : memref<8388608xf32, #tpu.memory_space<hbm>> -> memref<32768xf32, #tpu.memory_space<hbm>>
    %dma_start3A_208 = tpu.memref_slice %arg2[%mul3A_207] : memref<8388608xf32, #tpu.memory_space<hbm>> -> memref<32768xf32, #tpu.memory_space<hbm>>
    tpu.enqueue_dma source(%dma_start3A_208 : memref<32768xf32, #tpu.memory_space<hbm>>) target(%arg7 : memref<32768xf32, #tpu.memory_space<vmem>>) target_semaphore(%arg13 : memref<!tpu.dma_semaphore, #tpu.memory_space<semaphore_mem>>)
    %eq3A_209 = arith.constant 0 : i32
    %eq3A_210 = arith.cmpi eq, %add3A, %eq3A_209 : i32
    %jit3A = arith.constant 0 : i32
    %select_n3A = arith.select %eq3A_210, %squeeze3A, %jit3A : i32
    %scan3A = arith.constant 0 : i32
    %scan3A_211 = arith.constant 4 : i32
    %scan3A_212 = arith.addi %scan3A, %scan3A_211 : i32
    %scan3A_213 = arith.constant 1 : i32
    %scan3A_214:34 = scf.for %scan3A_468 = %scan3A to %scan3A_212 step %scan3A_213 iter_args(%scan3A_469 = %squeeze3A, %scan3A_470 = %select_n3A, %scan3A_471 = %broadcast_in_dim3A_203, %scan3A_472 = %broadcast_in_dim3A_203, %scan3A_473 = %broadcast_in_dim3A_203, %scan3A_474 = %broadcast_in_dim3A_203, %scan3A_475 = %broadcast_in_dim3A_203, %scan3A_476 = %broadcast_in_dim3A_203, %scan3A_477 = %broadcast_in_dim3A_203, %scan3A_478 = %broadcast_in_dim3A_203, %scan3A_479 = %broadcast_in_dim3A_203, %scan3A_480 = %broadcast_in_dim3A_203, %scan3A_481 = %broadcast_in_dim3A_203, %scan3A_482 = %broadcast_in_dim3A_203, %scan3A_483 = %broadcast_in_dim3A_203, %scan3A_484 = %broadcast_in_dim3A_203, %scan3A_485 = %broadcast_in_dim3A_203, %scan3A_486 = %broadcast_in_dim3A_203, %scan3A_487 = %broadcast_in_dim3A_203, %scan3A_488 = %broadcast_in_dim3A_203, %scan3A_489 = %broadcast_in_dim3A_203, %scan3A_490 = %broadcast_in_dim3A_203, %scan3A_491 = %broadcast_in_dim3A_203, %scan3A_492 = %broadcast_in_dim3A_203, %scan3A_493 = %broadcast_in_dim3A_203, %scan3A_494 = %broadcast_in_dim3A_203, %scan3A_495 = %broadcast_in_dim3A_203, %scan3A_496 = %broadcast_in_dim3A_203, %scan3A_497 = %broadcast_in_dim3A_203, %scan3A_498 = %broadcast_in_dim3A_203, %scan3A_499 = %broadcast_in_dim3A_203, %scan3A_500 = %broadcast_in_dim3A_203, %scan3A_501 = %broadcast_in_dim3A_203, %scan3A_502 = %broadcast_in_dim3A_203) -> (i32, i32, vector<16xf32>, vector<16xf32>, vector<16xf32>, vector<16xf32>, vector<16xf32>, vector<16xf32>, vector<16xf32>, vector<16xf32>, vector<16xf32>, vector<16xf32>, vector<16xf32>, vector<16xf32>, vector<16xf32>, vector<16xf32>, vector<16xf32>, vector<16xf32>, vector<16xf32>, vector<16xf32>, vector<16xf32>, vector<16xf32>, vector<16xf32>, vector<16xf32>, vector<16xf32>, vector<16xf32>, vector<16xf32>, vector<16xf32>, vector<16xf32>, vector<16xf32>, vector<16xf32>, vector<16xf32>, vector<16xf32>, vector<16xf32>)  : i32 {
      %mul3A_503 = arith.constant 2 : i32
      %mul3A_504 = arith.muli %mul3A_503, %scan3A_468 : i32
      %dma_wait3A = arith.constant 0 : i32
      %dma_wait3A_505 = tpu.memref_slice %arg2[%dma_wait3A] : memref<8388608xf32, #tpu.memory_space<hbm>> -> memref<32768xf32, #tpu.memory_space<hbm>>
      %dma_wait3A_506 = arith.constant 0 : i32
      %dma_wait3A_507 = tpu.memref_slice %arg2[%dma_wait3A_506] : memref<8388608xf32, #tpu.memory_space<hbm>> -> memref<32768xf32, #tpu.memory_space<hbm>>
      tpu.wait_dma2 semaphore(%arg13 : memref<!tpu.dma_semaphore, #tpu.memory_space<semaphore_mem>>) src(%dma_wait3A_507 : memref<32768xf32, #tpu.memory_space<hbm>>) dst(%arg7 : memref<32768xf32, #tpu.memory_space<vmem>>)
      %add3A_508 = arith.constant 1 : i32
      %add3A_509 = arith.addi %mul3A_504, %add3A_508 : i32
      %mul3A_510 = arith.constant 64 : i32
      %mul3A_511 = arith.muli %add3A_509, %mul3A_510 : i32
      %add3A_512 = arith.addi %mul3A_2, %mul3A_511 : i32
      %mul3A_513 = arith.constant 512 : i32
      %mul3A_514 = arith.muli %add3A_512, %mul3A_513 : i32
      %dma_start3A_515 = tpu.memref_slice %arg2[%mul3A_514] : memref<8388608xf32, #tpu.memory_space<hbm>> -> memref<32768xf32, #tpu.memory_space<hbm>>
      %dma_start3A_516 = tpu.memref_slice %arg2[%mul3A_514] : memref<8388608xf32, #tpu.memory_space<hbm>> -> memref<32768xf32, #tpu.memory_space<hbm>>
      tpu.enqueue_dma source(%dma_start3A_516 : memref<32768xf32, #tpu.memory_space<hbm>>) target(%arg8 : memref<32768xf32, #tpu.memory_space<vmem>>) target_semaphore(%arg14 : memref<!tpu.dma_semaphore, #tpu.memory_space<semaphore_mem>>)
      %scan3A_517 = arith.constant 0 : i32
      %scan3A_518 = arith.constant 64 : i32
      %scan3A_519 = arith.addi %scan3A_517, %scan3A_518 : i32
      %scan3A_520 = arith.constant 1 : i32
      %scan3A_521:34 = scf.for %scan3A_540 = %scan3A_517 to %scan3A_519 step %scan3A_520 iter_args(%scan3A_541 = %scan3A_469, %scan3A_542 = %scan3A_470, %scan3A_543 = %scan3A_471, %scan3A_544 = %scan3A_472, %scan3A_545 = %scan3A_473, %scan3A_546 = %scan3A_474, %scan3A_547 = %scan3A_475, %scan3A_548 = %scan3A_476, %scan3A_549 = %scan3A_477, %scan3A_550 = %scan3A_478, %scan3A_551 = %scan3A_479, %scan3A_552 = %scan3A_480, %scan3A_553 = %scan3A_481, %scan3A_554 = %scan3A_482, %scan3A_555 = %scan3A_483, %scan3A_556 = %scan3A_484, %scan3A_557 = %scan3A_485, %scan3A_558 = %scan3A_486, %scan3A_559 = %scan3A_487, %scan3A_560 = %scan3A_488, %scan3A_561 = %scan3A_489, %scan3A_562 = %scan3A_490, %scan3A_563 = %scan3A_491, %scan3A_564 = %scan3A_492, %scan3A_565 = %scan3A_493, %scan3A_566 = %scan3A_494, %scan3A_567 = %scan3A_495, %scan3A_568 = %scan3A_496, %scan3A_569 = %scan3A_497, %scan3A_570 = %scan3A_498, %scan3A_571 = %scan3A_499, %scan3A_572 = %scan3A_500, %scan3A_573 = %scan3A_501, %scan3A_574 = %scan3A_502) -> (i32, i32, vector<16xf32>, vector<16xf32>, vector<16xf32>, vector<16xf32>, vector<16xf32>, vector<16xf32>, vector<16xf32>, vector<16xf32>, vector<16xf32>, vector<16xf32>, vector<16xf32>, vector<16xf32>, vector<16xf32>, vector<16xf32>, vector<16xf32>, vector<16xf32>, vector<16xf32>, vector<16xf32>, vector<16xf32>, vector<16xf32>, vector<16xf32>, vector<16xf32>, vector<16xf32>, vector<16xf32>, vector<16xf32>, vector<16xf32>, vector<16xf32>, vector<16xf32>, vector<16xf32>, vector<16xf32>, vector<16xf32>, vector<16xf32>)  : i32 {
        %mul3A_575 = arith.constant 64 : i32
        %mul3A_576 = arith.muli %mul3A_504, %mul3A_575 : i32
        %add3A_577 = arith.addi %mul3A_576, %scan3A_540 : i32
        %get3A_578 = arith.index_cast %add3A_577 : i32 to index
        %get3A_579 = tpu.vector_load %arg11[%get3A_578] {strides = array<i32>} : memref<528xi32, #tpu.memory_space<vmem>>, vector<16xi32>,
        %get3A_580 = vector.shape_cast %get3A_579 : vector<16xi32> to vector<16xi32>
        %slice3A_581 = vector.extract_strided_slice %get3A_580 {offsets = [0], sizes = [1], strides = [1]} : vector<16xi32> to vector<1xi32>
        %squeeze3A_582 = vector.extract %slice3A_581[0] : i32 from vector<1xi32>
        %ne3A_583 = arith.cmpi ne, %squeeze3A_582, %scan3A_541 : i32
        %convert_element_type3A_584 = arith.extui %ne3A_583 : i1 to i32
        %cond3A_585 = arith.constant 0 : i32
        %cond3A_586 = arith.cmpi ne, %convert_element_type3A_584, %cond3A_585 : i32
        scf.if %cond3A_586 {
          %jit3A_878 = arith.constant 32 : i32
          %eq3A_879 = arith.constant 0 : i32
          %eq3A_880 = arith.cmpi eq, %jit3A_878, %eq3A_879 : i32
          %jit3A_881 = arith.constant 1 : i32
          %select_n3A_882 = arith.select %eq3A_880, %jit3A_881, %jit3A_878 : i32
          %rem3A_883 = arith.remsi %scan3A_542, %select_n3A_882 : i32
          %ne3A_884 = arith.constant 0 : i32
          %ne3A_885 = arith.cmpi ne, %rem3A_883, %ne3A_884 : i32
          %lt3A_886 = arith.constant 0 : i32
          %lt3A_887 = arith.cmpi slt, %rem3A_883, %lt3A_886 : i32
          %lt3A_888 = arith.constant 0 : i32
          %lt3A_889 = arith.cmpi slt, %select_n3A_882, %lt3A_888 : i32
          %ne3A_890 = arith.xori %lt3A_887, %lt3A_889 : i1
          %and3A_891 = arith.andi %ne3A_890, %ne3A_885 : i1
          %add3A_892 = arith.addi %rem3A_883, %select_n3A_882 : i32
          %select_n3A_893 = arith.select %and3A_891, %add3A_892, %rem3A_883 : i32
          %mul3A_894 = arith.constant 512 : i32
          %mul3A_895 = arith.muli %select_n3A_893, %mul3A_894 : i32
          %add3A_896 = arith.constant 0 : i32
          %add3A_897 = arith.addi %mul3A_895, %add3A_896 : i32
          %swap3A_898 = arith.index_cast %add3A_897 : i32 to index
          %swap3A_899 = tpu.vector_load %arg9[%swap3A_898] {strides = array<i32>} : memref<16384xf32, #tpu.memory_space<vmem>>, vector<16xf32>,
          %swap3A_900 = vector.shape_cast %swap3A_899 : vector<16xf32> to vector<16xf32>
          %swap3A_901 = vector.shape_cast %scan3A_543 : vector<16xf32> to vector<16xf32>
          tpu.vector_store %arg9[%swap3A_898], %swap3A_901 {strides = array<i32>} : memref<16384xf32, #tpu.memory_space<vmem>>, vector<16xf32>,
          %add3A_902 = arith.constant 16 : i32
          %add3A_903 = arith.addi %mul3A_895, %add3A_902 : i32
          %swap3A_904 = arith.index_cast %add3A_903 : i32 to index
          %swap3A_905 = tpu.vector_load %arg9[%swap3A_904] {strides = array<i32>} : memref<16384xf32, #tpu.memory_space<vmem>>, vector<16xf32>,
          %swap3A_906 = vector.shape_cast %swap3A_905 : vector<16xf32> to vector<16xf32>
          %swap3A_907 = vector.shape_cast %scan3A_544 : vector<16xf32> to vector<16xf32>
          tpu.vector_store %arg9[%swap3A_904], %swap3A_907 {strides = array<i32>} : memref<16384xf32, #tpu.memory_space<vmem>>, vector<16xf32>,
          %add3A_908 = arith.constant 32 : i32
          %add3A_909 = arith.addi %mul3A_895, %add3A_908 : i32
          %swap3A_910 = arith.index_cast %add3A_909 : i32 to index
          %swap3A_911 = tpu.vector_load %arg9[%swap3A_910] {strides = array<i32>} : memref<16384xf32, #tpu.memory_space<vmem>>, vector<16xf32>,
          %swap3A_912 = vector.shape_cast %swap3A_911 : vector<16xf32> to vector<16xf32>
          %swap3A_913 = vector.shape_cast %scan3A_545 : vector<16xf32> to vector<16xf32>
          tpu.vector_store %arg9[%swap3A_910], %swap3A_913 {strides = array<i32>} : memref<16384xf32, #tpu.memory_space<vmem>>, vector<16xf32>,
          %add3A_914 = arith.constant 48 : i32
          %add3A_915 = arith.addi %mul3A_895, %add3A_914 : i32
          %swap3A_916 = arith.index_cast %add3A_915 : i32 to index
          %swap3A_917 = tpu.vector_load %arg9[%swap3A_916] {strides = array<i32>} : memref<16384xf32, #tpu.memory_space<vmem>>, vector<16xf32>,
          %swap3A_918 = vector.shape_cast %swap3A_917 : vector<16xf32> to vector<16xf32>
          %swap3A_919 = vector.shape_cast %scan3A_546 : vector<16xf32> to vector<16xf32>
          tpu.vector_store %arg9[%swap3A_916], %swap3A_919 {strides = array<i32>} : memref<16384xf32, #tpu.memory_space<vmem>>, vector<16xf32>,
          %add3A_920 = arith.constant 64 : i32
          %add3A_921 = arith.addi %mul3A_895, %add3A_920 : i32
          %swap3A_922 = arith.index_cast %add3A_921 : i32 to index
          %swap3A_923 = tpu.vector_load %arg9[%swap3A_922] {strides = array<i32>} : memref<16384xf32, #tpu.memory_space<vmem>>, vector<16xf32>,
          %swap3A_924 = vector.shape_cast %swap3A_923 : vector<16xf32> to vector<16xf32>
          %swap3A_925 = vector.shape_cast %scan3A_547 : vector<16xf32> to vector<16xf32>
          tpu.vector_store %arg9[%swap3A_922], %swap3A_925 {strides = array<i32>} : memref<16384xf32, #tpu.memory_space<vmem>>, vector<16xf32>,
          %add3A_926 = arith.constant 80 : i32
          %add3A_927 = arith.addi %mul3A_895, %add3A_926 : i32
          %swap3A_928 = arith.index_cast %add3A_927 : i32 to index
          %swap3A_929 = tpu.vector_load %arg9[%swap3A_928] {strides = array<i32>} : memref<16384xf32, #tpu.memory_space<vmem>>, vector<16xf32>,
          %swap3A_930 = vector.shape_cast %swap3A_929 : vector<16xf32> to vector<16xf32>
          %swap3A_931 = vector.shape_cast %scan3A_548 : vector<16xf32> to vector<16xf32>
          tpu.vector_store %arg9[%swap3A_928], %swap3A_931 {strides = array<i32>} : memref<16384xf32, #tpu.memory_space<vmem>>, vector<16xf32>,
          %add3A_932 = arith.constant 96 : i32
          %add3A_933 = arith.addi %mul3A_895, %add3A_932 : i32
          %swap3A_934 = arith.index_cast %add3A_933 : i32 to index
          %swap3A_935 = tpu.vector_load %arg9[%swap3A_934] {strides = array<i32>} : memref<16384xf32, #tpu.memory_space<vmem>>, vector<16xf32>,
          %swap3A_936 = vector.shape_cast %swap3A_935 : vector<16xf32> to vector<16xf32>
          %swap3A_937 = vector.shape_cast %scan3A_549 : vector<16xf32> to vector<16xf32>
          tpu.vector_store %arg9[%swap3A_934], %swap3A_937 {strides = array<i32>} : memref<16384xf32, #tpu.memory_space<vmem>>, vector<16xf32>,
          %add3A_938 = arith.constant 112 : i32
          %add3A_939 = arith.addi %mul3A_895, %add3A_938 : i32
          %swap3A_940 = arith.index_cast %add3A_939 : i32 to index
          %swap3A_941 = tpu.vector_load %arg9[%swap3A_940] {strides = array<i32>} : memref<16384xf32, #tpu.memory_space<vmem>>, vector<16xf32>,
          %swap3A_942 = vector.shape_cast %swap3A_941 : vector<16xf32> to vector<16xf32>
          %swap3A_943 = vector.shape_cast %scan3A_550 : vector<16xf32> to vector<16xf32>
          tpu.vector_store %arg9[%swap3A_940], %swap3A_943 {strides = array<i32>} : memref<16384xf32, #tpu.memory_space<vmem>>, vector<16xf32>,
          %add3A_944 = arith.constant 128 : i32
          %add3A_945 = arith.addi %mul3A_895, %add3A_944 : i32
          %swap3A_946 = arith.index_cast %add3A_945 : i32 to index
          %swap3A_947 = tpu.vector_load %arg9[%swap3A_946] {strides = array<i32>} : memref<16384xf32, #tpu.memory_space<vmem>>, vector<16xf32>,
          %swap3A_948 = vector.shape_cast %swap3A_947 : vector<16xf32> to vector<16xf32>
          %swap3A_949 = vector.shape_cast %scan3A_551 : vector<16xf32> to vector<16xf32>
          tpu.vector_store %arg9[%swap3A_946], %swap3A_949 {strides = array<i32>} : memref<16384xf32, #tpu.memory_space<vmem>>, vector<16xf32>,
          %add3A_950 = arith.constant 144 : i32
          %add3A_951 = arith.addi %mul3A_895, %add3A_950 : i32
          %swap3A_952 = arith.index_cast %add3A_951 : i32 to index
          %swap3A_953 = tpu.vector_load %arg9[%swap3A_952] {strides = array<i32>} : memref<16384xf32, #tpu.memory_space<vmem>>, vector<16xf32>,
          %swap3A_954 = vector.shape_cast %swap3A_953 : vector<16xf32> to vector<16xf32>
          %swap3A_955 = vector.shape_cast %scan3A_552 : vector<16xf32> to vector<16xf32>
          tpu.vector_store %arg9[%swap3A_952], %swap3A_955 {strides = array<i32>} : memref<16384xf32, #tpu.memory_space<vmem>>, vector<16xf32>,
          %add3A_956 = arith.constant 160 : i32
          %add3A_957 = arith.addi %mul3A_895, %add3A_956 : i32
          %swap3A_958 = arith.index_cast %add3A_957 : i32 to index
          %swap3A_959 = tpu.vector_load %arg9[%swap3A_958] {strides = array<i32>} : memref<16384xf32, #tpu.memory_space<vmem>>, vector<16xf32>,
          %swap3A_960 = vector.shape_cast %swap3A_959 : vector<16xf32> to vector<16xf32>
          %swap3A_961 = vector.shape_cast %scan3A_553 : vector<16xf32> to vector<16xf32>
          tpu.vector_store %arg9[%swap3A_958], %swap3A_961 {strides = array<i32>} : memref<16384xf32, #tpu.memory_space<vmem>>, vector<16xf32>,
          %add3A_962 = arith.constant 176 : i32
          %add3A_963 = arith.addi %mul3A_895, %add3A_962 : i32
          %swap3A_964 = arith.index_cast %add3A_963 : i32 to index
          %swap3A_965 = tpu.vector_load %arg9[%swap3A_964] {strides = array<i32>} : memref<16384xf32, #tpu.memory_space<vmem>>, vector<16xf32>,
          %swap3A_966 = vector.shape_cast %swap3A_965 : vector<16xf32> to vector<16xf32>
          %swap3A_967 = vector.shape_cast %scan3A_554 : vector<16xf32> to vector<16xf32>
          tpu.vector_store %arg9[%swap3A_964], %swap3A_967 {strides = array<i32>} : memref<16384xf32, #tpu.memory_space<vmem>>, vector<16xf32>,
          %add3A_968 = arith.constant 192 : i32
          %add3A_969 = arith.addi %mul3A_895, %add3A_968 : i32
          %swap3A_970 = arith.index_cast %add3A_969 : i32 to index
          %swap3A_971 = tpu.vector_load %arg9[%swap3A_970] {strides = array<i32>} : memref<16384xf32, #tpu.memory_space<vmem>>, vector<16xf32>,
          %swap3A_972 = vector.shape_cast %swap3A_971 : vector<16xf32> to vector<16xf32>
          %swap3A_973 = vector.shape_cast %scan3A_555 : vector<16xf32> to vector<16xf32>
          tpu.vector_store %arg9[%swap3A_970], %swap3A_973 {strides = array<i32>} : memref<16384xf32, #tpu.memory_space<vmem>>, vector<16xf32>,
          %add3A_974 = arith.constant 208 : i32
          %add3A_975 = arith.addi %mul3A_895, %add3A_974 : i32
          %swap3A_976 = arith.index_cast %add3A_975 : i32 to index
          %swap3A_977 = tpu.vector_load %arg9[%swap3A_976] {strides = array<i32>} : memref<16384xf32, #tpu.memory_space<vmem>>, vector<16xf32>,
          %swap3A_978 = vector.shape_cast %swap3A_977 : vector<16xf32> to vector<16xf32>
          %swap3A_979 = vector.shape_cast %scan3A_556 : vector<16xf32> to vector<16xf32>
          tpu.vector_store %arg9[%swap3A_976], %swap3A_979 {strides = array<i32>} : memref<16384xf32, #tpu.memory_space<vmem>>, vector<16xf32>,
          %add3A_980 = arith.constant 224 : i32
          %add3A_981 = arith.addi %mul3A_895, %add3A_980 : i32
          %swap3A_982 = arith.index_cast %add3A_981 : i32 to index
          %swap3A_983 = tpu.vector_load %arg9[%swap3A_982] {strides = array<i32>} : memref<16384xf32, #tpu.memory_space<vmem>>, vector<16xf32>,
          %swap3A_984 = vector.shape_cast %swap3A_983 : vector<16xf32> to vector<16xf32>
          %swap3A_985 = vector.shape_cast %scan3A_557 : vector<16xf32> to vector<16xf32>
          tpu.vector_store %arg9[%swap3A_982], %swap3A_985 {strides = array<i32>} : memref<16384xf32, #tpu.memory_space<vmem>>, vector<16xf32>,
          %add3A_986 = arith.constant 240 : i32
          %add3A_987 = arith.addi %mul3A_895, %add3A_986 : i32
          %swap3A_988 = arith.index_cast %add3A_987 : i32 to index
          %swap3A_989 = tpu.vector_load %arg9[%swap3A_988] {strides = array<i32>} : memref<16384xf32, #tpu.memory_space<vmem>>, vector<16xf32>,
          %swap3A_990 = vector.shape_cast %swap3A_989 : vector<16xf32> to vector<16xf32>
          %swap3A_991 = vector.shape_cast %scan3A_558 : vector<16xf32> to vector<16xf32>
          tpu.vector_store %arg9[%swap3A_988], %swap3A_991 {strides = array<i32>} : memref<16384xf32, #tpu.memory_space<vmem>>, vector<16xf32>,
          %add3A_992 = arith.constant 256 : i32
          %add3A_993 = arith.addi %mul3A_895, %add3A_992 : i32
          %swap3A_994 = arith.index_cast %add3A_993 : i32 to index
          %swap3A_995 = tpu.vector_load %arg9[%swap3A_994] {strides = array<i32>} : memref<16384xf32, #tpu.memory_space<vmem>>, vector<16xf32>,
          %swap3A_996 = vector.shape_cast %swap3A_995 : vector<16xf32> to vector<16xf32>
          %swap3A_997 = vector.shape_cast %scan3A_559 : vector<16xf32> to vector<16xf32>
          tpu.vector_store %arg9[%swap3A_994], %swap3A_997 {strides = array<i32>} : memref<16384xf32, #tpu.memory_space<vmem>>, vector<16xf32>,
          %add3A_998 = arith.constant 272 : i32
          %add3A_999 = arith.addi %mul3A_895, %add3A_998 : i32
          %swap3A_1000 = arith.index_cast %add3A_999 : i32 to index
          %swap3A_1001 = tpu.vector_load %arg9[%swap3A_1000] {strides = array<i32>} : memref<16384xf32, #tpu.memory_space<vmem>>, vector<16xf32>,
          %swap3A_1002 = vector.shape_cast %swap3A_1001 : vector<16xf32> to vector<16xf32>
          %swap3A_1003 = vector.shape_cast %scan3A_560 : vector<16xf32> to vector<16xf32>
          tpu.vector_store %arg9[%swap3A_1000], %swap3A_1003 {strides = array<i32>} : memref<16384xf32, #tpu.memory_space<vmem>>, vector<16xf32>,
          %add3A_1004 = arith.constant 288 : i32
          %add3A_1005 = arith.addi %mul3A_895, %add3A_1004 : i32
          %swap3A_1006 = arith.index_cast %add3A_1005 : i32 to index
          %swap3A_1007 = tpu.vector_load %arg9[%swap3A_1006] {strides = array<i32>} : memref<16384xf32, #tpu.memory_space<vmem>>, vector<16xf32>,
          %swap3A_1008 = vector.shape_cast %swap3A_1007 : vector<16xf32> to vector<16xf32>
          %swap3A_1009 = vector.shape_cast %scan3A_561 : vector<16xf32> to vector<16xf32>
          tpu.vector_store %arg9[%swap3A_1006], %swap3A_1009 {strides = array<i32>} : memref<16384xf32, #tpu.memory_space<vmem>>, vector<16xf32>,
          %add3A_1010 = arith.constant 304 : i32
          %add3A_1011 = arith.addi %mul3A_895, %add3A_1010 : i32
          %swap3A_1012 = arith.index_cast %add3A_1011 : i32 to index
          %swap3A_1013 = tpu.vector_load %arg9[%swap3A_1012] {strides = array<i32>} : memref<16384xf32, #tpu.memory_space<vmem>>, vector<16xf32>,
          %swap3A_1014 = vector.shape_cast %swap3A_1013 : vector<16xf32> to vector<16xf32>
          %swap3A_1015 = vector.shape_cast %scan3A_562 : vector<16xf32> to vector<16xf32>
          tpu.vector_store %arg9[%swap3A_1012], %swap3A_1015 {strides = array<i32>} : memref<16384xf32, #tpu.memory_space<vmem>>, vector<16xf32>,
          %add3A_1016 = arith.constant 320 : i32
          %add3A_1017 = arith.addi %mul3A_895, %add3A_1016 : i32
          %swap3A_1018 = arith.index_cast %add3A_1017 : i32 to index
          %swap3A_1019 = tpu.vector_load %arg9[%swap3A_1018] {strides = array<i32>} : memref<16384xf32, #tpu.memory_space<vmem>>, vector<16xf32>,
          %swap3A_1020 = vector.shape_cast %swap3A_1019 : vector<16xf32> to vector<16xf32>
          %swap3A_1021 = vector.shape_cast %scan3A_563 : vector<16xf32> to vector<16xf32>
          tpu.vector_store %arg9[%swap3A_1018], %swap3A_1021 {strides = array<i32>} : memref<16384xf32, #tpu.memory_space<vmem>>, vector<16xf32>,
          %add3A_1022 = arith.constant 336 : i32
          %add3A_1023 = arith.addi %mul3A_895, %add3A_1022 : i32
          %swap3A_1024 = arith.index_cast %add3A_1023 : i32 to index
          %swap3A_1025 = tpu.vector_load %arg9[%swap3A_1024] {strides = array<i32>} : memref<16384xf32, #tpu.memory_space<vmem>>, vector<16xf32>,
          %swap3A_1026 = vector.shape_cast %swap3A_1025 : vector<16xf32> to vector<16xf32>
          %swap3A_1027 = vector.shape_cast %scan3A_564 : vector<16xf32> to vector<16xf32>
          tpu.vector_store %arg9[%swap3A_1024], %swap3A_1027 {strides = array<i32>} : memref<16384xf32, #tpu.memory_space<vmem>>, vector<16xf32>,
          %add3A_1028 = arith.constant 352 : i32
          %add3A_1029 = arith.addi %mul3A_895, %add3A_1028 : i32
          %swap3A_1030 = arith.index_cast %add3A_1029 : i32 to index
          %swap3A_1031 = tpu.vector_load %arg9[%swap3A_1030] {strides = array<i32>} : memref<16384xf32, #tpu.memory_space<vmem>>, vector<16xf32>,
          %swap3A_1032 = vector.shape_cast %swap3A_1031 : vector<16xf32> to vector<16xf32>
          %swap3A_1033 = vector.shape_cast %scan3A_565 : vector<16xf32> to vector<16xf32>
          tpu.vector_store %arg9[%swap3A_1030], %swap3A_1033 {strides = array<i32>} : memref<16384xf32, #tpu.memory_space<vmem>>, vector<16xf32>,
          %add3A_1034 = arith.constant 368 : i32
          %add3A_1035 = arith.addi %mul3A_895, %add3A_1034 : i32
          %swap3A_1036 = arith.index_cast %add3A_1035 : i32 to index
          %swap3A_1037 = tpu.vector_load %arg9[%swap3A_1036] {strides = array<i32>} : memref<16384xf32, #tpu.memory_space<vmem>>, vector<16xf32>,
          %swap3A_1038 = vector.shape_cast %swap3A_1037 : vector<16xf32> to vector<16xf32>
          %swap3A_1039 = vector.shape_cast %scan3A_566 : vector<16xf32> to vector<16xf32>
          tpu.vector_store %arg9[%swap3A_1036], %swap3A_1039 {strides = array<i32>} : memref<16384xf32, #tpu.memory_space<vmem>>, vector<16xf32>,
          %add3A_1040 = arith.constant 384 : i32
          %add3A_1041 = arith.addi %mul3A_895, %add3A_1040 : i32
          %swap3A_1042 = arith.index_cast %add3A_1041 : i32 to index
          %swap3A_1043 = tpu.vector_load %arg9[%swap3A_1042] {strides = array<i32>} : memref<16384xf32, #tpu.memory_space<vmem>>, vector<16xf32>,
          %swap3A_1044 = vector.shape_cast %swap3A_1043 : vector<16xf32> to vector<16xf32>
          %swap3A_1045 = vector.shape_cast %scan3A_567 : vector<16xf32> to vector<16xf32>
          tpu.vector_store %arg9[%swap3A_1042], %swap3A_1045 {strides = array<i32>} : memref<16384xf32, #tpu.memory_space<vmem>>, vector<16xf32>,
          %add3A_1046 = arith.constant 400 : i32
          %add3A_1047 = arith.addi %mul3A_895, %add3A_1046 : i32
          %swap3A_1048 = arith.index_cast %add3A_1047 : i32 to index
          %swap3A_1049 = tpu.vector_load %arg9[%swap3A_1048] {strides = array<i32>} : memref<16384xf32, #tpu.memory_space<vmem>>, vector<16xf32>,
          %swap3A_1050 = vector.shape_cast %swap3A_1049 : vector<16xf32> to vector<16xf32>
          %swap3A_1051 = vector.shape_cast %scan3A_568 : vector<16xf32> to vector<16xf32>
          tpu.vector_store %arg9[%swap3A_1048], %swap3A_1051 {strides = array<i32>} : memref<16384xf32, #tpu.memory_space<vmem>>, vector<16xf32>,
          %add3A_1052 = arith.constant 416 : i32
          %add3A_1053 = arith.addi %mul3A_895, %add3A_1052 : i32
          %swap3A_1054 = arith.index_cast %add3A_1053 : i32 to index
          %swap3A_1055 = tpu.vector_load %arg9[%swap3A_1054] {strides = array<i32>} : memref<16384xf32, #tpu.memory_space<vmem>>, vector<16xf32>,
          %swap3A_1056 = vector.shape_cast %swap3A_1055 : vector<16xf32> to vector<16xf32>
          %swap3A_1057 = vector.shape_cast %scan3A_569 : vector<16xf32> to vector<16xf32>
          tpu.vector_store %arg9[%swap3A_1054], %swap3A_1057 {strides = array<i32>} : memref<16384xf32, #tpu.memory_space<vmem>>, vector<16xf32>,
          %add3A_1058 = arith.constant 432 : i32
          %add3A_1059 = arith.addi %mul3A_895, %add3A_1058 : i32
          %swap3A_1060 = arith.index_cast %add3A_1059 : i32 to index
          %swap3A_1061 = tpu.vector_load %arg9[%swap3A_1060] {strides = array<i32>} : memref<16384xf32, #tpu.memory_space<vmem>>, vector<16xf32>,
          %swap3A_1062 = vector.shape_cast %swap3A_1061 : vector<16xf32> to vector<16xf32>
          %swap3A_1063 = vector.shape_cast %scan3A_570 : vector<16xf32> to vector<16xf32>
          tpu.vector_store %arg9[%swap3A_1060], %swap3A_1063 {strides = array<i32>} : memref<16384xf32, #tpu.memory_space<vmem>>, vector<16xf32>,
          %add3A_1064 = arith.constant 448 : i32
          %add3A_1065 = arith.addi %mul3A_895, %add3A_1064 : i32
          %swap3A_1066 = arith.index_cast %add3A_1065 : i32 to index
          %swap3A_1067 = tpu.vector_load %arg9[%swap3A_1066] {strides = array<i32>} : memref<16384xf32, #tpu.memory_space<vmem>>, vector<16xf32>,
          %swap3A_1068 = vector.shape_cast %swap3A_1067 : vector<16xf32> to vector<16xf32>
          %swap3A_1069 = vector.shape_cast %scan3A_571 : vector<16xf32> to vector<16xf32>
          tpu.vector_store %arg9[%swap3A_1066], %swap3A_1069 {strides = array<i32>} : memref<16384xf32, #tpu.memory_space<vmem>>, vector<16xf32>,
          %add3A_1070 = arith.constant 464 : i32
          %add3A_1071 = arith.addi %mul3A_895, %add3A_1070 : i32
          %swap3A_1072 = arith.index_cast %add3A_1071 : i32 to index
          %swap3A_1073 = tpu.vector_load %arg9[%swap3A_1072] {strides = array<i32>} : memref<16384xf32, #tpu.memory_space<vmem>>, vector<16xf32>,
          %swap3A_1074 = vector.shape_cast %swap3A_1073 : vector<16xf32> to vector<16xf32>
          %swap3A_1075 = vector.shape_cast %scan3A_572 : vector<16xf32> to vector<16xf32>
          tpu.vector_store %arg9[%swap3A_1072], %swap3A_1075 {strides = array<i32>} : memref<16384xf32, #tpu.memory_space<vmem>>, vector<16xf32>,
          %add3A_1076 = arith.constant 480 : i32
          %add3A_1077 = arith.addi %mul3A_895, %add3A_1076 : i32
          %swap3A_1078 = arith.index_cast %add3A_1077 : i32 to index
          %swap3A_1079 = tpu.vector_load %arg9[%swap3A_1078] {strides = array<i32>} : memref<16384xf32, #tpu.memory_space<vmem>>, vector<16xf32>,
          %swap3A_1080 = vector.shape_cast %swap3A_1079 : vector<16xf32> to vector<16xf32>
          %swap3A_1081 = vector.shape_cast %scan3A_573 : vector<16xf32> to vector<16xf32>
          tpu.vector_store %arg9[%swap3A_1078], %swap3A_1081 {strides = array<i32>} : memref<16384xf32, #tpu.memory_space<vmem>>, vector<16xf32>,
          %add3A_1082 = arith.constant 496 : i32
          %add3A_1083 = arith.addi %mul3A_895, %add3A_1082 : i32
          %swap3A_1084 = arith.index_cast %add3A_1083 : i32 to index
          %swap3A_1085 = tpu.vector_load %arg9[%swap3A_1084] {strides = array<i32>} : memref<16384xf32, #tpu.memory_space<vmem>>, vector<16xf32>,
          %swap3A_1086 = vector.shape_cast %swap3A_1085 : vector<16xf32> to vector<16xf32>
          %swap3A_1087 = vector.shape_cast %scan3A_574 : vector<16xf32> to vector<16xf32>
          tpu.vector_store %arg9[%swap3A_1084], %swap3A_1087 {strides = array<i32>} : memref<16384xf32, #tpu.memory_space<vmem>>, vector<16xf32>,
          %eq3A_1088 = arith.cmpi eq, %scan3A_541, %squeeze3A : i32
          %convert_element_type3A_1089 = arith.extui %eq3A_1088 : i1 to i32
          %cond3A_1090 = arith.constant 0 : i32
          %cond3A_1091 = arith.cmpi ne, %convert_element_type3A_1089, %cond3A_1090 : i32
          scf.if %cond3A_1091 {
            %mul3A_1109 = arith.constant 2 : i32
            %mul3A_1110 = arith.muli %mul3A_1109, %add3A : i32
            %mul3A_1111 = arith.constant 512 : i32
            %mul3A_1112 = arith.muli %mul3A_1110, %mul3A_1111 : i32
            %dma_start3A_1113 = tpu.memref_slice %arg9[%mul3A_895] : memref<16384xf32, #tpu.memory_space<vmem>> -> memref<512xf32, #tpu.memory_space<vmem>>
            %dma_start3A_1114 = tpu.memref_slice %arg6[%mul3A_1112] : memref<32768xf32, #tpu.memory_space<hbm>> -> memref<512xf32, #tpu.memory_space<hbm>>
            %dma_start3A_1115 = tpu.memref_slice %arg6[%mul3A_1112] : memref<32768xf32, #tpu.memory_space<hbm>> -> memref<512xf32, #tpu.memory_space<hbm>>
            %dma_start3A_1116 = tpu.memref_slice %arg9[%mul3A_895] : memref<16384xf32, #tpu.memory_space<vmem>> -> memref<512xf32, #tpu.memory_space<vmem>>
            tpu.enqueue_dma source(%dma_start3A_1116 : memref<512xf32, #tpu.memory_space<vmem>>) target(%dma_start3A_1115 : memref<512xf32, #tpu.memory_space<hbm>>) target_semaphore(%arg15 : memref<!tpu.dma_semaphore, #tpu.memory_space<semaphore_mem>>)
          } else {
          }
          %ne3A_1092 = arith.cmpi ne, %scan3A_541, %squeeze3A : i32
          %convert_element_type3A_1093 = arith.extui %ne3A_1092 : i1 to i32
          %cond3A_1094 = arith.constant 0 : i32
          %cond3A_1095 = arith.cmpi ne, %convert_element_type3A_1093, %cond3A_1094 : i32
          scf.if %cond3A_1095 {
            %mul3A_1109 = arith.constant 512 : i32
            %mul3A_1110 = arith.muli %scan3A_541, %mul3A_1109 : i32
            %dma_start3A_1111 = tpu.memref_slice %arg9[%mul3A_895] : memref<16384xf32, #tpu.memory_space<vmem>> -> memref<512xf32, #tpu.memory_space<vmem>>
            %dma_start3A_1112 = tpu.memref_slice %arg5[%mul3A_1110] : memref<262144xf32, #tpu.memory_space<hbm>> -> memref<512xf32, #tpu.memory_space<hbm>>
            %dma_start3A_1113 = tpu.memref_slice %arg5[%mul3A_1110] : memref<262144xf32, #tpu.memory_space<hbm>> -> memref<512xf32, #tpu.memory_space<hbm>>
            %dma_start3A_1114 = tpu.memref_slice %arg9[%mul3A_895] : memref<16384xf32, #tpu.memory_space<vmem>> -> memref<512xf32, #tpu.memory_space<vmem>>
            tpu.enqueue_dma source(%dma_start3A_1114 : memref<512xf32, #tpu.memory_space<vmem>>) target(%dma_start3A_1113 : memref<512xf32, #tpu.memory_space<hbm>>) target_semaphore(%arg15 : memref<!tpu.dma_semaphore, #tpu.memory_space<semaphore_mem>>)
          } else {
          }
          %add3A_1096 = arith.constant 1 : i32
          %add3A_1097 = arith.addi %scan3A_541, %add3A_1096 : i32
          %while3A_1098 = arith.constant 0 : i32
          %while3A_1099 = arith.subi %squeeze3A_582, %add3A_1097 : i32
          %while3A_1100 = arith.addi %add3A_1097, %while3A_1099 : i32
          %while3A_1101 = arith.constant 1 : i32
          %while3A_1102 = arith.divsi %while3A_1099, %while3A_1101 : i32
          %while3A_1103 = arith.muli %while3A_1102, %while3A_1101 : i32
          %while3A_1104 = arith.addi %add3A_1097, %while3A_1103 : i32
          %while3A_1105 = arith.constant 1 : i32
          %while3A_1106 = scf.for %while3A_1109 = %add3A_1097 to %while3A_1104 step %while3A_1105 iter_args(%while3A_1110 = %while3A_1098) -> (i32)  : i32 {
            %mul3A_1111 = arith.constant 512 : i32
            %mul3A_1112 = arith.muli %while3A_1109, %mul3A_1111 : i32
            %dma_start3A_1113 = tpu.memref_slice %arg5[%mul3A_1112] : memref<262144xf32, #tpu.memory_space<hbm>> -> memref<512xf32, #tpu.memory_space<hbm>>
            %dma_start3A_1114 = tpu.memref_slice %arg5[%mul3A_1112] : memref<262144xf32, #tpu.memory_space<hbm>> -> memref<512xf32, #tpu.memory_space<hbm>>
            tpu.enqueue_dma source(%arg10 : memref<512xf32, #tpu.memory_space<vmem>>) target(%dma_start3A_1114 : memref<512xf32, #tpu.memory_space<hbm>>) target_semaphore(%arg15 : memref<!tpu.dma_semaphore, #tpu.memory_space<semaphore_mem>>)
            %while3A_1115 = arith.constant 0 : i32
            scf.yield %while3A_1115 : i32
          }
          %while3A_1107 = arith.constant 1 : i32
          %while3A_1108 = scf.for %while3A_1109 = %while3A_1104 to %while3A_1100 step %while3A_1107 iter_args(%while3A_1110 = %while3A_1106) -> (i32)  : i32 {
            %mul3A_1111 = arith.constant 512 : i32
            %mul3A_1112 = arith.muli %while3A_1109, %mul3A_1111 : i32
            %dma_start3A_1113 = tpu.memref_slice %arg5[%mul3A_1112] : memref<262144xf32, #tpu.memory_space<hbm>> -> memref<512xf32, #tpu.memory_space<hbm>>
            %dma_start3A_1114 = tpu.memref_slice %arg5[%mul3A_1112] : memref<262144xf32, #tpu.memory_space<hbm>> -> memref<512xf32, #tpu.memory_space<hbm>>
            tpu.enqueue_dma source(%arg10 : memref<512xf32, #tpu.memory_space<vmem>>) target(%dma_start3A_1114 : memref<512xf32, #tpu.memory_space<hbm>>) target_semaphore(%arg15 : memref<!tpu.dma_semaphore, #tpu.memory_space<semaphore_mem>>)
            %while3A_1115 = arith.constant 0 : i32
            scf.yield %while3A_1115 : i32
          }
        } else {
        }
        %mul3A_587 = arith.constant 512 : i32
        %mul3A_588 = arith.muli %scan3A_540, %mul3A_587 : i32
        %add3A_589 = arith.constant 0 : i32
        %add3A_590 = arith.addi %mul3A_588, %add3A_589 : i32
        %get3A_591 = arith.index_cast %add3A_590 : i32 to index
        %get3A_592 = tpu.vector_load %arg7[%get3A_591] {strides = array<i32>} : memref<32768xf32, #tpu.memory_space<vmem>>, vector<16xf32>,
        %get3A_593 = vector.shape_cast %get3A_592 : vector<16xf32> to vector<16xf32>
        %mul3A_594 = arith.constant 512 : i32
        %mul3A_595 = arith.muli %scan3A_540, %mul3A_594 : i32
        %add3A_596 = arith.constant 16 : i32
        %add3A_597 = arith.addi %mul3A_595, %add3A_596 : i32
        %get3A_598 = arith.index_cast %add3A_597 : i32 to index
        %get3A_599 = tpu.vector_load %arg7[%get3A_598] {strides = array<i32>} : memref<32768xf32, #tpu.memory_space<vmem>>, vector<16xf32>,
        %get3A_600 = vector.shape_cast %get3A_599 : vector<16xf32> to vector<16xf32>
        %mul3A_601 = arith.constant 512 : i32
        %mul3A_602 = arith.muli %scan3A_540, %mul3A_601 : i32
        %add3A_603 = arith.constant 32 : i32
        %add3A_604 = arith.addi %mul3A_602, %add3A_603 : i32
        %get3A_605 = arith.index_cast %add3A_604 : i32 to index
        %get3A_606 = tpu.vector_load %arg7[%get3A_605] {strides = array<i32>} : memref<32768xf32, #tpu.memory_space<vmem>>, vector<16xf32>,
        %get3A_607 = vector.shape_cast %get3A_606 : vector<16xf32> to vector<16xf32>
        %mul3A_608 = arith.constant 512 : i32
        %mul3A_609 = arith.muli %scan3A_540, %mul3A_608 : i32
        %add3A_610 = arith.constant 48 : i32
        %add3A_611 = arith.addi %mul3A_609, %add3A_610 : i32
        %get3A_612 = arith.index_cast %add3A_611 : i32 to index
        %get3A_613 = tpu.vector_load %arg7[%get3A_612] {strides = array<i32>} : memref<32768xf32, #tpu.memory_space<vmem>>, vector<16xf32>,
        %get3A_614 = vector.shape_cast %get3A_613 : vector<16xf32> to vector<16xf32>
        %mul3A_615 = arith.constant 512 : i32
        %mul3A_616 = arith.muli %scan3A_540, %mul3A_615 : i32
        %add3A_617 = arith.constant 64 : i32
        %add3A_618 = arith.addi %mul3A_616, %add3A_617 : i32
        %get3A_619 = arith.index_cast %add3A_618 : i32 to index
        %get3A_620 = tpu.vector_load %arg7[%get3A_619] {strides = array<i32>} : memref<32768xf32, #tpu.memory_space<vmem>>, vector<16xf32>,
        %get3A_621 = vector.shape_cast %get3A_620 : vector<16xf32> to vector<16xf32>
        %mul3A_622 = arith.constant 512 : i32
        %mul3A_623 = arith.muli %scan3A_540, %mul3A_622 : i32
        %add3A_624 = arith.constant 80 : i32
        %add3A_625 = arith.addi %mul3A_623, %add3A_624 : i32
        %get3A_626 = arith.index_cast %add3A_625 : i32 to index
        %get3A_627 = tpu.vector_load %arg7[%get3A_626] {strides = array<i32>} : memref<32768xf32, #tpu.memory_space<vmem>>, vector<16xf32>,
        %get3A_628 = vector.shape_cast %get3A_627 : vector<16xf32> to vector<16xf32>
        %mul3A_629 = arith.constant 512 : i32
        %mul3A_630 = arith.muli %scan3A_540, %mul3A_629 : i32
        %add3A_631 = arith.constant 96 : i32
        %add3A_632 = arith.addi %mul3A_630, %add3A_631 : i32
        %get3A_633 = arith.index_cast %add3A_632 : i32 to index
        %get3A_634 = tpu.vector_load %arg7[%get3A_633] {strides = array<i32>} : memref<32768xf32, #tpu.memory_space<vmem>>, vector<16xf32>,
        %get3A_635 = vector.shape_cast %get3A_634 : vector<16xf32> to vector<16xf32>
        %mul3A_636 = arith.constant 512 : i32
        %mul3A_637 = arith.muli %scan3A_540, %mul3A_636 : i32
        %add3A_638 = arith.constant 112 : i32
        %add3A_639 = arith.addi %mul3A_637, %add3A_638 : i32
        %get3A_640 = arith.index_cast %add3A_639 : i32 to index
        %get3A_641 = tpu.vector_load %arg7[%get3A_640] {strides = array<i32>} : memref<32768xf32, #tpu.memory_space<vmem>>, vector<16xf32>,
        %get3A_642 = vector.shape_cast %get3A_641 : vector<16xf32> to vector<16xf32>
        %mul3A_643 = arith.constant 512 : i32
        %mul3A_644 = arith.muli %scan3A_540, %mul3A_643 : i32
        %add3A_645 = arith.constant 128 : i32
        %add3A_646 = arith.addi %mul3A_644, %add3A_645 : i32
        %get3A_647 = arith.index_cast %add3A_646 : i32 to index
        %get3A_648 = tpu.vector_load %arg7[%get3A_647] {strides = array<i32>} : memref<32768xf32, #tpu.memory_space<vmem>>, vector<16xf32>,
        %get3A_649 = vector.shape_cast %get3A_648 : vector<16xf32> to vector<16xf32>
        %mul3A_650 = arith.constant 512 : i32
        %mul3A_651 = arith.muli %scan3A_540, %mul3A_650 : i32
        %add3A_652 = arith.constant 144 : i32
        %add3A_653 = arith.addi %mul3A_651, %add3A_652 : i32
        %get3A_654 = arith.index_cast %add3A_653 : i32 to index
        %get3A_655 = tpu.vector_load %arg7[%get3A_654] {strides = array<i32>} : memref<32768xf32, #tpu.memory_space<vmem>>, vector<16xf32>,
        %get3A_656 = vector.shape_cast %get3A_655 : vector<16xf32> to vector<16xf32>
        %mul3A_657 = arith.constant 512 : i32
        %mul3A_658 = arith.muli %scan3A_540, %mul3A_657 : i32
        %add3A_659 = arith.constant 160 : i32
        %add3A_660 = arith.addi %mul3A_658, %add3A_659 : i32
        %get3A_661 = arith.index_cast %add3A_660 : i32 to index
        %get3A_662 = tpu.vector_load %arg7[%get3A_661] {strides = array<i32>} : memref<32768xf32, #tpu.memory_space<vmem>>, vector<16xf32>,
        %get3A_663 = vector.shape_cast %get3A_662 : vector<16xf32> to vector<16xf32>
        %mul3A_664 = arith.constant 512 : i32
        %mul3A_665 = arith.muli %scan3A_540, %mul3A_664 : i32
        %add3A_666 = arith.constant 176 : i32
        %add3A_667 = arith.addi %mul3A_665, %add3A_666 : i32
        %get3A_668 = arith.index_cast %add3A_667 : i32 to index
        %get3A_669 = tpu.vector_load %arg7[%get3A_668] {strides = array<i32>} : memref<32768xf32, #tpu.memory_space<vmem>>, vector<16xf32>,
        %get3A_670 = vector.shape_cast %get3A_669 : vector<16xf32> to vector<16xf32>
        %mul3A_671 = arith.constant 512 : i32
        %mul3A_672 = arith.muli %scan3A_540, %mul3A_671 : i32
        %add3A_673 = arith.constant 192 : i32
        %add3A_674 = arith.addi %mul3A_672, %add3A_673 : i32
        %get3A_675 = arith.index_cast %add3A_674 : i32 to index
        %get3A_676 = tpu.vector_load %arg7[%get3A_675] {strides = array<i32>} : memref<32768xf32, #tpu.memory_space<vmem>>, vector<16xf32>,
        %get3A_677 = vector.shape_cast %get3A_676 : vector<16xf32> to vector<16xf32>
        %mul3A_678 = arith.constant 512 : i32
        %mul3A_679 = arith.muli %scan3A_540, %mul3A_678 : i32
        %add3A_680 = arith.constant 208 : i32
        %add3A_681 = arith.addi %mul3A_679, %add3A_680 : i32
        %get3A_682 = arith.index_cast %add3A_681 : i32 to index
        %get3A_683 = tpu.vector_load %arg7[%get3A_682] {strides = array<i32>} : memref<32768xf32, #tpu.memory_space<vmem>>, vector<16xf32>,
        %get3A_684 = vector.shape_cast %get3A_683 : vector<16xf32> to vector<16xf32>
        %mul3A_685 = arith.constant 512 : i32
        %mul3A_686 = arith.muli %scan3A_540, %mul3A_685 : i32
        %add3A_687 = arith.constant 224 : i32
        %add3A_688 = arith.addi %mul3A_686, %add3A_687 : i32
        %get3A_689 = arith.index_cast %add3A_688 : i32 to index
        %get3A_690 = tpu.vector_load %arg7[%get3A_689] {strides = array<i32>} : memref<32768xf32, #tpu.memory_space<vmem>>, vector<16xf32>,
        %get3A_691 = vector.shape_cast %get3A_690 : vector<16xf32> to vector<16xf32>
        %mul3A_692 = arith.constant 512 : i32
        %mul3A_693 = arith.muli %scan3A_540, %mul3A_692 : i32
        %add3A_694 = arith.constant 240 : i32
        %add3A_695 = arith.addi %mul3A_693, %add3A_694 : i32
        %get3A_696 = arith.index_cast %add3A_695 : i32 to index
        %get3A_697 = tpu.vector_load %arg7[%get3A_696] {strides = array<i32>} : memref<32768xf32, #tpu.memory_space<vmem>>, vector<16xf32>,
        %get3A_698 = vector.shape_cast %get3A_697 : vector<16xf32> to vector<16xf32>
        %mul3A_699 = arith.constant 512 : i32
        %mul3A_700 = arith.muli %scan3A_540, %mul3A_699 : i32
        %add3A_701 = arith.constant 256 : i32
        %add3A_702 = arith.addi %mul3A_700, %add3A_701 : i32
        %get3A_703 = arith.index_cast %add3A_702 : i32 to index
        %get3A_704 = tpu.vector_load %arg7[%get3A_703] {strides = array<i32>} : memref<32768xf32, #tpu.memory_space<vmem>>, vector<16xf32>,
        %get3A_705 = vector.shape_cast %get3A_704 : vector<16xf32> to vector<16xf32>
        %mul3A_706 = arith.constant 512 : i32
        %mul3A_707 = arith.muli %scan3A_540, %mul3A_706 : i32
        %add3A_708 = arith.constant 272 : i32
        %add3A_709 = arith.addi %mul3A_707, %add3A_708 : i32
        %get3A_710 = arith.index_cast %add3A_709 : i32 to index
        %get3A_711 = tpu.vector_load %arg7[%get3A_710] {strides = array<i32>} : memref<32768xf32, #tpu.memory_space<vmem>>, vector<16xf32>,
        %get3A_712 = vector.shape_cast %get3A_711 : vector<16xf32> to vector<16xf32>
        %mul3A_713 = arith.constant 512 : i32
        %mul3A_714 = arith.muli %scan3A_540, %mul3A_713 : i32
        %add3A_715 = arith.constant 288 : i32
        %add3A_716 = arith.addi %mul3A_714, %add3A_715 : i32
        %get3A_717 = arith.index_cast %add3A_716 : i32 to index
        %get3A_718 = tpu.vector_load %arg7[%get3A_717] {strides = array<i32>} : memref<32768xf32, #tpu.memory_space<vmem>>, vector<16xf32>,
        %get3A_719 = vector.shape_cast %get3A_718 : vector<16xf32> to vector<16xf32>
        %mul3A_720 = arith.constant 512 : i32
        %mul3A_721 = arith.muli %scan3A_540, %mul3A_720 : i32
        %add3A_722 = arith.constant 304 : i32
        %add3A_723 = arith.addi %mul3A_721, %add3A_722 : i32
        %get3A_724 = arith.index_cast %add3A_723 : i32 to index
        %get3A_725 = tpu.vector_load %arg7[%get3A_724] {strides = array<i32>} : memref<32768xf32, #tpu.memory_space<vmem>>, vector<16xf32>,
        %get3A_726 = vector.shape_cast %get3A_725 : vector<16xf32> to vector<16xf32>
        %mul3A_727 = arith.constant 512 : i32
        %mul3A_728 = arith.muli %scan3A_540, %mul3A_727 : i32
        %add3A_729 = arith.constant 320 : i32
        %add3A_730 = arith.addi %mul3A_728, %add3A_729 : i32
        %get3A_731 = arith.index_cast %add3A_730 : i32 to index
        %get3A_732 = tpu.vector_load %arg7[%get3A_731] {strides = array<i32>} : memref<32768xf32, #tpu.memory_space<vmem>>, vector<16xf32>,
        %get3A_733 = vector.shape_cast %get3A_732 : vector<16xf32> to vector<16xf32>
        %mul3A_734 = arith.constant 512 : i32
        %mul3A_735 = arith.muli %scan3A_540, %mul3A_734 : i32
        %add3A_736 = arith.constant 336 : i32
        %add3A_737 = arith.addi %mul3A_735, %add3A_736 : i32
        %get3A_738 = arith.index_cast %add3A_737 : i32 to index
        %get3A_739 = tpu.vector_load %arg7[%get3A_738] {strides = array<i32>} : memref<32768xf32, #tpu.memory_space<vmem>>, vector<16xf32>,
        %get3A_740 = vector.shape_cast %get3A_739 : vector<16xf32> to vector<16xf32>
        %mul3A_741 = arith.constant 512 : i32
        %mul3A_742 = arith.muli %scan3A_540, %mul3A_741 : i32
        %add3A_743 = arith.constant 352 : i32
        %add3A_744 = arith.addi %mul3A_742, %add3A_743 : i32
        %get3A_745 = arith.index_cast %add3A_744 : i32 to index
        %get3A_746 = tpu.vector_load %arg7[%get3A_745] {strides = array<i32>} : memref<32768xf32, #tpu.memory_space<vmem>>, vector<16xf32>,
        %get3A_747 = vector.shape_cast %get3A_746 : vector<16xf32> to vector<16xf32>
        %mul3A_748 = arith.constant 512 : i32
        %mul3A_749 = arith.muli %scan3A_540, %mul3A_748 : i32
        %add3A_750 = arith.constant 368 : i32
        %add3A_751 = arith.addi %mul3A_749, %add3A_750 : i32
        %get3A_752 = arith.index_cast %add3A_751 : i32 to index
        %get3A_753 = tpu.vector_load %arg7[%get3A_752] {strides = array<i32>} : memref<32768xf32, #tpu.memory_space<vmem>>, vector<16xf32>,
        %get3A_754 = vector.shape_cast %get3A_753 : vector<16xf32> to vector<16xf32>
        %mul3A_755 = arith.constant 512 : i32
        %mul3A_756 = arith.muli %scan3A_540, %mul3A_755 : i32
        %add3A_757 = arith.constant 384 : i32
        %add3A_758 = arith.addi %mul3A_756, %add3A_757 : i32
        %get3A_759 = arith.index_cast %add3A_758 : i32 to index
        %get3A_760 = tpu.vector_load %arg7[%get3A_759] {strides = array<i32>} : memref<32768xf32, #tpu.memory_space<vmem>>, vector<16xf32>,
        %get3A_761 = vector.shape_cast %get3A_760 : vector<16xf32> to vector<16xf32>
        %mul3A_762 = arith.constant 512 : i32
        %mul3A_763 = arith.muli %scan3A_540, %mul3A_762 : i32
        %add3A_764 = arith.constant 400 : i32
        %add3A_765 = arith.addi %mul3A_763, %add3A_764 : i32
        %get3A_766 = arith.index_cast %add3A_765 : i32 to index
        %get3A_767 = tpu.vector_load %arg7[%get3A_766] {strides = array<i32>} : memref<32768xf32, #tpu.memory_space<vmem>>, vector<16xf32>,
        %get3A_768 = vector.shape_cast %get3A_767 : vector<16xf32> to vector<16xf32>
        %mul3A_769 = arith.constant 512 : i32
        %mul3A_770 = arith.muli %scan3A_540, %mul3A_769 : i32
        %add3A_771 = arith.constant 416 : i32
        %add3A_772 = arith.addi %mul3A_770, %add3A_771 : i32
        %get3A_773 = arith.index_cast %add3A_772 : i32 to index
        %get3A_774 = tpu.vector_load %arg7[%get3A_773] {strides = array<i32>} : memref<32768xf32, #tpu.memory_space<vmem>>, vector<16xf32>,
        %get3A_775 = vector.shape_cast %get3A_774 : vector<16xf32> to vector<16xf32>
        %mul3A_776 = arith.constant 512 : i32
        %mul3A_777 = arith.muli %scan3A_540, %mul3A_776 : i32
        %add3A_778 = arith.constant 432 : i32
        %add3A_779 = arith.addi %mul3A_777, %add3A_778 : i32
        %get3A_780 = arith.index_cast %add3A_779 : i32 to index
        %get3A_781 = tpu.vector_load %arg7[%get3A_780] {strides = array<i32>} : memref<32768xf32, #tpu.memory_space<vmem>>, vector<16xf32>,
        %get3A_782 = vector.shape_cast %get3A_781 : vector<16xf32> to vector<16xf32>
        %mul3A_783 = arith.constant 512 : i32
        %mul3A_784 = arith.muli %scan3A_540, %mul3A_783 : i32
        %add3A_785 = arith.constant 448 : i32
        %add3A_786 = arith.addi %mul3A_784, %add3A_785 : i32
        %get3A_787 = arith.index_cast %add3A_786 : i32 to index
        %get3A_788 = tpu.vector_load %arg7[%get3A_787] {strides = array<i32>} : memref<32768xf32, #tpu.memory_space<vmem>>, vector<16xf32>,
        %get3A_789 = vector.shape_cast %get3A_788 : vector<16xf32> to vector<16xf32>
        %mul3A_790 = arith.constant 512 : i32
        %mul3A_791 = arith.muli %scan3A_540, %mul3A_790 : i32
        %add3A_792 = arith.constant 464 : i32
        %add3A_793 = arith.addi %mul3A_791, %add3A_792 : i32
        %get3A_794 = arith.index_cast %add3A_793 : i32 to index
        %get3A_795 = tpu.vector_load %arg7[%get3A_794] {strides = array<i32>} : memref<32768xf32, #tpu.memory_space<vmem>>, vector<16xf32>,
        %get3A_796 = vector.shape_cast %get3A_795 : vector<16xf32> to vector<16xf32>
        %mul3A_797 = arith.constant 512 : i32
        %mul3A_798 = arith.muli %scan3A_540, %mul3A_797 : i32
        %add3A_799 = arith.constant 480 : i32
        %add3A_800 = arith.addi %mul3A_798, %add3A_799 : i32
        %get3A_801 = arith.index_cast %add3A_800 : i32 to index
        %get3A_802 = tpu.vector_load %arg7[%get3A_801] {strides = array<i32>} : memref<32768xf32, #tpu.memory_space<vmem>>, vector<16xf32>,
        %get3A_803 = vector.shape_cast %get3A_802 : vector<16xf32> to vector<16xf32>
        %mul3A_804 = arith.constant 512 : i32
        %mul3A_805 = arith.muli %scan3A_540, %mul3A_804 : i32
        %add3A_806 = arith.constant 496 : i32
        %add3A_807 = arith.addi %mul3A_805, %add3A_806 : i32
        %get3A_808 = arith.index_cast %add3A_807 : i32 to index
        %get3A_809 = tpu.vector_load %arg7[%get3A_808] {strides = array<i32>} : memref<32768xf32, #tpu.memory_space<vmem>>, vector<16xf32>,
        %get3A_810 = vector.shape_cast %get3A_809 : vector<16xf32> to vector<16xf32>
        %add3A_811 = arith.addf %scan3A_543, %get3A_593 : vector<16xf32>
        %select_n3A_812 = arith.select %ne3A_583, %get3A_593, %add3A_811 : vector<16xf32>
        %add3A_813 = arith.addf %scan3A_544, %get3A_600 : vector<16xf32>
        %select_n3A_814 = arith.select %ne3A_583, %get3A_600, %add3A_813 : vector<16xf32>
        %add3A_815 = arith.addf %scan3A_545, %get3A_607 : vector<16xf32>
        %select_n3A_816 = arith.select %ne3A_583, %get3A_607, %add3A_815 : vector<16xf32>
        %add3A_817 = arith.addf %scan3A_546, %get3A_614 : vector<16xf32>
        %select_n3A_818 = arith.select %ne3A_583, %get3A_614, %add3A_817 : vector<16xf32>
        %add3A_819 = arith.addf %scan3A_547, %get3A_621 : vector<16xf32>
        %select_n3A_820 = arith.select %ne3A_583, %get3A_621, %add3A_819 : vector<16xf32>
        %add3A_821 = arith.addf %scan3A_548, %get3A_628 : vector<16xf32>
        %select_n3A_822 = arith.select %ne3A_583, %get3A_628, %add3A_821 : vector<16xf32>
        %add3A_823 = arith.addf %scan3A_549, %get3A_635 : vector<16xf32>
        %select_n3A_824 = arith.select %ne3A_583, %get3A_635, %add3A_823 : vector<16xf32>
        %add3A_825 = arith.addf %scan3A_550, %get3A_642 : vector<16xf32>
        %select_n3A_826 = arith.select %ne3A_583, %get3A_642, %add3A_825 : vector<16xf32>
        %add3A_827 = arith.addf %scan3A_551, %get3A_649 : vector<16xf32>
        %select_n3A_828 = arith.select %ne3A_583, %get3A_649, %add3A_827 : vector<16xf32>
        %add3A_829 = arith.addf %scan3A_552, %get3A_656 : vector<16xf32>
        %select_n3A_830 = arith.select %ne3A_583, %get3A_656, %add3A_829 : vector<16xf32>
        %add3A_831 = arith.addf %scan3A_553, %get3A_663 : vector<16xf32>
        %select_n3A_832 = arith.select %ne3A_583, %get3A_663, %add3A_831 : vector<16xf32>
        %add3A_833 = arith.addf %scan3A_554, %get3A_670 : vector<16xf32>
        %select_n3A_834 = arith.select %ne3A_583, %get3A_670, %add3A_833 : vector<16xf32>
        %add3A_835 = arith.addf %scan3A_555, %get3A_677 : vector<16xf32>
        %select_n3A_836 = arith.select %ne3A_583, %get3A_677, %add3A_835 : vector<16xf32>
        %add3A_837 = arith.addf %scan3A_556, %get3A_684 : vector<16xf32>
        %select_n3A_838 = arith.select %ne3A_583, %get3A_684, %add3A_837 : vector<16xf32>
        %add3A_839 = arith.addf %scan3A_557, %get3A_691 : vector<16xf32>
        %select_n3A_840 = arith.select %ne3A_583, %get3A_691, %add3A_839 : vector<16xf32>
        %add3A_841 = arith.addf %scan3A_558, %get3A_698 : vector<16xf32>
        %select_n3A_842 = arith.select %ne3A_583, %get3A_698, %add3A_841 : vector<16xf32>
        %add3A_843 = arith.addf %scan3A_559, %get3A_705 : vector<16xf32>
        %select_n3A_844 = arith.select %ne3A_583, %get3A_705, %add3A_843 : vector<16xf32>
        %add3A_845 = arith.addf %scan3A_560, %get3A_712 : vector<16xf32>
        %select_n3A_846 = arith.select %ne3A_583, %get3A_712, %add3A_845 : vector<16xf32>
        %add3A_847 = arith.addf %scan3A_561, %get3A_719 : vector<16xf32>
        %select_n3A_848 = arith.select %ne3A_583, %get3A_719, %add3A_847 : vector<16xf32>
        %add3A_849 = arith.addf %scan3A_562, %get3A_726 : vector<16xf32>
        %select_n3A_850 = arith.select %ne3A_583, %get3A_726, %add3A_849 : vector<16xf32>
        %add3A_851 = arith.addf %scan3A_563, %get3A_733 : vector<16xf32>
        %select_n3A_852 = arith.select %ne3A_583, %get3A_733, %add3A_851 : vector<16xf32>
        %add3A_853 = arith.addf %scan3A_564, %get3A_740 : vector<16xf32>
        %select_n3A_854 = arith.select %ne3A_583, %get3A_740, %add3A_853 : vector<16xf32>
        %add3A_855 = arith.addf %scan3A_565, %get3A_747 : vector<16xf32>
        %select_n3A_856 = arith.select %ne3A_583, %get3A_747, %add3A_855 : vector<16xf32>
        %add3A_857 = arith.addf %scan3A_566, %get3A_754 : vector<16xf32>
        %select_n3A_858 = arith.select %ne3A_583, %get3A_754, %add3A_857 : vector<16xf32>
        %add3A_859 = arith.addf %scan3A_567, %get3A_761 : vector<16xf32>
        %select_n3A_860 = arith.select %ne3A_583, %get3A_761, %add3A_859 : vector<16xf32>
        %add3A_861 = arith.addf %scan3A_568, %get3A_768 : vector<16xf32>
        %select_n3A_862 = arith.select %ne3A_583, %get3A_768, %add3A_861 : vector<16xf32>
        %add3A_863 = arith.addf %scan3A_569, %get3A_775 : vector<16xf32>
        %select_n3A_864 = arith.select %ne3A_583, %get3A_775, %add3A_863 : vector<16xf32>
        %add3A_865 = arith.addf %scan3A_570, %get3A_782 : vector<16xf32>
        %select_n3A_866 = arith.select %ne3A_583, %get3A_782, %add3A_865 : vector<16xf32>
        %add3A_867 = arith.addf %scan3A_571, %get3A_789 : vector<16xf32>
        %select_n3A_868 = arith.select %ne3A_583, %get3A_789, %add3A_867 : vector<16xf32>
        %add3A_869 = arith.addf %scan3A_572, %get3A_796 : vector<16xf32>
        %select_n3A_870 = arith.select %ne3A_583, %get3A_796, %add3A_869 : vector<16xf32>
        %add3A_871 = arith.addf %scan3A_573, %get3A_803 : vector<16xf32>
        %select_n3A_872 = arith.select %ne3A_583, %get3A_803, %add3A_871 : vector<16xf32>
        %add3A_873 = arith.addf %scan3A_574, %get3A_810 : vector<16xf32>
        %select_n3A_874 = arith.select %ne3A_583, %get3A_810, %add3A_873 : vector<16xf32>
        %sub3A_875 = arith.subi %squeeze3A_582, %scan3A_541 : i32
        %add3A_876 = arith.addi %scan3A_542, %sub3A_875 : i32
        %select_n3A_877 = arith.select %ne3A_583, %add3A_876, %scan3A_542 : i32
        scf.yield %squeeze3A_582, %select_n3A_877, %select_n3A_812, %select_n3A_814, %select_n3A_816, %select_n3A_818, %select_n3A_820, %select_n3A_822, %select_n3A_824, %select_n3A_826, %select_n3A_828, %select_n3A_830, %select_n3A_832, %select_n3A_834, %select_n3A_836, %select_n3A_838, %select_n3A_840, %select_n3A_842, %select_n3A_844, %select_n3A_846, %select_n3A_848, %select_n3A_850, %select_n3A_852, %select_n3A_854, %select_n3A_856, %select_n3A_858, %select_n3A_860, %select_n3A_862, %select_n3A_864, %select_n3A_866, %select_n3A_868, %select_n3A_870, %select_n3A_872, %select_n3A_874 : i32, i32, vector<16xf32>, vector<16xf32>, vector<16xf32>, vector<16xf32>, vector<16xf32>, vector<16xf32>, vector<16xf32>, vector<16xf32>, vector<16xf32>, vector<16xf32>, vector<16xf32>, vector<16xf32>, vector<16xf32>, vector<16xf32>, vector<16xf32>, vector<16xf32>, vector<16xf32>, vector<16xf32>, vector<16xf32>, vector<16xf32>, vector<16xf32>, vector<16xf32>, vector<16xf32>, vector<16xf32>, vector<16xf32>, vector<16xf32>, vector<16xf32>, vector<16xf32>, vector<16xf32>, vector<16xf32>, vector<16xf32>, vector<16xf32>
      }
      %scan3A_522 = arith.constant 64 : i32
      %dma_wait3A_523 = arith.constant 0 : i32
      %dma_wait3A_524 = tpu.memref_slice %arg2[%dma_wait3A_523] : memref<8388608xf32, #tpu.memory_space<hbm>> -> memref<32768xf32, #tpu.memory_space<hbm>>
      %dma_wait3A_525 = arith.constant 0 : i32
      %dma_wait3A_526 = tpu.memref_slice %arg2[%dma_wait3A_525] : memref<8388608xf32, #tpu.memory_space<hbm>> -> memref<32768xf32, #tpu.memory_space<hbm>>
      tpu.wait_dma2 semaphore(%arg14 : memref<!tpu.dma_semaphore, #tpu.memory_space<semaphore_mem>>) src(%dma_wait3A_526 : memref<32768xf32, #tpu.memory_space<hbm>>) dst(%arg8 : memref<32768xf32, #tpu.memory_space<vmem>>)
      %lt3A_527 = arith.constant 3 : i32
      %lt3A_528 = arith.cmpi slt, %scan3A_468, %lt3A_527 : i32
      %convert_element_type3A_529 = arith.extui %lt3A_528 : i1 to i32
      %cond3A_530 = arith.constant 0 : i32
      %cond3A_531 = arith.cmpi ne, %convert_element_type3A_529, %cond3A_530 : i32
      scf.if %cond3A_531 {
        %add3A_540 = arith.constant 2 : i32
        %add3A_541 = arith.addi %mul3A_504, %add3A_540 : i32
        %mul3A_542 = arith.constant 64 : i32
        %mul3A_543 = arith.muli %add3A_541, %mul3A_542 : i32
        %add3A_544 = arith.addi %mul3A_2, %mul3A_543 : i32
        %mul3A_545 = arith.constant 512 : i32
        %mul3A_546 = arith.muli %add3A_544, %mul3A_545 : i32
        %dma_start3A_547 = tpu.memref_slice %arg2[%mul3A_546] : memref<8388608xf32, #tpu.memory_space<hbm>> -> memref<32768xf32, #tpu.memory_space<hbm>>
        %dma_start3A_548 = tpu.memref_slice %arg2[%mul3A_546] : memref<8388608xf32, #tpu.memory_space<hbm>> -> memref<32768xf32, #tpu.memory_space<hbm>>
        tpu.enqueue_dma source(%dma_start3A_548 : memref<32768xf32, #tpu.memory_space<hbm>>) target(%arg7 : memref<32768xf32, #tpu.memory_space<vmem>>) target_semaphore(%arg13 : memref<!tpu.dma_semaphore, #tpu.memory_space<semaphore_mem>>)
      } else {
      }
      %add3A_532 = arith.constant 1 : i32
      %add3A_533 = arith.addi %mul3A_504, %add3A_532 : i32
      %scan3A_534 = arith.constant 0 : i32
      %scan3A_535 = arith.constant 64 : i32
      %scan3A_536 = arith.addi %scan3A_534, %scan3A_535 : i32
      %scan3A_537 = arith.constant 1 : i32
      %scan3A_538:34 = scf.for %scan3A_540 = %scan3A_534 to %scan3A_536 step %scan3A_537 iter_args(%scan3A_541 = %scan3A_521#0, %scan3A_542 = %scan3A_521#1, %scan3A_543 = %scan3A_521#2, %scan3A_544 = %scan3A_521#3, %scan3A_545 = %scan3A_521#4, %scan3A_546 = %scan3A_521#5, %scan3A_547 = %scan3A_521#6, %scan3A_548 = %scan3A_521#7, %scan3A_549 = %scan3A_521#8, %scan3A_550 = %scan3A_521#9, %scan3A_551 = %scan3A_521#10, %scan3A_552 = %scan3A_521#11, %scan3A_553 = %scan3A_521#12, %scan3A_554 = %scan3A_521#13, %scan3A_555 = %scan3A_521#14, %scan3A_556 = %scan3A_521#15, %scan3A_557 = %scan3A_521#16, %scan3A_558 = %scan3A_521#17, %scan3A_559 = %scan3A_521#18, %scan3A_560 = %scan3A_521#19, %scan3A_561 = %scan3A_521#20, %scan3A_562 = %scan3A_521#21, %scan3A_563 = %scan3A_521#22, %scan3A_564 = %scan3A_521#23, %scan3A_565 = %scan3A_521#24, %scan3A_566 = %scan3A_521#25, %scan3A_567 = %scan3A_521#26, %scan3A_568 = %scan3A_521#27, %scan3A_569 = %scan3A_521#28, %scan3A_570 = %scan3A_521#29, %scan3A_571 = %scan3A_521#30, %scan3A_572 = %scan3A_521#31, %scan3A_573 = %scan3A_521#32, %scan3A_574 = %scan3A_521#33) -> (i32, i32, vector<16xf32>, vector<16xf32>, vector<16xf32>, vector<16xf32>, vector<16xf32>, vector<16xf32>, vector<16xf32>, vector<16xf32>, vector<16xf32>, vector<16xf32>, vector<16xf32>, vector<16xf32>, vector<16xf32>, vector<16xf32>, vector<16xf32>, vector<16xf32>, vector<16xf32>, vector<16xf32>, vector<16xf32>, vector<16xf32>, vector<16xf32>, vector<16xf32>, vector<16xf32>, vector<16xf32>, vector<16xf32>, vector<16xf32>, vector<16xf32>, vector<16xf32>, vector<16xf32>, vector<16xf32>, vector<16xf32>, vector<16xf32>)  : i32 {
        %mul3A_575 = arith.constant 64 : i32
        %mul3A_576 = arith.muli %add3A_533, %mul3A_575 : i32
        %add3A_577 = arith.addi %mul3A_576, %scan3A_540 : i32
        %get3A_578 = arith.index_cast %add3A_577 : i32 to index
        %get3A_579 = tpu.vector_load %arg11[%get3A_578] {strides = array<i32>} : memref<528xi32, #tpu.memory_space<vmem>>, vector<16xi32>,
        %get3A_580 = vector.shape_cast %get3A_579 : vector<16xi32> to vector<16xi32>
        %slice3A_581 = vector.extract_strided_slice %get3A_580 {offsets = [0], sizes = [1], strides = [1]} : vector<16xi32> to vector<1xi32>
        %squeeze3A_582 = vector.extract %slice3A_581[0] : i32 from vector<1xi32>
        %ne3A_583 = arith.cmpi ne, %squeeze3A_582, %scan3A_541 : i32
        %convert_element_type3A_584 = arith.extui %ne3A_583 : i1 to i32
        %cond3A_585 = arith.constant 0 : i32
        %cond3A_586 = arith.cmpi ne, %convert_element_type3A_584, %cond3A_585 : i32
        scf.if %cond3A_586 {
          %jit3A_878 = arith.constant 32 : i32
          %eq3A_879 = arith.constant 0 : i32
          %eq3A_880 = arith.cmpi eq, %jit3A_878, %eq3A_879 : i32
          %jit3A_881 = arith.constant 1 : i32
          %select_n3A_882 = arith.select %eq3A_880, %jit3A_881, %jit3A_878 : i32
          %rem3A_883 = arith.remsi %scan3A_542, %select_n3A_882 : i32
          %ne3A_884 = arith.constant 0 : i32
          %ne3A_885 = arith.cmpi ne, %rem3A_883, %ne3A_884 : i32
          %lt3A_886 = arith.constant 0 : i32
          %lt3A_887 = arith.cmpi slt, %rem3A_883, %lt3A_886 : i32
          %lt3A_888 = arith.constant 0 : i32
          %lt3A_889 = arith.cmpi slt, %select_n3A_882, %lt3A_888 : i32
          %ne3A_890 = arith.xori %lt3A_887, %lt3A_889 : i1
          %and3A_891 = arith.andi %ne3A_890, %ne3A_885 : i1
          %add3A_892 = arith.addi %rem3A_883, %select_n3A_882 : i32
          %select_n3A_893 = arith.select %and3A_891, %add3A_892, %rem3A_883 : i32
          %mul3A_894 = arith.constant 512 : i32
          %mul3A_895 = arith.muli %select_n3A_893, %mul3A_894 : i32
          %add3A_896 = arith.constant 0 : i32
          %add3A_897 = arith.addi %mul3A_895, %add3A_896 : i32
          %swap3A_898 = arith.index_cast %add3A_897 : i32 to index
          %swap3A_899 = tpu.vector_load %arg9[%swap3A_898] {strides = array<i32>} : memref<16384xf32, #tpu.memory_space<vmem>>, vector<16xf32>,
          %swap3A_900 = vector.shape_cast %swap3A_899 : vector<16xf32> to vector<16xf32>
          %swap3A_901 = vector.shape_cast %scan3A_543 : vector<16xf32> to vector<16xf32>
          tpu.vector_store %arg9[%swap3A_898], %swap3A_901 {strides = array<i32>} : memref<16384xf32, #tpu.memory_space<vmem>>, vector<16xf32>,
          %add3A_902 = arith.constant 16 : i32
          %add3A_903 = arith.addi %mul3A_895, %add3A_902 : i32
          %swap3A_904 = arith.index_cast %add3A_903 : i32 to index
          %swap3A_905 = tpu.vector_load %arg9[%swap3A_904] {strides = array<i32>} : memref<16384xf32, #tpu.memory_space<vmem>>, vector<16xf32>,
          %swap3A_906 = vector.shape_cast %swap3A_905 : vector<16xf32> to vector<16xf32>
          %swap3A_907 = vector.shape_cast %scan3A_544 : vector<16xf32> to vector<16xf32>
          tpu.vector_store %arg9[%swap3A_904], %swap3A_907 {strides = array<i32>} : memref<16384xf32, #tpu.memory_space<vmem>>, vector<16xf32>,
          %add3A_908 = arith.constant 32 : i32
          %add3A_909 = arith.addi %mul3A_895, %add3A_908 : i32
          %swap3A_910 = arith.index_cast %add3A_909 : i32 to index
          %swap3A_911 = tpu.vector_load %arg9[%swap3A_910] {strides = array<i32>} : memref<16384xf32, #tpu.memory_space<vmem>>, vector<16xf32>,
          %swap3A_912 = vector.shape_cast %swap3A_911 : vector<16xf32> to vector<16xf32>
          %swap3A_913 = vector.shape_cast %scan3A_545 : vector<16xf32> to vector<16xf32>
          tpu.vector_store %arg9[%swap3A_910], %swap3A_913 {strides = array<i32>} : memref<16384xf32, #tpu.memory_space<vmem>>, vector<16xf32>,
          %add3A_914 = arith.constant 48 : i32
          %add3A_915 = arith.addi %mul3A_895, %add3A_914 : i32
          %swap3A_916 = arith.index_cast %add3A_915 : i32 to index
          %swap3A_917 = tpu.vector_load %arg9[%swap3A_916] {strides = array<i32>} : memref<16384xf32, #tpu.memory_space<vmem>>, vector<16xf32>,
          %swap3A_918 = vector.shape_cast %swap3A_917 : vector<16xf32> to vector<16xf32>
          %swap3A_919 = vector.shape_cast %scan3A_546 : vector<16xf32> to vector<16xf32>
          tpu.vector_store %arg9[%swap3A_916], %swap3A_919 {strides = array<i32>} : memref<16384xf32, #tpu.memory_space<vmem>>, vector<16xf32>,
          %add3A_920 = arith.constant 64 : i32
          %add3A_921 = arith.addi %mul3A_895, %add3A_920 : i32
          %swap3A_922 = arith.index_cast %add3A_921 : i32 to index
          %swap3A_923 = tpu.vector_load %arg9[%swap3A_922] {strides = array<i32>} : memref<16384xf32, #tpu.memory_space<vmem>>, vector<16xf32>,
          %swap3A_924 = vector.shape_cast %swap3A_923 : vector<16xf32> to vector<16xf32>
          %swap3A_925 = vector.shape_cast %scan3A_547 : vector<16xf32> to vector<16xf32>
          tpu.vector_store %arg9[%swap3A_922], %swap3A_925 {strides = array<i32>} : memref<16384xf32, #tpu.memory_space<vmem>>, vector<16xf32>,
          %add3A_926 = arith.constant 80 : i32
          %add3A_927 = arith.addi %mul3A_895, %add3A_926 : i32
          %swap3A_928 = arith.index_cast %add3A_927 : i32 to index
          %swap3A_929 = tpu.vector_load %arg9[%swap3A_928] {strides = array<i32>} : memref<16384xf32, #tpu.memory_space<vmem>>, vector<16xf32>,
          %swap3A_930 = vector.shape_cast %swap3A_929 : vector<16xf32> to vector<16xf32>
          %swap3A_931 = vector.shape_cast %scan3A_548 : vector<16xf32> to vector<16xf32>
          tpu.vector_store %arg9[%swap3A_928], %swap3A_931 {strides = array<i32>} : memref<16384xf32, #tpu.memory_space<vmem>>, vector<16xf32>,
          %add3A_932 = arith.constant 96 : i32
          %add3A_933 = arith.addi %mul3A_895, %add3A_932 : i32
          %swap3A_934 = arith.index_cast %add3A_933 : i32 to index
          %swap3A_935 = tpu.vector_load %arg9[%swap3A_934] {strides = array<i32>} : memref<16384xf32, #tpu.memory_space<vmem>>, vector<16xf32>,
          %swap3A_936 = vector.shape_cast %swap3A_935 : vector<16xf32> to vector<16xf32>
          %swap3A_937 = vector.shape_cast %scan3A_549 : vector<16xf32> to vector<16xf32>
          tpu.vector_store %arg9[%swap3A_934], %swap3A_937 {strides = array<i32>} : memref<16384xf32, #tpu.memory_space<vmem>>, vector<16xf32>,
          %add3A_938 = arith.constant 112 : i32
          %add3A_939 = arith.addi %mul3A_895, %add3A_938 : i32
          %swap3A_940 = arith.index_cast %add3A_939 : i32 to index
          %swap3A_941 = tpu.vector_load %arg9[%swap3A_940] {strides = array<i32>} : memref<16384xf32, #tpu.memory_space<vmem>>, vector<16xf32>,
          %swap3A_942 = vector.shape_cast %swap3A_941 : vector<16xf32> to vector<16xf32>
          %swap3A_943 = vector.shape_cast %scan3A_550 : vector<16xf32> to vector<16xf32>
          tpu.vector_store %arg9[%swap3A_940], %swap3A_943 {strides = array<i32>} : memref<16384xf32, #tpu.memory_space<vmem>>, vector<16xf32>,
          %add3A_944 = arith.constant 128 : i32
          %add3A_945 = arith.addi %mul3A_895, %add3A_944 : i32
          %swap3A_946 = arith.index_cast %add3A_945 : i32 to index
          %swap3A_947 = tpu.vector_load %arg9[%swap3A_946] {strides = array<i32>} : memref<16384xf32, #tpu.memory_space<vmem>>, vector<16xf32>,
          %swap3A_948 = vector.shape_cast %swap3A_947 : vector<16xf32> to vector<16xf32>
          %swap3A_949 = vector.shape_cast %scan3A_551 : vector<16xf32> to vector<16xf32>
          tpu.vector_store %arg9[%swap3A_946], %swap3A_949 {strides = array<i32>} : memref<16384xf32, #tpu.memory_space<vmem>>, vector<16xf32>,
          %add3A_950 = arith.constant 144 : i32
          %add3A_951 = arith.addi %mul3A_895, %add3A_950 : i32
          %swap3A_952 = arith.index_cast %add3A_951 : i32 to index
          %swap3A_953 = tpu.vector_load %arg9[%swap3A_952] {strides = array<i32>} : memref<16384xf32, #tpu.memory_space<vmem>>, vector<16xf32>,
          %swap3A_954 = vector.shape_cast %swap3A_953 : vector<16xf32> to vector<16xf32>
          %swap3A_955 = vector.shape_cast %scan3A_552 : vector<16xf32> to vector<16xf32>
          tpu.vector_store %arg9[%swap3A_952], %swap3A_955 {strides = array<i32>} : memref<16384xf32, #tpu.memory_space<vmem>>, vector<16xf32>,
          %add3A_956 = arith.constant 160 : i32
          %add3A_957 = arith.addi %mul3A_895, %add3A_956 : i32
          %swap3A_958 = arith.index_cast %add3A_957 : i32 to index
          %swap3A_959 = tpu.vector_load %arg9[%swap3A_958] {strides = array<i32>} : memref<16384xf32, #tpu.memory_space<vmem>>, vector<16xf32>,
          %swap3A_960 = vector.shape_cast %swap3A_959 : vector<16xf32> to vector<16xf32>
          %swap3A_961 = vector.shape_cast %scan3A_553 : vector<16xf32> to vector<16xf32>
          tpu.vector_store %arg9[%swap3A_958], %swap3A_961 {strides = array<i32>} : memref<16384xf32, #tpu.memory_space<vmem>>, vector<16xf32>,
          %add3A_962 = arith.constant 176 : i32
          %add3A_963 = arith.addi %mul3A_895, %add3A_962 : i32
          %swap3A_964 = arith.index_cast %add3A_963 : i32 to index
          %swap3A_965 = tpu.vector_load %arg9[%swap3A_964] {strides = array<i32>} : memref<16384xf32, #tpu.memory_space<vmem>>, vector<16xf32>,
          %swap3A_966 = vector.shape_cast %swap3A_965 : vector<16xf32> to vector<16xf32>
          %swap3A_967 = vector.shape_cast %scan3A_554 : vector<16xf32> to vector<16xf32>
          tpu.vector_store %arg9[%swap3A_964], %swap3A_967 {strides = array<i32>} : memref<16384xf32, #tpu.memory_space<vmem>>, vector<16xf32>,
          %add3A_968 = arith.constant 192 : i32
          %add3A_969 = arith.addi %mul3A_895, %add3A_968 : i32
          %swap3A_970 = arith.index_cast %add3A_969 : i32 to index
          %swap3A_971 = tpu.vector_load %arg9[%swap3A_970] {strides = array<i32>} : memref<16384xf32, #tpu.memory_space<vmem>>, vector<16xf32>,
          %swap3A_972 = vector.shape_cast %swap3A_971 : vector<16xf32> to vector<16xf32>
          %swap3A_973 = vector.shape_cast %scan3A_555 : vector<16xf32> to vector<16xf32>
          tpu.vector_store %arg9[%swap3A_970], %swap3A_973 {strides = array<i32>} : memref<16384xf32, #tpu.memory_space<vmem>>, vector<16xf32>,
          %add3A_974 = arith.constant 208 : i32
          %add3A_975 = arith.addi %mul3A_895, %add3A_974 : i32
          %swap3A_976 = arith.index_cast %add3A_975 : i32 to index
          %swap3A_977 = tpu.vector_load %arg9[%swap3A_976] {strides = array<i32>} : memref<16384xf32, #tpu.memory_space<vmem>>, vector<16xf32>,
          %swap3A_978 = vector.shape_cast %swap3A_977 : vector<16xf32> to vector<16xf32>
          %swap3A_979 = vector.shape_cast %scan3A_556 : vector<16xf32> to vector<16xf32>
          tpu.vector_store %arg9[%swap3A_976], %swap3A_979 {strides = array<i32>} : memref<16384xf32, #tpu.memory_space<vmem>>, vector<16xf32>,
          %add3A_980 = arith.constant 224 : i32
          %add3A_981 = arith.addi %mul3A_895, %add3A_980 : i32
          %swap3A_982 = arith.index_cast %add3A_981 : i32 to index
          %swap3A_983 = tpu.vector_load %arg9[%swap3A_982] {strides = array<i32>} : memref<16384xf32, #tpu.memory_space<vmem>>, vector<16xf32>,
          %swap3A_984 = vector.shape_cast %swap3A_983 : vector<16xf32> to vector<16xf32>
          %swap3A_985 = vector.shape_cast %scan3A_557 : vector<16xf32> to vector<16xf32>
          tpu.vector_store %arg9[%swap3A_982], %swap3A_985 {strides = array<i32>} : memref<16384xf32, #tpu.memory_space<vmem>>, vector<16xf32>,
          %add3A_986 = arith.constant 240 : i32
          %add3A_987 = arith.addi %mul3A_895, %add3A_986 : i32
          %swap3A_988 = arith.index_cast %add3A_987 : i32 to index
          %swap3A_989 = tpu.vector_load %arg9[%swap3A_988] {strides = array<i32>} : memref<16384xf32, #tpu.memory_space<vmem>>, vector<16xf32>,
          %swap3A_990 = vector.shape_cast %swap3A_989 : vector<16xf32> to vector<16xf32>
          %swap3A_991 = vector.shape_cast %scan3A_558 : vector<16xf32> to vector<16xf32>
          tpu.vector_store %arg9[%swap3A_988], %swap3A_991 {strides = array<i32>} : memref<16384xf32, #tpu.memory_space<vmem>>, vector<16xf32>,
          %add3A_992 = arith.constant 256 : i32
          %add3A_993 = arith.addi %mul3A_895, %add3A_992 : i32
          %swap3A_994 = arith.index_cast %add3A_993 : i32 to index
          %swap3A_995 = tpu.vector_load %arg9[%swap3A_994] {strides = array<i32>} : memref<16384xf32, #tpu.memory_space<vmem>>, vector<16xf32>,
          %swap3A_996 = vector.shape_cast %swap3A_995 : vector<16xf32> to vector<16xf32>
          %swap3A_997 = vector.shape_cast %scan3A_559 : vector<16xf32> to vector<16xf32>
          tpu.vector_store %arg9[%swap3A_994], %swap3A_997 {strides = array<i32>} : memref<16384xf32, #tpu.memory_space<vmem>>, vector<16xf32>,
          %add3A_998 = arith.constant 272 : i32
          %add3A_999 = arith.addi %mul3A_895, %add3A_998 : i32
          %swap3A_1000 = arith.index_cast %add3A_999 : i32 to index
          %swap3A_1001 = tpu.vector_load %arg9[%swap3A_1000] {strides = array<i32>} : memref<16384xf32, #tpu.memory_space<vmem>>, vector<16xf32>,
          %swap3A_1002 = vector.shape_cast %swap3A_1001 : vector<16xf32> to vector<16xf32>
          %swap3A_1003 = vector.shape_cast %scan3A_560 : vector<16xf32> to vector<16xf32>
          tpu.vector_store %arg9[%swap3A_1000], %swap3A_1003 {strides = array<i32>} : memref<16384xf32, #tpu.memory_space<vmem>>, vector<16xf32>,
          %add3A_1004 = arith.constant 288 : i32
          %add3A_1005 = arith.addi %mul3A_895, %add3A_1004 : i32
          %swap3A_1006 = arith.index_cast %add3A_1005 : i32 to index
          %swap3A_1007 = tpu.vector_load %arg9[%swap3A_1006] {strides = array<i32>} : memref<16384xf32, #tpu.memory_space<vmem>>, vector<16xf32>,
          %swap3A_1008 = vector.shape_cast %swap3A_1007 : vector<16xf32> to vector<16xf32>
          %swap3A_1009 = vector.shape_cast %scan3A_561 : vector<16xf32> to vector<16xf32>
          tpu.vector_store %arg9[%swap3A_1006], %swap3A_1009 {strides = array<i32>} : memref<16384xf32, #tpu.memory_space<vmem>>, vector<16xf32>,
          %add3A_1010 = arith.constant 304 : i32
          %add3A_1011 = arith.addi %mul3A_895, %add3A_1010 : i32
          %swap3A_1012 = arith.index_cast %add3A_1011 : i32 to index
          %swap3A_1013 = tpu.vector_load %arg9[%swap3A_1012] {strides = array<i32>} : memref<16384xf32, #tpu.memory_space<vmem>>, vector<16xf32>,
          %swap3A_1014 = vector.shape_cast %swap3A_1013 : vector<16xf32> to vector<16xf32>
          %swap3A_1015 = vector.shape_cast %scan3A_562 : vector<16xf32> to vector<16xf32>
          tpu.vector_store %arg9[%swap3A_1012], %swap3A_1015 {strides = array<i32>} : memref<16384xf32, #tpu.memory_space<vmem>>, vector<16xf32>,
          %add3A_1016 = arith.constant 320 : i32
          %add3A_1017 = arith.addi %mul3A_895, %add3A_1016 : i32
          %swap3A_1018 = arith.index_cast %add3A_1017 : i32 to index
          %swap3A_1019 = tpu.vector_load %arg9[%swap3A_1018] {strides = array<i32>} : memref<16384xf32, #tpu.memory_space<vmem>>, vector<16xf32>,
          %swap3A_1020 = vector.shape_cast %swap3A_1019 : vector<16xf32> to vector<16xf32>
          %swap3A_1021 = vector.shape_cast %scan3A_563 : vector<16xf32> to vector<16xf32>
          tpu.vector_store %arg9[%swap3A_1018], %swap3A_1021 {strides = array<i32>} : memref<16384xf32, #tpu.memory_space<vmem>>, vector<16xf32>,
          %add3A_1022 = arith.constant 336 : i32
          %add3A_1023 = arith.addi %mul3A_895, %add3A_1022 : i32
          %swap3A_1024 = arith.index_cast %add3A_1023 : i32 to index
          %swap3A_1025 = tpu.vector_load %arg9[%swap3A_1024] {strides = array<i32>} : memref<16384xf32, #tpu.memory_space<vmem>>, vector<16xf32>,
          %swap3A_1026 = vector.shape_cast %swap3A_1025 : vector<16xf32> to vector<16xf32>
          %swap3A_1027 = vector.shape_cast %scan3A_564 : vector<16xf32> to vector<16xf32>
          tpu.vector_store %arg9[%swap3A_1024], %swap3A_1027 {strides = array<i32>} : memref<16384xf32, #tpu.memory_space<vmem>>, vector<16xf32>,
          %add3A_1028 = arith.constant 352 : i32
          %add3A_1029 = arith.addi %mul3A_895, %add3A_1028 : i32
          %swap3A_1030 = arith.index_cast %add3A_1029 : i32 to index
          %swap3A_1031 = tpu.vector_load %arg9[%swap3A_1030] {strides = array<i32>} : memref<16384xf32, #tpu.memory_space<vmem>>, vector<16xf32>,
          %swap3A_1032 = vector.shape_cast %swap3A_1031 : vector<16xf32> to vector<16xf32>
          %swap3A_1033 = vector.shape_cast %scan3A_565 : vector<16xf32> to vector<16xf32>
          tpu.vector_store %arg9[%swap3A_1030], %swap3A_1033 {strides = array<i32>} : memref<16384xf32, #tpu.memory_space<vmem>>, vector<16xf32>,
          %add3A_1034 = arith.constant 368 : i32
          %add3A_1035 = arith.addi %mul3A_895, %add3A_1034 : i32
          %swap3A_1036 = arith.index_cast %add3A_1035 : i32 to index
          %swap3A_1037 = tpu.vector_load %arg9[%swap3A_1036] {strides = array<i32>} : memref<16384xf32, #tpu.memory_space<vmem>>, vector<16xf32>,
          %swap3A_1038 = vector.shape_cast %swap3A_1037 : vector<16xf32> to vector<16xf32>
          %swap3A_1039 = vector.shape_cast %scan3A_566 : vector<16xf32> to vector<16xf32>
          tpu.vector_store %arg9[%swap3A_1036], %swap3A_1039 {strides = array<i32>} : memref<16384xf32, #tpu.memory_space<vmem>>, vector<16xf32>,
          %add3A_1040 = arith.constant 384 : i32
          %add3A_1041 = arith.addi %mul3A_895, %add3A_1040 : i32
          %swap3A_1042 = arith.index_cast %add3A_1041 : i32 to index
          %swap3A_1043 = tpu.vector_load %arg9[%swap3A_1042] {strides = array<i32>} : memref<16384xf32, #tpu.memory_space<vmem>>, vector<16xf32>,
          %swap3A_1044 = vector.shape_cast %swap3A_1043 : vector<16xf32> to vector<16xf32>
          %swap3A_1045 = vector.shape_cast %scan3A_567 : vector<16xf32> to vector<16xf32>
          tpu.vector_store %arg9[%swap3A_1042], %swap3A_1045 {strides = array<i32>} : memref<16384xf32, #tpu.memory_space<vmem>>, vector<16xf32>,
          %add3A_1046 = arith.constant 400 : i32
          %add3A_1047 = arith.addi %mul3A_895, %add3A_1046 : i32
          %swap3A_1048 = arith.index_cast %add3A_1047 : i32 to index
          %swap3A_1049 = tpu.vector_load %arg9[%swap3A_1048] {strides = array<i32>} : memref<16384xf32, #tpu.memory_space<vmem>>, vector<16xf32>,
          %swap3A_1050 = vector.shape_cast %swap3A_1049 : vector<16xf32> to vector<16xf32>
          %swap3A_1051 = vector.shape_cast %scan3A_568 : vector<16xf32> to vector<16xf32>
          tpu.vector_store %arg9[%swap3A_1048], %swap3A_1051 {strides = array<i32>} : memref<16384xf32, #tpu.memory_space<vmem>>, vector<16xf32>,
          %add3A_1052 = arith.constant 416 : i32
          %add3A_1053 = arith.addi %mul3A_895, %add3A_1052 : i32
          %swap3A_1054 = arith.index_cast %add3A_1053 : i32 to index
          %swap3A_1055 = tpu.vector_load %arg9[%swap3A_1054] {strides = array<i32>} : memref<16384xf32, #tpu.memory_space<vmem>>, vector<16xf32>,
          %swap3A_1056 = vector.shape_cast %swap3A_1055 : vector<16xf32> to vector<16xf32>
          %swap3A_1057 = vector.shape_cast %scan3A_569 : vector<16xf32> to vector<16xf32>
          tpu.vector_store %arg9[%swap3A_1054], %swap3A_1057 {strides = array<i32>} : memref<16384xf32, #tpu.memory_space<vmem>>, vector<16xf32>,
          %add3A_1058 = arith.constant 432 : i32
          %add3A_1059 = arith.addi %mul3A_895, %add3A_1058 : i32
          %swap3A_1060 = arith.index_cast %add3A_1059 : i32 to index
          %swap3A_1061 = tpu.vector_load %arg9[%swap3A_1060] {strides = array<i32>} : memref<16384xf32, #tpu.memory_space<vmem>>, vector<16xf32>,
          %swap3A_1062 = vector.shape_cast %swap3A_1061 : vector<16xf32> to vector<16xf32>
          %swap3A_1063 = vector.shape_cast %scan3A_570 : vector<16xf32> to vector<16xf32>
          tpu.vector_store %arg9[%swap3A_1060], %swap3A_1063 {strides = array<i32>} : memref<16384xf32, #tpu.memory_space<vmem>>, vector<16xf32>,
          %add3A_1064 = arith.constant 448 : i32
          %add3A_1065 = arith.addi %mul3A_895, %add3A_1064 : i32
          %swap3A_1066 = arith.index_cast %add3A_1065 : i32 to index
          %swap3A_1067 = tpu.vector_load %arg9[%swap3A_1066] {strides = array<i32>} : memref<16384xf32, #tpu.memory_space<vmem>>, vector<16xf32>,
          %swap3A_1068 = vector.shape_cast %swap3A_1067 : vector<16xf32> to vector<16xf32>
          %swap3A_1069 = vector.shape_cast %scan3A_571 : vector<16xf32> to vector<16xf32>
          tpu.vector_store %arg9[%swap3A_1066], %swap3A_1069 {strides = array<i32>} : memref<16384xf32, #tpu.memory_space<vmem>>, vector<16xf32>,
          %add3A_1070 = arith.constant 464 : i32
          %add3A_1071 = arith.addi %mul3A_895, %add3A_1070 : i32
          %swap3A_1072 = arith.index_cast %add3A_1071 : i32 to index
          %swap3A_1073 = tpu.vector_load %arg9[%swap3A_1072] {strides = array<i32>} : memref<16384xf32, #tpu.memory_space<vmem>>, vector<16xf32>,
          %swap3A_1074 = vector.shape_cast %swap3A_1073 : vector<16xf32> to vector<16xf32>
          %swap3A_1075 = vector.shape_cast %scan3A_572 : vector<16xf32> to vector<16xf32>
          tpu.vector_store %arg9[%swap3A_1072], %swap3A_1075 {strides = array<i32>} : memref<16384xf32, #tpu.memory_space<vmem>>, vector<16xf32>,
          %add3A_1076 = arith.constant 480 : i32
          %add3A_1077 = arith.addi %mul3A_895, %add3A_1076 : i32
          %swap3A_1078 = arith.index_cast %add3A_1077 : i32 to index
          %swap3A_1079 = tpu.vector_load %arg9[%swap3A_1078] {strides = array<i32>} : memref<16384xf32, #tpu.memory_space<vmem>>, vector<16xf32>,
          %swap3A_1080 = vector.shape_cast %swap3A_1079 : vector<16xf32> to vector<16xf32>
          %swap3A_1081 = vector.shape_cast %scan3A_573 : vector<16xf32> to vector<16xf32>
          tpu.vector_store %arg9[%swap3A_1078], %swap3A_1081 {strides = array<i32>} : memref<16384xf32, #tpu.memory_space<vmem>>, vector<16xf32>,
          %add3A_1082 = arith.constant 496 : i32
          %add3A_1083 = arith.addi %mul3A_895, %add3A_1082 : i32
          %swap3A_1084 = arith.index_cast %add3A_1083 : i32 to index
          %swap3A_1085 = tpu.vector_load %arg9[%swap3A_1084] {strides = array<i32>} : memref<16384xf32, #tpu.memory_space<vmem>>, vector<16xf32>,
          %swap3A_1086 = vector.shape_cast %swap3A_1085 : vector<16xf32> to vector<16xf32>
          %swap3A_1087 = vector.shape_cast %scan3A_574 : vector<16xf32> to vector<16xf32>
          tpu.vector_store %arg9[%swap3A_1084], %swap3A_1087 {strides = array<i32>} : memref<16384xf32, #tpu.memory_space<vmem>>, vector<16xf32>,
          %eq3A_1088 = arith.cmpi eq, %scan3A_541, %squeeze3A : i32
          %convert_element_type3A_1089 = arith.extui %eq3A_1088 : i1 to i32
          %cond3A_1090 = arith.constant 0 : i32
          %cond3A_1091 = arith.cmpi ne, %convert_element_type3A_1089, %cond3A_1090 : i32
          scf.if %cond3A_1091 {
            %mul3A_1109 = arith.constant 2 : i32
            %mul3A_1110 = arith.muli %mul3A_1109, %add3A : i32
            %mul3A_1111 = arith.constant 512 : i32
            %mul3A_1112 = arith.muli %mul3A_1110, %mul3A_1111 : i32
            %dma_start3A_1113 = tpu.memref_slice %arg9[%mul3A_895] : memref<16384xf32, #tpu.memory_space<vmem>> -> memref<512xf32, #tpu.memory_space<vmem>>
            %dma_start3A_1114 = tpu.memref_slice %arg6[%mul3A_1112] : memref<32768xf32, #tpu.memory_space<hbm>> -> memref<512xf32, #tpu.memory_space<hbm>>
            %dma_start3A_1115 = tpu.memref_slice %arg6[%mul3A_1112] : memref<32768xf32, #tpu.memory_space<hbm>> -> memref<512xf32, #tpu.memory_space<hbm>>
            %dma_start3A_1116 = tpu.memref_slice %arg9[%mul3A_895] : memref<16384xf32, #tpu.memory_space<vmem>> -> memref<512xf32, #tpu.memory_space<vmem>>
            tpu.enqueue_dma source(%dma_start3A_1116 : memref<512xf32, #tpu.memory_space<vmem>>) target(%dma_start3A_1115 : memref<512xf32, #tpu.memory_space<hbm>>) target_semaphore(%arg15 : memref<!tpu.dma_semaphore, #tpu.memory_space<semaphore_mem>>)
          } else {
          }
          %ne3A_1092 = arith.cmpi ne, %scan3A_541, %squeeze3A : i32
          %convert_element_type3A_1093 = arith.extui %ne3A_1092 : i1 to i32
          %cond3A_1094 = arith.constant 0 : i32
          %cond3A_1095 = arith.cmpi ne, %convert_element_type3A_1093, %cond3A_1094 : i32
          scf.if %cond3A_1095 {
            %mul3A_1109 = arith.constant 512 : i32
            %mul3A_1110 = arith.muli %scan3A_541, %mul3A_1109 : i32
            %dma_start3A_1111 = tpu.memref_slice %arg9[%mul3A_895] : memref<16384xf32, #tpu.memory_space<vmem>> -> memref<512xf32, #tpu.memory_space<vmem>>
            %dma_start3A_1112 = tpu.memref_slice %arg5[%mul3A_1110] : memref<262144xf32, #tpu.memory_space<hbm>> -> memref<512xf32, #tpu.memory_space<hbm>>
            %dma_start3A_1113 = tpu.memref_slice %arg5[%mul3A_1110] : memref<262144xf32, #tpu.memory_space<hbm>> -> memref<512xf32, #tpu.memory_space<hbm>>
            %dma_start3A_1114 = tpu.memref_slice %arg9[%mul3A_895] : memref<16384xf32, #tpu.memory_space<vmem>> -> memref<512xf32, #tpu.memory_space<vmem>>
            tpu.enqueue_dma source(%dma_start3A_1114 : memref<512xf32, #tpu.memory_space<vmem>>) target(%dma_start3A_1113 : memref<512xf32, #tpu.memory_space<hbm>>) target_semaphore(%arg15 : memref<!tpu.dma_semaphore, #tpu.memory_space<semaphore_mem>>)
          } else {
          }
          %add3A_1096 = arith.constant 1 : i32
          %add3A_1097 = arith.addi %scan3A_541, %add3A_1096 : i32
          %while3A_1098 = arith.constant 0 : i32
          %while3A_1099 = arith.subi %squeeze3A_582, %add3A_1097 : i32
          %while3A_1100 = arith.addi %add3A_1097, %while3A_1099 : i32
          %while3A_1101 = arith.constant 1 : i32
          %while3A_1102 = arith.divsi %while3A_1099, %while3A_1101 : i32
          %while3A_1103 = arith.muli %while3A_1102, %while3A_1101 : i32
          %while3A_1104 = arith.addi %add3A_1097, %while3A_1103 : i32
          %while3A_1105 = arith.constant 1 : i32
          %while3A_1106 = scf.for %while3A_1109 = %add3A_1097 to %while3A_1104 step %while3A_1105 iter_args(%while3A_1110 = %while3A_1098) -> (i32)  : i32 {
            %mul3A_1111 = arith.constant 512 : i32
            %mul3A_1112 = arith.muli %while3A_1109, %mul3A_1111 : i32
            %dma_start3A_1113 = tpu.memref_slice %arg5[%mul3A_1112] : memref<262144xf32, #tpu.memory_space<hbm>> -> memref<512xf32, #tpu.memory_space<hbm>>
            %dma_start3A_1114 = tpu.memref_slice %arg5[%mul3A_1112] : memref<262144xf32, #tpu.memory_space<hbm>> -> memref<512xf32, #tpu.memory_space<hbm>>
            tpu.enqueue_dma source(%arg10 : memref<512xf32, #tpu.memory_space<vmem>>) target(%dma_start3A_1114 : memref<512xf32, #tpu.memory_space<hbm>>) target_semaphore(%arg15 : memref<!tpu.dma_semaphore, #tpu.memory_space<semaphore_mem>>)
            %while3A_1115 = arith.constant 0 : i32
            scf.yield %while3A_1115 : i32
          }
          %while3A_1107 = arith.constant 1 : i32
          %while3A_1108 = scf.for %while3A_1109 = %while3A_1104 to %while3A_1100 step %while3A_1107 iter_args(%while3A_1110 = %while3A_1106) -> (i32)  : i32 {
            %mul3A_1111 = arith.constant 512 : i32
            %mul3A_1112 = arith.muli %while3A_1109, %mul3A_1111 : i32
            %dma_start3A_1113 = tpu.memref_slice %arg5[%mul3A_1112] : memref<262144xf32, #tpu.memory_space<hbm>> -> memref<512xf32, #tpu.memory_space<hbm>>
            %dma_start3A_1114 = tpu.memref_slice %arg5[%mul3A_1112] : memref<262144xf32, #tpu.memory_space<hbm>> -> memref<512xf32, #tpu.memory_space<hbm>>
            tpu.enqueue_dma source(%arg10 : memref<512xf32, #tpu.memory_space<vmem>>) target(%dma_start3A_1114 : memref<512xf32, #tpu.memory_space<hbm>>) target_semaphore(%arg15 : memref<!tpu.dma_semaphore, #tpu.memory_space<semaphore_mem>>)
            %while3A_1115 = arith.constant 0 : i32
            scf.yield %while3A_1115 : i32
          }
        } else {
        }
        %mul3A_587 = arith.constant 512 : i32
        %mul3A_588 = arith.muli %scan3A_540, %mul3A_587 : i32
        %add3A_589 = arith.constant 0 : i32
        %add3A_590 = arith.addi %mul3A_588, %add3A_589 : i32
        %get3A_591 = arith.index_cast %add3A_590 : i32 to index
        %get3A_592 = tpu.vector_load %arg8[%get3A_591] {strides = array<i32>} : memref<32768xf32, #tpu.memory_space<vmem>>, vector<16xf32>,
        %get3A_593 = vector.shape_cast %get3A_592 : vector<16xf32> to vector<16xf32>
        %mul3A_594 = arith.constant 512 : i32
        %mul3A_595 = arith.muli %scan3A_540, %mul3A_594 : i32
        %add3A_596 = arith.constant 16 : i32
        %add3A_597 = arith.addi %mul3A_595, %add3A_596 : i32
        %get3A_598 = arith.index_cast %add3A_597 : i32 to index
        %get3A_599 = tpu.vector_load %arg8[%get3A_598] {strides = array<i32>} : memref<32768xf32, #tpu.memory_space<vmem>>, vector<16xf32>,
        %get3A_600 = vector.shape_cast %get3A_599 : vector<16xf32> to vector<16xf32>
        %mul3A_601 = arith.constant 512 : i32
        %mul3A_602 = arith.muli %scan3A_540, %mul3A_601 : i32
        %add3A_603 = arith.constant 32 : i32
        %add3A_604 = arith.addi %mul3A_602, %add3A_603 : i32
        %get3A_605 = arith.index_cast %add3A_604 : i32 to index
        %get3A_606 = tpu.vector_load %arg8[%get3A_605] {strides = array<i32>} : memref<32768xf32, #tpu.memory_space<vmem>>, vector<16xf32>,
        %get3A_607 = vector.shape_cast %get3A_606 : vector<16xf32> to vector<16xf32>
        %mul3A_608 = arith.constant 512 : i32
        %mul3A_609 = arith.muli %scan3A_540, %mul3A_608 : i32
        %add3A_610 = arith.constant 48 : i32
        %add3A_611 = arith.addi %mul3A_609, %add3A_610 : i32
        %get3A_612 = arith.index_cast %add3A_611 : i32 to index
        %get3A_613 = tpu.vector_load %arg8[%get3A_612] {strides = array<i32>} : memref<32768xf32, #tpu.memory_space<vmem>>, vector<16xf32>,
        %get3A_614 = vector.shape_cast %get3A_613 : vector<16xf32> to vector<16xf32>
        %mul3A_615 = arith.constant 512 : i32
        %mul3A_616 = arith.muli %scan3A_540, %mul3A_615 : i32
        %add3A_617 = arith.constant 64 : i32
        %add3A_618 = arith.addi %mul3A_616, %add3A_617 : i32
        %get3A_619 = arith.index_cast %add3A_618 : i32 to index
        %get3A_620 = tpu.vector_load %arg8[%get3A_619] {strides = array<i32>} : memref<32768xf32, #tpu.memory_space<vmem>>, vector<16xf32>,
        %get3A_621 = vector.shape_cast %get3A_620 : vector<16xf32> to vector<16xf32>
        %mul3A_622 = arith.constant 512 : i32
        %mul3A_623 = arith.muli %scan3A_540, %mul3A_622 : i32
        %add3A_624 = arith.constant 80 : i32
        %add3A_625 = arith.addi %mul3A_623, %add3A_624 : i32
        %get3A_626 = arith.index_cast %add3A_625 : i32 to index
        %get3A_627 = tpu.vector_load %arg8[%get3A_626] {strides = array<i32>} : memref<32768xf32, #tpu.memory_space<vmem>>, vector<16xf32>,
        %get3A_628 = vector.shape_cast %get3A_627 : vector<16xf32> to vector<16xf32>
        %mul3A_629 = arith.constant 512 : i32
        %mul3A_630 = arith.muli %scan3A_540, %mul3A_629 : i32
        %add3A_631 = arith.constant 96 : i32
        %add3A_632 = arith.addi %mul3A_630, %add3A_631 : i32
        %get3A_633 = arith.index_cast %add3A_632 : i32 to index
        %get3A_634 = tpu.vector_load %arg8[%get3A_633] {strides = array<i32>} : memref<32768xf32, #tpu.memory_space<vmem>>, vector<16xf32>,
        %get3A_635 = vector.shape_cast %get3A_634 : vector<16xf32> to vector<16xf32>
        %mul3A_636 = arith.constant 512 : i32
        %mul3A_637 = arith.muli %scan3A_540, %mul3A_636 : i32
        %add3A_638 = arith.constant 112 : i32
        %add3A_639 = arith.addi %mul3A_637, %add3A_638 : i32
        %get3A_640 = arith.index_cast %add3A_639 : i32 to index
        %get3A_641 = tpu.vector_load %arg8[%get3A_640] {strides = array<i32>} : memref<32768xf32, #tpu.memory_space<vmem>>, vector<16xf32>,
        %get3A_642 = vector.shape_cast %get3A_641 : vector<16xf32> to vector<16xf32>
        %mul3A_643 = arith.constant 512 : i32
        %mul3A_644 = arith.muli %scan3A_540, %mul3A_643 : i32
        %add3A_645 = arith.constant 128 : i32
        %add3A_646 = arith.addi %mul3A_644, %add3A_645 : i32
        %get3A_647 = arith.index_cast %add3A_646 : i32 to index
        %get3A_648 = tpu.vector_load %arg8[%get3A_647] {strides = array<i32>} : memref<32768xf32, #tpu.memory_space<vmem>>, vector<16xf32>,
        %get3A_649 = vector.shape_cast %get3A_648 : vector<16xf32> to vector<16xf32>
        %mul3A_650 = arith.constant 512 : i32
        %mul3A_651 = arith.muli %scan3A_540, %mul3A_650 : i32
        %add3A_652 = arith.constant 144 : i32
        %add3A_653 = arith.addi %mul3A_651, %add3A_652 : i32
        %get3A_654 = arith.index_cast %add3A_653 : i32 to index
        %get3A_655 = tpu.vector_load %arg8[%get3A_654] {strides = array<i32>} : memref<32768xf32, #tpu.memory_space<vmem>>, vector<16xf32>,
        %get3A_656 = vector.shape_cast %get3A_655 : vector<16xf32> to vector<16xf32>
        %mul3A_657 = arith.constant 512 : i32
        %mul3A_658 = arith.muli %scan3A_540, %mul3A_657 : i32
        %add3A_659 = arith.constant 160 : i32
        %add3A_660 = arith.addi %mul3A_658, %add3A_659 : i32
        %get3A_661 = arith.index_cast %add3A_660 : i32 to index
        %get3A_662 = tpu.vector_load %arg8[%get3A_661] {strides = array<i32>} : memref<32768xf32, #tpu.memory_space<vmem>>, vector<16xf32>,
        %get3A_663 = vector.shape_cast %get3A_662 : vector<16xf32> to vector<16xf32>
        %mul3A_664 = arith.constant 512 : i32
        %mul3A_665 = arith.muli %scan3A_540, %mul3A_664 : i32
        %add3A_666 = arith.constant 176 : i32
        %add3A_667 = arith.addi %mul3A_665, %add3A_666 : i32
        %get3A_668 = arith.index_cast %add3A_667 : i32 to index
        %get3A_669 = tpu.vector_load %arg8[%get3A_668] {strides = array<i32>} : memref<32768xf32, #tpu.memory_space<vmem>>, vector<16xf32>,
        %get3A_670 = vector.shape_cast %get3A_669 : vector<16xf32> to vector<16xf32>
        %mul3A_671 = arith.constant 512 : i32
        %mul3A_672 = arith.muli %scan3A_540, %mul3A_671 : i32
        %add3A_673 = arith.constant 192 : i32
        %add3A_674 = arith.addi %mul3A_672, %add3A_673 : i32
        %get3A_675 = arith.index_cast %add3A_674 : i32 to index
        %get3A_676 = tpu.vector_load %arg8[%get3A_675] {strides = array<i32>} : memref<32768xf32, #tpu.memory_space<vmem>>, vector<16xf32>,
        %get3A_677 = vector.shape_cast %get3A_676 : vector<16xf32> to vector<16xf32>
        %mul3A_678 = arith.constant 512 : i32
        %mul3A_679 = arith.muli %scan3A_540, %mul3A_678 : i32
        %add3A_680 = arith.constant 208 : i32
        %add3A_681 = arith.addi %mul3A_679, %add3A_680 : i32
        %get3A_682 = arith.index_cast %add3A_681 : i32 to index
        %get3A_683 = tpu.vector_load %arg8[%get3A_682] {strides = array<i32>} : memref<32768xf32, #tpu.memory_space<vmem>>, vector<16xf32>,
        %get3A_684 = vector.shape_cast %get3A_683 : vector<16xf32> to vector<16xf32>
        %mul3A_685 = arith.constant 512 : i32
        %mul3A_686 = arith.muli %scan3A_540, %mul3A_685 : i32
        %add3A_687 = arith.constant 224 : i32
        %add3A_688 = arith.addi %mul3A_686, %add3A_687 : i32
        %get3A_689 = arith.index_cast %add3A_688 : i32 to index
        %get3A_690 = tpu.vector_load %arg8[%get3A_689] {strides = array<i32>} : memref<32768xf32, #tpu.memory_space<vmem>>, vector<16xf32>,
        %get3A_691 = vector.shape_cast %get3A_690 : vector<16xf32> to vector<16xf32>
        %mul3A_692 = arith.constant 512 : i32
        %mul3A_693 = arith.muli %scan3A_540, %mul3A_692 : i32
        %add3A_694 = arith.constant 240 : i32
        %add3A_695 = arith.addi %mul3A_693, %add3A_694 : i32
        %get3A_696 = arith.index_cast %add3A_695 : i32 to index
        %get3A_697 = tpu.vector_load %arg8[%get3A_696] {strides = array<i32>} : memref<32768xf32, #tpu.memory_space<vmem>>, vector<16xf32>,
        %get3A_698 = vector.shape_cast %get3A_697 : vector<16xf32> to vector<16xf32>
        %mul3A_699 = arith.constant 512 : i32
        %mul3A_700 = arith.muli %scan3A_540, %mul3A_699 : i32
        %add3A_701 = arith.constant 256 : i32
        %add3A_702 = arith.addi %mul3A_700, %add3A_701 : i32
        %get3A_703 = arith.index_cast %add3A_702 : i32 to index
        %get3A_704 = tpu.vector_load %arg8[%get3A_703] {strides = array<i32>} : memref<32768xf32, #tpu.memory_space<vmem>>, vector<16xf32>,
        %get3A_705 = vector.shape_cast %get3A_704 : vector<16xf32> to vector<16xf32>
        %mul3A_706 = arith.constant 512 : i32
        %mul3A_707 = arith.muli %scan3A_540, %mul3A_706 : i32
        %add3A_708 = arith.constant 272 : i32
        %add3A_709 = arith.addi %mul3A_707, %add3A_708 : i32
        %get3A_710 = arith.index_cast %add3A_709 : i32 to index
        %get3A_711 = tpu.vector_load %arg8[%get3A_710] {strides = array<i32>} : memref<32768xf32, #tpu.memory_space<vmem>>, vector<16xf32>,
        %get3A_712 = vector.shape_cast %get3A_711 : vector<16xf32> to vector<16xf32>
        %mul3A_713 = arith.constant 512 : i32
        %mul3A_714 = arith.muli %scan3A_540, %mul3A_713 : i32
        %add3A_715 = arith.constant 288 : i32
        %add3A_716 = arith.addi %mul3A_714, %add3A_715 : i32
        %get3A_717 = arith.index_cast %add3A_716 : i32 to index
        %get3A_718 = tpu.vector_load %arg8[%get3A_717] {strides = array<i32>} : memref<32768xf32, #tpu.memory_space<vmem>>, vector<16xf32>,
        %get3A_719 = vector.shape_cast %get3A_718 : vector<16xf32> to vector<16xf32>
        %mul3A_720 = arith.constant 512 : i32
        %mul3A_721 = arith.muli %scan3A_540, %mul3A_720 : i32
        %add3A_722 = arith.constant 304 : i32
        %add3A_723 = arith.addi %mul3A_721, %add3A_722 : i32
        %get3A_724 = arith.index_cast %add3A_723 : i32 to index
        %get3A_725 = tpu.vector_load %arg8[%get3A_724] {strides = array<i32>} : memref<32768xf32, #tpu.memory_space<vmem>>, vector<16xf32>,
        %get3A_726 = vector.shape_cast %get3A_725 : vector<16xf32> to vector<16xf32>
        %mul3A_727 = arith.constant 512 : i32
        %mul3A_728 = arith.muli %scan3A_540, %mul3A_727 : i32
        %add3A_729 = arith.constant 320 : i32
        %add3A_730 = arith.addi %mul3A_728, %add3A_729 : i32
        %get3A_731 = arith.index_cast %add3A_730 : i32 to index
        %get3A_732 = tpu.vector_load %arg8[%get3A_731] {strides = array<i32>} : memref<32768xf32, #tpu.memory_space<vmem>>, vector<16xf32>,
        %get3A_733 = vector.shape_cast %get3A_732 : vector<16xf32> to vector<16xf32>
        %mul3A_734 = arith.constant 512 : i32
        %mul3A_735 = arith.muli %scan3A_540, %mul3A_734 : i32
        %add3A_736 = arith.constant 336 : i32
        %add3A_737 = arith.addi %mul3A_735, %add3A_736 : i32
        %get3A_738 = arith.index_cast %add3A_737 : i32 to index
        %get3A_739 = tpu.vector_load %arg8[%get3A_738] {strides = array<i32>} : memref<32768xf32, #tpu.memory_space<vmem>>, vector<16xf32>,
        %get3A_740 = vector.shape_cast %get3A_739 : vector<16xf32> to vector<16xf32>
        %mul3A_741 = arith.constant 512 : i32
        %mul3A_742 = arith.muli %scan3A_540, %mul3A_741 : i32
        %add3A_743 = arith.constant 352 : i32
        %add3A_744 = arith.addi %mul3A_742, %add3A_743 : i32
        %get3A_745 = arith.index_cast %add3A_744 : i32 to index
        %get3A_746 = tpu.vector_load %arg8[%get3A_745] {strides = array<i32>} : memref<32768xf32, #tpu.memory_space<vmem>>, vector<16xf32>,
        %get3A_747 = vector.shape_cast %get3A_746 : vector<16xf32> to vector<16xf32>
        %mul3A_748 = arith.constant 512 : i32
        %mul3A_749 = arith.muli %scan3A_540, %mul3A_748 : i32
        %add3A_750 = arith.constant 368 : i32
        %add3A_751 = arith.addi %mul3A_749, %add3A_750 : i32
        %get3A_752 = arith.index_cast %add3A_751 : i32 to index
        %get3A_753 = tpu.vector_load %arg8[%get3A_752] {strides = array<i32>} : memref<32768xf32, #tpu.memory_space<vmem>>, vector<16xf32>,
        %get3A_754 = vector.shape_cast %get3A_753 : vector<16xf32> to vector<16xf32>
        %mul3A_755 = arith.constant 512 : i32
        %mul3A_756 = arith.muli %scan3A_540, %mul3A_755 : i32
        %add3A_757 = arith.constant 384 : i32
        %add3A_758 = arith.addi %mul3A_756, %add3A_757 : i32
        %get3A_759 = arith.index_cast %add3A_758 : i32 to index
        %get3A_760 = tpu.vector_load %arg8[%get3A_759] {strides = array<i32>} : memref<32768xf32, #tpu.memory_space<vmem>>, vector<16xf32>,
        %get3A_761 = vector.shape_cast %get3A_760 : vector<16xf32> to vector<16xf32>
        %mul3A_762 = arith.constant 512 : i32
        %mul3A_763 = arith.muli %scan3A_540, %mul3A_762 : i32
        %add3A_764 = arith.constant 400 : i32
        %add3A_765 = arith.addi %mul3A_763, %add3A_764 : i32
        %get3A_766 = arith.index_cast %add3A_765 : i32 to index
        %get3A_767 = tpu.vector_load %arg8[%get3A_766] {strides = array<i32>} : memref<32768xf32, #tpu.memory_space<vmem>>, vector<16xf32>,
        %get3A_768 = vector.shape_cast %get3A_767 : vector<16xf32> to vector<16xf32>
        %mul3A_769 = arith.constant 512 : i32
        %mul3A_770 = arith.muli %scan3A_540, %mul3A_769 : i32
        %add3A_771 = arith.constant 416 : i32
        %add3A_772 = arith.addi %mul3A_770, %add3A_771 : i32
        %get3A_773 = arith.index_cast %add3A_772 : i32 to index
        %get3A_774 = tpu.vector_load %arg8[%get3A_773] {strides = array<i32>} : memref<32768xf32, #tpu.memory_space<vmem>>, vector<16xf32>,
        %get3A_775 = vector.shape_cast %get3A_774 : vector<16xf32> to vector<16xf32>
        %mul3A_776 = arith.constant 512 : i32
        %mul3A_777 = arith.muli %scan3A_540, %mul3A_776 : i32
        %add3A_778 = arith.constant 432 : i32
        %add3A_779 = arith.addi %mul3A_777, %add3A_778 : i32
        %get3A_780 = arith.index_cast %add3A_779 : i32 to index
        %get3A_781 = tpu.vector_load %arg8[%get3A_780] {strides = array<i32>} : memref<32768xf32, #tpu.memory_space<vmem>>, vector<16xf32>,
        %get3A_782 = vector.shape_cast %get3A_781 : vector<16xf32> to vector<16xf32>
        %mul3A_783 = arith.constant 512 : i32
        %mul3A_784 = arith.muli %scan3A_540, %mul3A_783 : i32
        %add3A_785 = arith.constant 448 : i32
        %add3A_786 = arith.addi %mul3A_784, %add3A_785 : i32
        %get3A_787 = arith.index_cast %add3A_786 : i32 to index
        %get3A_788 = tpu.vector_load %arg8[%get3A_787] {strides = array<i32>} : memref<32768xf32, #tpu.memory_space<vmem>>, vector<16xf32>,
        %get3A_789 = vector.shape_cast %get3A_788 : vector<16xf32> to vector<16xf32>
        %mul3A_790 = arith.constant 512 : i32
        %mul3A_791 = arith.muli %scan3A_540, %mul3A_790 : i32
        %add3A_792 = arith.constant 464 : i32
        %add3A_793 = arith.addi %mul3A_791, %add3A_792 : i32
        %get3A_794 = arith.index_cast %add3A_793 : i32 to index
        %get3A_795 = tpu.vector_load %arg8[%get3A_794] {strides = array<i32>} : memref<32768xf32, #tpu.memory_space<vmem>>, vector<16xf32>,
        %get3A_796 = vector.shape_cast %get3A_795 : vector<16xf32> to vector<16xf32>
        %mul3A_797 = arith.constant 512 : i32
        %mul3A_798 = arith.muli %scan3A_540, %mul3A_797 : i32
        %add3A_799 = arith.constant 480 : i32
        %add3A_800 = arith.addi %mul3A_798, %add3A_799 : i32
        %get3A_801 = arith.index_cast %add3A_800 : i32 to index
        %get3A_802 = tpu.vector_load %arg8[%get3A_801] {strides = array<i32>} : memref<32768xf32, #tpu.memory_space<vmem>>, vector<16xf32>,
        %get3A_803 = vector.shape_cast %get3A_802 : vector<16xf32> to vector<16xf32>
        %mul3A_804 = arith.constant 512 : i32
        %mul3A_805 = arith.muli %scan3A_540, %mul3A_804 : i32
        %add3A_806 = arith.constant 496 : i32
        %add3A_807 = arith.addi %mul3A_805, %add3A_806 : i32
        %get3A_808 = arith.index_cast %add3A_807 : i32 to index
        %get3A_809 = tpu.vector_load %arg8[%get3A_808] {strides = array<i32>} : memref<32768xf32, #tpu.memory_space<vmem>>, vector<16xf32>,
        %get3A_810 = vector.shape_cast %get3A_809 : vector<16xf32> to vector<16xf32>
        %add3A_811 = arith.addf %scan3A_543, %get3A_593 : vector<16xf32>
        %select_n3A_812 = arith.select %ne3A_583, %get3A_593, %add3A_811 : vector<16xf32>
        %add3A_813 = arith.addf %scan3A_544, %get3A_600 : vector<16xf32>
        %select_n3A_814 = arith.select %ne3A_583, %get3A_600, %add3A_813 : vector<16xf32>
        %add3A_815 = arith.addf %scan3A_545, %get3A_607 : vector<16xf32>
        %select_n3A_816 = arith.select %ne3A_583, %get3A_607, %add3A_815 : vector<16xf32>
        %add3A_817 = arith.addf %scan3A_546, %get3A_614 : vector<16xf32>
        %select_n3A_818 = arith.select %ne3A_583, %get3A_614, %add3A_817 : vector<16xf32>
        %add3A_819 = arith.addf %scan3A_547, %get3A_621 : vector<16xf32>
        %select_n3A_820 = arith.select %ne3A_583, %get3A_621, %add3A_819 : vector<16xf32>
        %add3A_821 = arith.addf %scan3A_548, %get3A_628 : vector<16xf32>
        %select_n3A_822 = arith.select %ne3A_583, %get3A_628, %add3A_821 : vector<16xf32>
        %add3A_823 = arith.addf %scan3A_549, %get3A_635 : vector<16xf32>
        %select_n3A_824 = arith.select %ne3A_583, %get3A_635, %add3A_823 : vector<16xf32>
        %add3A_825 = arith.addf %scan3A_550, %get3A_642 : vector<16xf32>
        %select_n3A_826 = arith.select %ne3A_583, %get3A_642, %add3A_825 : vector<16xf32>
        %add3A_827 = arith.addf %scan3A_551, %get3A_649 : vector<16xf32>
        %select_n3A_828 = arith.select %ne3A_583, %get3A_649, %add3A_827 : vector<16xf32>
        %add3A_829 = arith.addf %scan3A_552, %get3A_656 : vector<16xf32>
        %select_n3A_830 = arith.select %ne3A_583, %get3A_656, %add3A_829 : vector<16xf32>
        %add3A_831 = arith.addf %scan3A_553, %get3A_663 : vector<16xf32>
        %select_n3A_832 = arith.select %ne3A_583, %get3A_663, %add3A_831 : vector<16xf32>
        %add3A_833 = arith.addf %scan3A_554, %get3A_670 : vector<16xf32>
        %select_n3A_834 = arith.select %ne3A_583, %get3A_670, %add3A_833 : vector<16xf32>
        %add3A_835 = arith.addf %scan3A_555, %get3A_677 : vector<16xf32>
        %select_n3A_836 = arith.select %ne3A_583, %get3A_677, %add3A_835 : vector<16xf32>
        %add3A_837 = arith.addf %scan3A_556, %get3A_684 : vector<16xf32>
        %select_n3A_838 = arith.select %ne3A_583, %get3A_684, %add3A_837 : vector<16xf32>
        %add3A_839 = arith.addf %scan3A_557, %get3A_691 : vector<16xf32>
        %select_n3A_840 = arith.select %ne3A_583, %get3A_691, %add3A_839 : vector<16xf32>
        %add3A_841 = arith.addf %scan3A_558, %get3A_698 : vector<16xf32>
        %select_n3A_842 = arith.select %ne3A_583, %get3A_698, %add3A_841 : vector<16xf32>
        %add3A_843 = arith.addf %scan3A_559, %get3A_705 : vector<16xf32>
        %select_n3A_844 = arith.select %ne3A_583, %get3A_705, %add3A_843 : vector<16xf32>
        %add3A_845 = arith.addf %scan3A_560, %get3A_712 : vector<16xf32>
        %select_n3A_846 = arith.select %ne3A_583, %get3A_712, %add3A_845 : vector<16xf32>
        %add3A_847 = arith.addf %scan3A_561, %get3A_719 : vector<16xf32>
        %select_n3A_848 = arith.select %ne3A_583, %get3A_719, %add3A_847 : vector<16xf32>
        %add3A_849 = arith.addf %scan3A_562, %get3A_726 : vector<16xf32>
        %select_n3A_850 = arith.select %ne3A_583, %get3A_726, %add3A_849 : vector<16xf32>
        %add3A_851 = arith.addf %scan3A_563, %get3A_733 : vector<16xf32>
        %select_n3A_852 = arith.select %ne3A_583, %get3A_733, %add3A_851 : vector<16xf32>
        %add3A_853 = arith.addf %scan3A_564, %get3A_740 : vector<16xf32>
        %select_n3A_854 = arith.select %ne3A_583, %get3A_740, %add3A_853 : vector<16xf32>
        %add3A_855 = arith.addf %scan3A_565, %get3A_747 : vector<16xf32>
        %select_n3A_856 = arith.select %ne3A_583, %get3A_747, %add3A_855 : vector<16xf32>
        %add3A_857 = arith.addf %scan3A_566, %get3A_754 : vector<16xf32>
        %select_n3A_858 = arith.select %ne3A_583, %get3A_754, %add3A_857 : vector<16xf32>
        %add3A_859 = arith.addf %scan3A_567, %get3A_761 : vector<16xf32>
        %select_n3A_860 = arith.select %ne3A_583, %get3A_761, %add3A_859 : vector<16xf32>
        %add3A_861 = arith.addf %scan3A_568, %get3A_768 : vector<16xf32>
        %select_n3A_862 = arith.select %ne3A_583, %get3A_768, %add3A_861 : vector<16xf32>
        %add3A_863 = arith.addf %scan3A_569, %get3A_775 : vector<16xf32>
        %select_n3A_864 = arith.select %ne3A_583, %get3A_775, %add3A_863 : vector<16xf32>
        %add3A_865 = arith.addf %scan3A_570, %get3A_782 : vector<16xf32>
        %select_n3A_866 = arith.select %ne3A_583, %get3A_782, %add3A_865 : vector<16xf32>
        %add3A_867 = arith.addf %scan3A_571, %get3A_789 : vector<16xf32>
        %select_n3A_868 = arith.select %ne3A_583, %get3A_789, %add3A_867 : vector<16xf32>
        %add3A_869 = arith.addf %scan3A_572, %get3A_796 : vector<16xf32>
        %select_n3A_870 = arith.select %ne3A_583, %get3A_796, %add3A_869 : vector<16xf32>
        %add3A_871 = arith.addf %scan3A_573, %get3A_803 : vector<16xf32>
        %select_n3A_872 = arith.select %ne3A_583, %get3A_803, %add3A_871 : vector<16xf32>
        %add3A_873 = arith.addf %scan3A_574, %get3A_810 : vector<16xf32>
        %select_n3A_874 = arith.select %ne3A_583, %get3A_810, %add3A_873 : vector<16xf32>
        %sub3A_875 = arith.subi %squeeze3A_582, %scan3A_541 : i32
        %add3A_876 = arith.addi %scan3A_542, %sub3A_875 : i32
        %select_n3A_877 = arith.select %ne3A_583, %add3A_876, %scan3A_542 : i32
        scf.yield %squeeze3A_582, %select_n3A_877, %select_n3A_812, %select_n3A_814, %select_n3A_816, %select_n3A_818, %select_n3A_820, %select_n3A_822, %select_n3A_824, %select_n3A_826, %select_n3A_828, %select_n3A_830, %select_n3A_832, %select_n3A_834, %select_n3A_836, %select_n3A_838, %select_n3A_840, %select_n3A_842, %select_n3A_844, %select_n3A_846, %select_n3A_848, %select_n3A_850, %select_n3A_852, %select_n3A_854, %select_n3A_856, %select_n3A_858, %select_n3A_860, %select_n3A_862, %select_n3A_864, %select_n3A_866, %select_n3A_868, %select_n3A_870, %select_n3A_872, %select_n3A_874 : i32, i32, vector<16xf32>, vector<16xf32>, vector<16xf32>, vector<16xf32>, vector<16xf32>, vector<16xf32>, vector<16xf32>, vector<16xf32>, vector<16xf32>, vector<16xf32>, vector<16xf32>, vector<16xf32>, vector<16xf32>, vector<16xf32>, vector<16xf32>, vector<16xf32>, vector<16xf32>, vector<16xf32>, vector<16xf32>, vector<16xf32>, vector<16xf32>, vector<16xf32>, vector<16xf32>, vector<16xf32>, vector<16xf32>, vector<16xf32>, vector<16xf32>, vector<16xf32>, vector<16xf32>, vector<16xf32>, vector<16xf32>, vector<16xf32>
      }
      %scan3A_539 = arith.constant 64 : i32
      scf.yield %scan3A_538#0, %scan3A_538#1, %scan3A_538#2, %scan3A_538#3, %scan3A_538#4, %scan3A_538#5, %scan3A_538#6, %scan3A_538#7, %scan3A_538#8, %scan3A_538#9, %scan3A_538#10, %scan3A_538#11, %scan3A_538#12, %scan3A_538#13, %scan3A_538#14, %scan3A_538#15, %scan3A_538#16, %scan3A_538#17, %scan3A_538#18, %scan3A_538#19, %scan3A_538#20, %scan3A_538#21, %scan3A_538#22, %scan3A_538#23, %scan3A_538#24, %scan3A_538#25, %scan3A_538#26, %scan3A_538#27, %scan3A_538#28, %scan3A_538#29, %scan3A_538#30, %scan3A_538#31, %scan3A_538#32, %scan3A_538#33 : i32, i32, vector<16xf32>, vector<16xf32>, vector<16xf32>, vector<16xf32>, vector<16xf32>, vector<16xf32>, vector<16xf32>, vector<16xf32>, vector<16xf32>, vector<16xf32>, vector<16xf32>, vector<16xf32>, vector<16xf32>, vector<16xf32>, vector<16xf32>, vector<16xf32>, vector<16xf32>, vector<16xf32>, vector<16xf32>, vector<16xf32>, vector<16xf32>, vector<16xf32>, vector<16xf32>, vector<16xf32>, vector<16xf32>, vector<16xf32>, vector<16xf32>, vector<16xf32>, vector<16xf32>, vector<16xf32>, vector<16xf32>, vector<16xf32>
    }
    %scan3A_215 = arith.constant 4 : i32
    %jit3A_216 = arith.constant 32 : i32
    %eq3A_217 = arith.constant 0 : i32
    %eq3A_218 = arith.cmpi eq, %jit3A_216, %eq3A_217 : i32
    %jit3A_219 = arith.constant 1 : i32
    %select_n3A_220 = arith.select %eq3A_218, %jit3A_219, %jit3A_216 : i32
    %rem3A = arith.remsi %scan3A_214#1, %select_n3A_220 : i32
    %ne3A = arith.constant 0 : i32
    %ne3A_221 = arith.cmpi ne, %rem3A, %ne3A : i32
    %lt3A = arith.constant 0 : i32
    %lt3A_222 = arith.cmpi slt, %rem3A, %lt3A : i32
    %lt3A_223 = arith.constant 0 : i32
    %lt3A_224 = arith.cmpi slt, %select_n3A_220, %lt3A_223 : i32
    %ne3A_225 = arith.xori %lt3A_222, %lt3A_224 : i1
    %and3A = arith.andi %ne3A_225, %ne3A_221 : i1
    %add3A_226 = arith.addi %rem3A, %select_n3A_220 : i32
    %select_n3A_227 = arith.select %and3A, %add3A_226, %rem3A : i32
    %mul3A_228 = arith.constant 512 : i32
    %mul3A_229 = arith.muli %select_n3A_227, %mul3A_228 : i32
    %add3A_230 = arith.constant 0 : i32
    %add3A_231 = arith.addi %mul3A_229, %add3A_230 : i32
    %swap3A_232 = arith.index_cast %add3A_231 : i32 to index
    %swap3A_233 = tpu.vector_load %arg9[%swap3A_232] {strides = array<i32>} : memref<16384xf32, #tpu.memory_space<vmem>>, vector<16xf32>,
    %swap3A_234 = vector.shape_cast %swap3A_233 : vector<16xf32> to vector<16xf32>
    %swap3A_235 = vector.shape_cast %scan3A_214#2 : vector<16xf32> to vector<16xf32>
    tpu.vector_store %arg9[%swap3A_232], %swap3A_235 {strides = array<i32>} : memref<16384xf32, #tpu.memory_space<vmem>>, vector<16xf32>,
    %add3A_236 = arith.constant 16 : i32
    %add3A_237 = arith.addi %mul3A_229, %add3A_236 : i32
    %swap3A_238 = arith.index_cast %add3A_237 : i32 to index
    %swap3A_239 = tpu.vector_load %arg9[%swap3A_238] {strides = array<i32>} : memref<16384xf32, #tpu.memory_space<vmem>>, vector<16xf32>,
    %swap3A_240 = vector.shape_cast %swap3A_239 : vector<16xf32> to vector<16xf32>
    %swap3A_241 = vector.shape_cast %scan3A_214#3 : vector<16xf32> to vector<16xf32>
    tpu.vector_store %arg9[%swap3A_238], %swap3A_241 {strides = array<i32>} : memref<16384xf32, #tpu.memory_space<vmem>>, vector<16xf32>,
    %add3A_242 = arith.constant 32 : i32
    %add3A_243 = arith.addi %mul3A_229, %add3A_242 : i32
    %swap3A_244 = arith.index_cast %add3A_243 : i32 to index
    %swap3A_245 = tpu.vector_load %arg9[%swap3A_244] {strides = array<i32>} : memref<16384xf32, #tpu.memory_space<vmem>>, vector<16xf32>,
    %swap3A_246 = vector.shape_cast %swap3A_245 : vector<16xf32> to vector<16xf32>
    %swap3A_247 = vector.shape_cast %scan3A_214#4 : vector<16xf32> to vector<16xf32>
    tpu.vector_store %arg9[%swap3A_244], %swap3A_247 {strides = array<i32>} : memref<16384xf32, #tpu.memory_space<vmem>>, vector<16xf32>,
    %add3A_248 = arith.constant 48 : i32
    %add3A_249 = arith.addi %mul3A_229, %add3A_248 : i32
    %swap3A_250 = arith.index_cast %add3A_249 : i32 to index
    %swap3A_251 = tpu.vector_load %arg9[%swap3A_250] {strides = array<i32>} : memref<16384xf32, #tpu.memory_space<vmem>>, vector<16xf32>,
    %swap3A_252 = vector.shape_cast %swap3A_251 : vector<16xf32> to vector<16xf32>
    %swap3A_253 = vector.shape_cast %scan3A_214#5 : vector<16xf32> to vector<16xf32>
    tpu.vector_store %arg9[%swap3A_250], %swap3A_253 {strides = array<i32>} : memref<16384xf32, #tpu.memory_space<vmem>>, vector<16xf32>,
    %add3A_254 = arith.constant 64 : i32
    %add3A_255 = arith.addi %mul3A_229, %add3A_254 : i32
    %swap3A_256 = arith.index_cast %add3A_255 : i32 to index
    %swap3A_257 = tpu.vector_load %arg9[%swap3A_256] {strides = array<i32>} : memref<16384xf32, #tpu.memory_space<vmem>>, vector<16xf32>,
    %swap3A_258 = vector.shape_cast %swap3A_257 : vector<16xf32> to vector<16xf32>
    %swap3A_259 = vector.shape_cast %scan3A_214#6 : vector<16xf32> to vector<16xf32>
    tpu.vector_store %arg9[%swap3A_256], %swap3A_259 {strides = array<i32>} : memref<16384xf32, #tpu.memory_space<vmem>>, vector<16xf32>,
    %add3A_260 = arith.constant 80 : i32
    %add3A_261 = arith.addi %mul3A_229, %add3A_260 : i32
    %swap3A_262 = arith.index_cast %add3A_261 : i32 to index
    %swap3A_263 = tpu.vector_load %arg9[%swap3A_262] {strides = array<i32>} : memref<16384xf32, #tpu.memory_space<vmem>>, vector<16xf32>,
    %swap3A_264 = vector.shape_cast %swap3A_263 : vector<16xf32> to vector<16xf32>
    %swap3A_265 = vector.shape_cast %scan3A_214#7 : vector<16xf32> to vector<16xf32>
    tpu.vector_store %arg9[%swap3A_262], %swap3A_265 {strides = array<i32>} : memref<16384xf32, #tpu.memory_space<vmem>>, vector<16xf32>,
    %add3A_266 = arith.constant 96 : i32
    %add3A_267 = arith.addi %mul3A_229, %add3A_266 : i32
    %swap3A_268 = arith.index_cast %add3A_267 : i32 to index
    %swap3A_269 = tpu.vector_load %arg9[%swap3A_268] {strides = array<i32>} : memref<16384xf32, #tpu.memory_space<vmem>>, vector<16xf32>,
    %swap3A_270 = vector.shape_cast %swap3A_269 : vector<16xf32> to vector<16xf32>
    %swap3A_271 = vector.shape_cast %scan3A_214#8 : vector<16xf32> to vector<16xf32>
    tpu.vector_store %arg9[%swap3A_268], %swap3A_271 {strides = array<i32>} : memref<16384xf32, #tpu.memory_space<vmem>>, vector<16xf32>,
    %add3A_272 = arith.constant 112 : i32
    %add3A_273 = arith.addi %mul3A_229, %add3A_272 : i32
    %swap3A_274 = arith.index_cast %add3A_273 : i32 to index
    %swap3A_275 = tpu.vector_load %arg9[%swap3A_274] {strides = array<i32>} : memref<16384xf32, #tpu.memory_space<vmem>>, vector<16xf32>,
    %swap3A_276 = vector.shape_cast %swap3A_275 : vector<16xf32> to vector<16xf32>
    %swap3A_277 = vector.shape_cast %scan3A_214#9 : vector<16xf32> to vector<16xf32>
    tpu.vector_store %arg9[%swap3A_274], %swap3A_277 {strides = array<i32>} : memref<16384xf32, #tpu.memory_space<vmem>>, vector<16xf32>,
    %add3A_278 = arith.constant 128 : i32
    %add3A_279 = arith.addi %mul3A_229, %add3A_278 : i32
    %swap3A_280 = arith.index_cast %add3A_279 : i32 to index
    %swap3A_281 = tpu.vector_load %arg9[%swap3A_280] {strides = array<i32>} : memref<16384xf32, #tpu.memory_space<vmem>>, vector<16xf32>,
    %swap3A_282 = vector.shape_cast %swap3A_281 : vector<16xf32> to vector<16xf32>
    %swap3A_283 = vector.shape_cast %scan3A_214#10 : vector<16xf32> to vector<16xf32>
    tpu.vector_store %arg9[%swap3A_280], %swap3A_283 {strides = array<i32>} : memref<16384xf32, #tpu.memory_space<vmem>>, vector<16xf32>,
    %add3A_284 = arith.constant 144 : i32
    %add3A_285 = arith.addi %mul3A_229, %add3A_284 : i32
    %swap3A_286 = arith.index_cast %add3A_285 : i32 to index
    %swap3A_287 = tpu.vector_load %arg9[%swap3A_286] {strides = array<i32>} : memref<16384xf32, #tpu.memory_space<vmem>>, vector<16xf32>,
    %swap3A_288 = vector.shape_cast %swap3A_287 : vector<16xf32> to vector<16xf32>
    %swap3A_289 = vector.shape_cast %scan3A_214#11 : vector<16xf32> to vector<16xf32>
    tpu.vector_store %arg9[%swap3A_286], %swap3A_289 {strides = array<i32>} : memref<16384xf32, #tpu.memory_space<vmem>>, vector<16xf32>,
    %add3A_290 = arith.constant 160 : i32
    %add3A_291 = arith.addi %mul3A_229, %add3A_290 : i32
    %swap3A_292 = arith.index_cast %add3A_291 : i32 to index
    %swap3A_293 = tpu.vector_load %arg9[%swap3A_292] {strides = array<i32>} : memref<16384xf32, #tpu.memory_space<vmem>>, vector<16xf32>,
    %swap3A_294 = vector.shape_cast %swap3A_293 : vector<16xf32> to vector<16xf32>
    %swap3A_295 = vector.shape_cast %scan3A_214#12 : vector<16xf32> to vector<16xf32>
    tpu.vector_store %arg9[%swap3A_292], %swap3A_295 {strides = array<i32>} : memref<16384xf32, #tpu.memory_space<vmem>>, vector<16xf32>,
    %add3A_296 = arith.constant 176 : i32
    %add3A_297 = arith.addi %mul3A_229, %add3A_296 : i32
    %swap3A_298 = arith.index_cast %add3A_297 : i32 to index
    %swap3A_299 = tpu.vector_load %arg9[%swap3A_298] {strides = array<i32>} : memref<16384xf32, #tpu.memory_space<vmem>>, vector<16xf32>,
    %swap3A_300 = vector.shape_cast %swap3A_299 : vector<16xf32> to vector<16xf32>
    %swap3A_301 = vector.shape_cast %scan3A_214#13 : vector<16xf32> to vector<16xf32>
    tpu.vector_store %arg9[%swap3A_298], %swap3A_301 {strides = array<i32>} : memref<16384xf32, #tpu.memory_space<vmem>>, vector<16xf32>,
    %add3A_302 = arith.constant 192 : i32
    %add3A_303 = arith.addi %mul3A_229, %add3A_302 : i32
    %swap3A_304 = arith.index_cast %add3A_303 : i32 to index
    %swap3A_305 = tpu.vector_load %arg9[%swap3A_304] {strides = array<i32>} : memref<16384xf32, #tpu.memory_space<vmem>>, vector<16xf32>,
    %swap3A_306 = vector.shape_cast %swap3A_305 : vector<16xf32> to vector<16xf32>
    %swap3A_307 = vector.shape_cast %scan3A_214#14 : vector<16xf32> to vector<16xf32>
    tpu.vector_store %arg9[%swap3A_304], %swap3A_307 {strides = array<i32>} : memref<16384xf32, #tpu.memory_space<vmem>>, vector<16xf32>,
    %add3A_308 = arith.constant 208 : i32
    %add3A_309 = arith.addi %mul3A_229, %add3A_308 : i32
    %swap3A_310 = arith.index_cast %add3A_309 : i32 to index
    %swap3A_311 = tpu.vector_load %arg9[%swap3A_310] {strides = array<i32>} : memref<16384xf32, #tpu.memory_space<vmem>>, vector<16xf32>,
    %swap3A_312 = vector.shape_cast %swap3A_311 : vector<16xf32> to vector<16xf32>
    %swap3A_313 = vector.shape_cast %scan3A_214#15 : vector<16xf32> to vector<16xf32>
    tpu.vector_store %arg9[%swap3A_310], %swap3A_313 {strides = array<i32>} : memref<16384xf32, #tpu.memory_space<vmem>>, vector<16xf32>,
    %add3A_314 = arith.constant 224 : i32
    %add3A_315 = arith.addi %mul3A_229, %add3A_314 : i32
    %swap3A_316 = arith.index_cast %add3A_315 : i32 to index
    %swap3A_317 = tpu.vector_load %arg9[%swap3A_316] {strides = array<i32>} : memref<16384xf32, #tpu.memory_space<vmem>>, vector<16xf32>,
    %swap3A_318 = vector.shape_cast %swap3A_317 : vector<16xf32> to vector<16xf32>
    %swap3A_319 = vector.shape_cast %scan3A_214#16 : vector<16xf32> to vector<16xf32>
    tpu.vector_store %arg9[%swap3A_316], %swap3A_319 {strides = array<i32>} : memref<16384xf32, #tpu.memory_space<vmem>>, vector<16xf32>,
    %add3A_320 = arith.constant 240 : i32
    %add3A_321 = arith.addi %mul3A_229, %add3A_320 : i32
    %swap3A_322 = arith.index_cast %add3A_321 : i32 to index
    %swap3A_323 = tpu.vector_load %arg9[%swap3A_322] {strides = array<i32>} : memref<16384xf32, #tpu.memory_space<vmem>>, vector<16xf32>,
    %swap3A_324 = vector.shape_cast %swap3A_323 : vector<16xf32> to vector<16xf32>
    %swap3A_325 = vector.shape_cast %scan3A_214#17 : vector<16xf32> to vector<16xf32>
    tpu.vector_store %arg9[%swap3A_322], %swap3A_325 {strides = array<i32>} : memref<16384xf32, #tpu.memory_space<vmem>>, vector<16xf32>,
    %add3A_326 = arith.constant 256 : i32
    %add3A_327 = arith.addi %mul3A_229, %add3A_326 : i32
    %swap3A_328 = arith.index_cast %add3A_327 : i32 to index
    %swap3A_329 = tpu.vector_load %arg9[%swap3A_328] {strides = array<i32>} : memref<16384xf32, #tpu.memory_space<vmem>>, vector<16xf32>,
    %swap3A_330 = vector.shape_cast %swap3A_329 : vector<16xf32> to vector<16xf32>
    %swap3A_331 = vector.shape_cast %scan3A_214#18 : vector<16xf32> to vector<16xf32>
    tpu.vector_store %arg9[%swap3A_328], %swap3A_331 {strides = array<i32>} : memref<16384xf32, #tpu.memory_space<vmem>>, vector<16xf32>,
    %add3A_332 = arith.constant 272 : i32
    %add3A_333 = arith.addi %mul3A_229, %add3A_332 : i32
    %swap3A_334 = arith.index_cast %add3A_333 : i32 to index
    %swap3A_335 = tpu.vector_load %arg9[%swap3A_334] {strides = array<i32>} : memref<16384xf32, #tpu.memory_space<vmem>>, vector<16xf32>,
    %swap3A_336 = vector.shape_cast %swap3A_335 : vector<16xf32> to vector<16xf32>
    %swap3A_337 = vector.shape_cast %scan3A_214#19 : vector<16xf32> to vector<16xf32>
    tpu.vector_store %arg9[%swap3A_334], %swap3A_337 {strides = array<i32>} : memref<16384xf32, #tpu.memory_space<vmem>>, vector<16xf32>,
    %add3A_338 = arith.constant 288 : i32
    %add3A_339 = arith.addi %mul3A_229, %add3A_338 : i32
    %swap3A_340 = arith.index_cast %add3A_339 : i32 to index
    %swap3A_341 = tpu.vector_load %arg9[%swap3A_340] {strides = array<i32>} : memref<16384xf32, #tpu.memory_space<vmem>>, vector<16xf32>,
    %swap3A_342 = vector.shape_cast %swap3A_341 : vector<16xf32> to vector<16xf32>
    %swap3A_343 = vector.shape_cast %scan3A_214#20 : vector<16xf32> to vector<16xf32>
    tpu.vector_store %arg9[%swap3A_340], %swap3A_343 {strides = array<i32>} : memref<16384xf32, #tpu.memory_space<vmem>>, vector<16xf32>,
    %add3A_344 = arith.constant 304 : i32
    %add3A_345 = arith.addi %mul3A_229, %add3A_344 : i32
    %swap3A_346 = arith.index_cast %add3A_345 : i32 to index
    %swap3A_347 = tpu.vector_load %arg9[%swap3A_346] {strides = array<i32>} : memref<16384xf32, #tpu.memory_space<vmem>>, vector<16xf32>,
    %swap3A_348 = vector.shape_cast %swap3A_347 : vector<16xf32> to vector<16xf32>
    %swap3A_349 = vector.shape_cast %scan3A_214#21 : vector<16xf32> to vector<16xf32>
    tpu.vector_store %arg9[%swap3A_346], %swap3A_349 {strides = array<i32>} : memref<16384xf32, #tpu.memory_space<vmem>>, vector<16xf32>,
    %add3A_350 = arith.constant 320 : i32
    %add3A_351 = arith.addi %mul3A_229, %add3A_350 : i32
    %swap3A_352 = arith.index_cast %add3A_351 : i32 to index
    %swap3A_353 = tpu.vector_load %arg9[%swap3A_352] {strides = array<i32>} : memref<16384xf32, #tpu.memory_space<vmem>>, vector<16xf32>,
    %swap3A_354 = vector.shape_cast %swap3A_353 : vector<16xf32> to vector<16xf32>
    %swap3A_355 = vector.shape_cast %scan3A_214#22 : vector<16xf32> to vector<16xf32>
    tpu.vector_store %arg9[%swap3A_352], %swap3A_355 {strides = array<i32>} : memref<16384xf32, #tpu.memory_space<vmem>>, vector<16xf32>,
    %add3A_356 = arith.constant 336 : i32
    %add3A_357 = arith.addi %mul3A_229, %add3A_356 : i32
    %swap3A_358 = arith.index_cast %add3A_357 : i32 to index
    %swap3A_359 = tpu.vector_load %arg9[%swap3A_358] {strides = array<i32>} : memref<16384xf32, #tpu.memory_space<vmem>>, vector<16xf32>,
    %swap3A_360 = vector.shape_cast %swap3A_359 : vector<16xf32> to vector<16xf32>
    %swap3A_361 = vector.shape_cast %scan3A_214#23 : vector<16xf32> to vector<16xf32>
    tpu.vector_store %arg9[%swap3A_358], %swap3A_361 {strides = array<i32>} : memref<16384xf32, #tpu.memory_space<vmem>>, vector<16xf32>,
    %add3A_362 = arith.constant 352 : i32
    %add3A_363 = arith.addi %mul3A_229, %add3A_362 : i32
    %swap3A_364 = arith.index_cast %add3A_363 : i32 to index
    %swap3A_365 = tpu.vector_load %arg9[%swap3A_364] {strides = array<i32>} : memref<16384xf32, #tpu.memory_space<vmem>>, vector<16xf32>,
    %swap3A_366 = vector.shape_cast %swap3A_365 : vector<16xf32> to vector<16xf32>
    %swap3A_367 = vector.shape_cast %scan3A_214#24 : vector<16xf32> to vector<16xf32>
    tpu.vector_store %arg9[%swap3A_364], %swap3A_367 {strides = array<i32>} : memref<16384xf32, #tpu.memory_space<vmem>>, vector<16xf32>,
    %add3A_368 = arith.constant 368 : i32
    %add3A_369 = arith.addi %mul3A_229, %add3A_368 : i32
    %swap3A_370 = arith.index_cast %add3A_369 : i32 to index
    %swap3A_371 = tpu.vector_load %arg9[%swap3A_370] {strides = array<i32>} : memref<16384xf32, #tpu.memory_space<vmem>>, vector<16xf32>,
    %swap3A_372 = vector.shape_cast %swap3A_371 : vector<16xf32> to vector<16xf32>
    %swap3A_373 = vector.shape_cast %scan3A_214#25 : vector<16xf32> to vector<16xf32>
    tpu.vector_store %arg9[%swap3A_370], %swap3A_373 {strides = array<i32>} : memref<16384xf32, #tpu.memory_space<vmem>>, vector<16xf32>,
    %add3A_374 = arith.constant 384 : i32
    %add3A_375 = arith.addi %mul3A_229, %add3A_374 : i32
    %swap3A_376 = arith.index_cast %add3A_375 : i32 to index
    %swap3A_377 = tpu.vector_load %arg9[%swap3A_376] {strides = array<i32>} : memref<16384xf32, #tpu.memory_space<vmem>>, vector<16xf32>,
    %swap3A_378 = vector.shape_cast %swap3A_377 : vector<16xf32> to vector<16xf32>
    %swap3A_379 = vector.shape_cast %scan3A_214#26 : vector<16xf32> to vector<16xf32>
    tpu.vector_store %arg9[%swap3A_376], %swap3A_379 {strides = array<i32>} : memref<16384xf32, #tpu.memory_space<vmem>>, vector<16xf32>,
    %add3A_380 = arith.constant 400 : i32
    %add3A_381 = arith.addi %mul3A_229, %add3A_380 : i32
    %swap3A_382 = arith.index_cast %add3A_381 : i32 to index
    %swap3A_383 = tpu.vector_load %arg9[%swap3A_382] {strides = array<i32>} : memref<16384xf32, #tpu.memory_space<vmem>>, vector<16xf32>,
    %swap3A_384 = vector.shape_cast %swap3A_383 : vector<16xf32> to vector<16xf32>
    %swap3A_385 = vector.shape_cast %scan3A_214#27 : vector<16xf32> to vector<16xf32>
    tpu.vector_store %arg9[%swap3A_382], %swap3A_385 {strides = array<i32>} : memref<16384xf32, #tpu.memory_space<vmem>>, vector<16xf32>,
    %add3A_386 = arith.constant 416 : i32
    %add3A_387 = arith.addi %mul3A_229, %add3A_386 : i32
    %swap3A_388 = arith.index_cast %add3A_387 : i32 to index
    %swap3A_389 = tpu.vector_load %arg9[%swap3A_388] {strides = array<i32>} : memref<16384xf32, #tpu.memory_space<vmem>>, vector<16xf32>,
    %swap3A_390 = vector.shape_cast %swap3A_389 : vector<16xf32> to vector<16xf32>
    %swap3A_391 = vector.shape_cast %scan3A_214#28 : vector<16xf32> to vector<16xf32>
    tpu.vector_store %arg9[%swap3A_388], %swap3A_391 {strides = array<i32>} : memref<16384xf32, #tpu.memory_space<vmem>>, vector<16xf32>,
    %add3A_392 = arith.constant 432 : i32
    %add3A_393 = arith.addi %mul3A_229, %add3A_392 : i32
    %swap3A_394 = arith.index_cast %add3A_393 : i32 to index
    %swap3A_395 = tpu.vector_load %arg9[%swap3A_394] {strides = array<i32>} : memref<16384xf32, #tpu.memory_space<vmem>>, vector<16xf32>,
    %swap3A_396 = vector.shape_cast %swap3A_395 : vector<16xf32> to vector<16xf32>
    %swap3A_397 = vector.shape_cast %scan3A_214#29 : vector<16xf32> to vector<16xf32>
    tpu.vector_store %arg9[%swap3A_394], %swap3A_397 {strides = array<i32>} : memref<16384xf32, #tpu.memory_space<vmem>>, vector<16xf32>,
    %add3A_398 = arith.constant 448 : i32
    %add3A_399 = arith.addi %mul3A_229, %add3A_398 : i32
    %swap3A_400 = arith.index_cast %add3A_399 : i32 to index
    %swap3A_401 = tpu.vector_load %arg9[%swap3A_400] {strides = array<i32>} : memref<16384xf32, #tpu.memory_space<vmem>>, vector<16xf32>,
    %swap3A_402 = vector.shape_cast %swap3A_401 : vector<16xf32> to vector<16xf32>
    %swap3A_403 = vector.shape_cast %scan3A_214#30 : vector<16xf32> to vector<16xf32>
    tpu.vector_store %arg9[%swap3A_400], %swap3A_403 {strides = array<i32>} : memref<16384xf32, #tpu.memory_space<vmem>>, vector<16xf32>,
    %add3A_404 = arith.constant 464 : i32
    %add3A_405 = arith.addi %mul3A_229, %add3A_404 : i32
    %swap3A_406 = arith.index_cast %add3A_405 : i32 to index
    %swap3A_407 = tpu.vector_load %arg9[%swap3A_406] {strides = array<i32>} : memref<16384xf32, #tpu.memory_space<vmem>>, vector<16xf32>,
    %swap3A_408 = vector.shape_cast %swap3A_407 : vector<16xf32> to vector<16xf32>
    %swap3A_409 = vector.shape_cast %scan3A_214#31 : vector<16xf32> to vector<16xf32>
    tpu.vector_store %arg9[%swap3A_406], %swap3A_409 {strides = array<i32>} : memref<16384xf32, #tpu.memory_space<vmem>>, vector<16xf32>,
    %add3A_410 = arith.constant 480 : i32
    %add3A_411 = arith.addi %mul3A_229, %add3A_410 : i32
    %swap3A_412 = arith.index_cast %add3A_411 : i32 to index
    %swap3A_413 = tpu.vector_load %arg9[%swap3A_412] {strides = array<i32>} : memref<16384xf32, #tpu.memory_space<vmem>>, vector<16xf32>,
    %swap3A_414 = vector.shape_cast %swap3A_413 : vector<16xf32> to vector<16xf32>
    %swap3A_415 = vector.shape_cast %scan3A_214#32 : vector<16xf32> to vector<16xf32>
    tpu.vector_store %arg9[%swap3A_412], %swap3A_415 {strides = array<i32>} : memref<16384xf32, #tpu.memory_space<vmem>>, vector<16xf32>,
    %add3A_416 = arith.constant 496 : i32
    %add3A_417 = arith.addi %mul3A_229, %add3A_416 : i32
    %swap3A_418 = arith.index_cast %add3A_417 : i32 to index
    %swap3A_419 = tpu.vector_load %arg9[%swap3A_418] {strides = array<i32>} : memref<16384xf32, #tpu.memory_space<vmem>>, vector<16xf32>,
    %swap3A_420 = vector.shape_cast %swap3A_419 : vector<16xf32> to vector<16xf32>
    %swap3A_421 = vector.shape_cast %scan3A_214#33 : vector<16xf32> to vector<16xf32>
    tpu.vector_store %arg9[%swap3A_418], %swap3A_421 {strides = array<i32>} : memref<16384xf32, #tpu.memory_space<vmem>>, vector<16xf32>,
    %eq3A_422 = arith.cmpi eq, %scan3A_214#0, %squeeze3A : i32
    %convert_element_type3A_423 = arith.extui %eq3A_422 : i1 to i32
    %cond3A_424 = arith.constant 0 : i32
    %cond3A_425 = arith.cmpi ne, %convert_element_type3A_423, %cond3A_424 : i32
    scf.if %cond3A_425 {
      %mul3A_468 = arith.constant 2 : i32
      %mul3A_469 = arith.muli %mul3A_468, %add3A : i32
      %mul3A_470 = arith.constant 512 : i32
      %mul3A_471 = arith.muli %mul3A_469, %mul3A_470 : i32
      %dma_start3A_472 = tpu.memref_slice %arg9[%mul3A_229] : memref<16384xf32, #tpu.memory_space<vmem>> -> memref<512xf32, #tpu.memory_space<vmem>>
      %dma_start3A_473 = tpu.memref_slice %arg6[%mul3A_471] : memref<32768xf32, #tpu.memory_space<hbm>> -> memref<512xf32, #tpu.memory_space<hbm>>
      %dma_start3A_474 = tpu.memref_slice %arg6[%mul3A_471] : memref<32768xf32, #tpu.memory_space<hbm>> -> memref<512xf32, #tpu.memory_space<hbm>>
      %dma_start3A_475 = tpu.memref_slice %arg9[%mul3A_229] : memref<16384xf32, #tpu.memory_space<vmem>> -> memref<512xf32, #tpu.memory_space<vmem>>
      tpu.enqueue_dma source(%dma_start3A_475 : memref<512xf32, #tpu.memory_space<vmem>>) target(%dma_start3A_474 : memref<512xf32, #tpu.memory_space<hbm>>) target_semaphore(%arg15 : memref<!tpu.dma_semaphore, #tpu.memory_space<semaphore_mem>>)
    } else {
    }
    %ne3A_426 = arith.cmpi ne, %scan3A_214#0, %squeeze3A : i32
    %convert_element_type3A_427 = arith.extui %ne3A_426 : i1 to i32
    %cond3A_428 = arith.constant 0 : i32
    %cond3A_429 = arith.cmpi ne, %convert_element_type3A_427, %cond3A_428 : i32
    scf.if %cond3A_429 {
      %mul3A_468 = arith.constant 512 : i32
      %mul3A_469 = arith.muli %scan3A_214#0, %mul3A_468 : i32
      %dma_start3A_470 = tpu.memref_slice %arg9[%mul3A_229] : memref<16384xf32, #tpu.memory_space<vmem>> -> memref<512xf32, #tpu.memory_space<vmem>>
      %dma_start3A_471 = tpu.memref_slice %arg5[%mul3A_469] : memref<262144xf32, #tpu.memory_space<hbm>> -> memref<512xf32, #tpu.memory_space<hbm>>
      %dma_start3A_472 = tpu.memref_slice %arg5[%mul3A_469] : memref<262144xf32, #tpu.memory_space<hbm>> -> memref<512xf32, #tpu.memory_space<hbm>>
      %dma_start3A_473 = tpu.memref_slice %arg9[%mul3A_229] : memref<16384xf32, #tpu.memory_space<vmem>> -> memref<512xf32, #tpu.memory_space<vmem>>
      tpu.enqueue_dma source(%dma_start3A_473 : memref<512xf32, #tpu.memory_space<vmem>>) target(%dma_start3A_472 : memref<512xf32, #tpu.memory_space<hbm>>) target_semaphore(%arg15 : memref<!tpu.dma_semaphore, #tpu.memory_space<semaphore_mem>>)
    } else {
    }
    %eq3A_430 = arith.cmpi eq, %scan3A_214#0, %squeeze3A : i32
    %convert_element_type3A_431 = arith.extui %eq3A_430 : i1 to i32
    %cond3A_432 = arith.constant 0 : i32
    %cond3A_433 = arith.cmpi ne, %convert_element_type3A_431, %cond3A_432 : i32
    scf.if %cond3A_433 {
      %mul3A_468 = arith.constant 2 : i32
      %mul3A_469 = arith.muli %mul3A_468, %add3A : i32
      %add3A_470 = arith.constant 1 : i32
      %add3A_471 = arith.addi %mul3A_469, %add3A_470 : i32
      %mul3A_472 = arith.constant 512 : i32
      %mul3A_473 = arith.muli %add3A_471, %mul3A_472 : i32
      %dma_start3A_474 = tpu.memref_slice %arg6[%mul3A_473] : memref<32768xf32, #tpu.memory_space<hbm>> -> memref<512xf32, #tpu.memory_space<hbm>>
      %dma_start3A_475 = tpu.memref_slice %arg6[%mul3A_473] : memref<32768xf32, #tpu.memory_space<hbm>> -> memref<512xf32, #tpu.memory_space<hbm>>
      tpu.enqueue_dma source(%arg10 : memref<512xf32, #tpu.memory_space<vmem>>) target(%dma_start3A_475 : memref<512xf32, #tpu.memory_space<hbm>>) target_semaphore(%arg15 : memref<!tpu.dma_semaphore, #tpu.memory_space<semaphore_mem>>)
    } else {
    }
    %add3A_434 = arith.constant 1 : i32
    %add3A_435 = arith.addi %squeeze3A_199, %add3A_434 : i32
    %while3A = arith.constant 0 : i32
    %while3A_436 = arith.subi %add3A_435, %scan3A_214#0 : i32
    %while3A_437 = arith.addi %scan3A_214#0, %while3A_436 : i32
    %while3A_438 = arith.constant 1 : i32
    %while3A_439 = arith.divsi %while3A_436, %while3A_438 : i32
    %while3A_440 = arith.muli %while3A_439, %while3A_438 : i32
    %while3A_441 = arith.addi %scan3A_214#0, %while3A_440 : i32
    %while3A_442 = arith.constant 1 : i32
    %while3A_443 = scf.for %while3A_468 = %scan3A_214#0 to %while3A_441 step %while3A_442 iter_args(%while3A_469 = %while3A) -> (i32)  : i32 {
      %mul3A_470 = arith.constant 512 : i32
      %mul3A_471 = arith.muli %while3A_468, %mul3A_470 : i32
      %dma_start3A_472 = tpu.memref_slice %arg5[%mul3A_471] : memref<262144xf32, #tpu.memory_space<hbm>> -> memref<512xf32, #tpu.memory_space<hbm>>
      %dma_start3A_473 = tpu.memref_slice %arg5[%mul3A_471] : memref<262144xf32, #tpu.memory_space<hbm>> -> memref<512xf32, #tpu.memory_space<hbm>>
      tpu.enqueue_dma source(%arg10 : memref<512xf32, #tpu.memory_space<vmem>>) target(%dma_start3A_473 : memref<512xf32, #tpu.memory_space<hbm>>) target_semaphore(%arg15 : memref<!tpu.dma_semaphore, #tpu.memory_space<semaphore_mem>>)
      %while3A_474 = arith.constant 0 : i32
      scf.yield %while3A_474 : i32
    }
    %while3A_444 = arith.constant 1 : i32
    %while3A_445 = scf.for %while3A_468 = %while3A_441 to %while3A_437 step %while3A_444 iter_args(%while3A_469 = %while3A_443) -> (i32)  : i32 {
      %mul3A_470 = arith.constant 512 : i32
      %mul3A_471 = arith.muli %while3A_468, %mul3A_470 : i32
      %dma_start3A_472 = tpu.memref_slice %arg5[%mul3A_471] : memref<262144xf32, #tpu.memory_space<hbm>> -> memref<512xf32, #tpu.memory_space<hbm>>
      %dma_start3A_473 = tpu.memref_slice %arg5[%mul3A_471] : memref<262144xf32, #tpu.memory_space<hbm>> -> memref<512xf32, #tpu.memory_space<hbm>>
      tpu.enqueue_dma source(%arg10 : memref<512xf32, #tpu.memory_space<vmem>>) target(%dma_start3A_473 : memref<512xf32, #tpu.memory_space<hbm>>) target_semaphore(%arg15 : memref<!tpu.dma_semaphore, #tpu.memory_space<semaphore_mem>>)
      %while3A_474 = arith.constant 0 : i32
      scf.yield %while3A_474 : i32
    }
    %add3A_446 = arith.constant 1 : i32
    %add3A_447 = arith.addi %scan3A_214#1, %add3A_446 : i32
    %eq3A_448 = arith.cmpi eq, %scan3A_214#0, %squeeze3A : i32
    %jit3A_449 = arith.constant 1 : i32
    %jit3A_450 = arith.constant 0 : i32
    %select_n3A_451 = arith.select %eq3A_448, %jit3A_449, %jit3A_450 : i32
    %add3A_452 = arith.addi %add3A_447, %select_n3A_451 : i32
    %add3A_453 = arith.constant 1 : i32
    %add3A_454 = arith.addi %squeeze3A_199, %add3A_453 : i32
    %sub3A = arith.subi %add3A_454, %scan3A_214#0 : i32
    %add3A_455 = arith.addi %add3A_452, %sub3A : i32
    %while3A_456 = arith.constant 0 : i32
    %while3A_457 = arith.constant 0 : i32
    %while3A_458 = arith.subi %add3A_455, %while3A_456 : i32
    %while3A_459 = arith.addi %while3A_456, %while3A_458 : i32
    %while3A_460 = arith.constant 1 : i32
    %while3A_461 = arith.divsi %while3A_458, %while3A_460 : i32
    %while3A_462 = arith.muli %while3A_461, %while3A_460 : i32
    %while3A_463 = arith.addi %while3A_456, %while3A_462 : i32
    %while3A_464 = arith.constant 1 : i32
    %while3A_465 = scf.for %while3A_468 = %while3A_456 to %while3A_463 step %while3A_464 iter_args(%while3A_469 = %while3A_457) -> (i32)  : i32 {
      %dma_wait3A = arith.constant 0 : i32
      %dma_wait3A_470 = tpu.memref_slice %arg9[%dma_wait3A] : memref<16384xf32, #tpu.memory_space<vmem>> -> memref<512xf32, #tpu.memory_space<vmem>>
      %dma_wait3A_471 = arith.constant 0 : i32
      %dma_wait3A_472 = tpu.memref_slice %arg5[%dma_wait3A_471] : memref<262144xf32, #tpu.memory_space<hbm>> -> memref<512xf32, #tpu.memory_space<hbm>>
      %dma_wait3A_473 = arith.constant 0 : i32
      %dma_wait3A_474 = tpu.memref_slice %arg5[%dma_wait3A_473] : memref<262144xf32, #tpu.memory_space<hbm>> -> memref<512xf32, #tpu.memory_space<hbm>>
      %dma_wait3A_475 = arith.constant 0 : i32
      %dma_wait3A_476 = tpu.memref_slice %arg9[%dma_wait3A_475] : memref<16384xf32, #tpu.memory_space<vmem>> -> memref<512xf32, #tpu.memory_space<vmem>>
      tpu.wait_dma2 semaphore(%arg15 : memref<!tpu.dma_semaphore, #tpu.memory_space<semaphore_mem>>) src(%dma_wait3A_476 : memref<512xf32, #tpu.memory_space<vmem>>) dst(%dma_wait3A_474 : memref<512xf32, #tpu.memory_space<hbm>>)
      %while3A_477 = arith.constant 0 : i32
      scf.yield %while3A_477 : i32
    }
    %while3A_466 = arith.constant 1 : i32
    %while3A_467 = scf.for %while3A_468 = %while3A_463 to %while3A_459 step %while3A_466 iter_args(%while3A_469 = %while3A_465) -> (i32)  : i32 {
      %dma_wait3A = arith.constant 0 : i32
      %dma_wait3A_470 = tpu.memref_slice %arg9[%dma_wait3A] : memref<16384xf32, #tpu.memory_space<vmem>> -> memref<512xf32, #tpu.memory_space<vmem>>
      %dma_wait3A_471 = arith.constant 0 : i32
      %dma_wait3A_472 = tpu.memref_slice %arg5[%dma_wait3A_471] : memref<262144xf32, #tpu.memory_space<hbm>> -> memref<512xf32, #tpu.memory_space<hbm>>
      %dma_wait3A_473 = arith.constant 0 : i32
      %dma_wait3A_474 = tpu.memref_slice %arg5[%dma_wait3A_473] : memref<262144xf32, #tpu.memory_space<hbm>> -> memref<512xf32, #tpu.memory_space<hbm>>
      %dma_wait3A_475 = arith.constant 0 : i32
      %dma_wait3A_476 = tpu.memref_slice %arg9[%dma_wait3A_475] : memref<16384xf32, #tpu.memory_space<vmem>> -> memref<512xf32, #tpu.memory_space<vmem>>
      tpu.wait_dma2 semaphore(%arg15 : memref<!tpu.dma_semaphore, #tpu.memory_space<semaphore_mem>>) src(%dma_wait3A_476 : memref<512xf32, #tpu.memory_space<vmem>>) dst(%dma_wait3A_474 : memref<512xf32, #tpu.memory_space<hbm>>)
      %while3A_477 = arith.constant 0 : i32
      scf.yield %while3A_477 : i32
    }
    return
  }
}

module attributes {stable_mosaic.version = 14 : i64} {
  func.func @_tc_enc_body(%arg0: i32, %arg1: memref<256x512xf32, #tpu.memory_space<vmem>>, %arg2: memref<512x512xf32, #tpu.memory_space<vmem>>, %arg3: memref<1x512xf32, #tpu.memory_space<vmem>>, %arg4: memref<256x512xf32, #tpu.memory_space<vmem>>) attributes {dimension_semantics = [#tpu.dimension_semantics<arbitrary>], iteration_bounds = array<i64: 32>, scalar_prefetch = 0 : i64, scratch_operands = 0 : i64, tpu.core_type = #tpu.core_type<tc>, window_params = [{transform_indices = @transform_0, window_bounds = array<i64: 256, 512>}, {pipeline_mode = #tpu.pipeline_mode<synchronous>, transform_indices = @transform_1, window_bounds = array<i64: 512, 512>}, {pipeline_mode = #tpu.pipeline_mode<synchronous>, transform_indices = @transform_2, window_bounds = array<i64: 1, 512>}, {transform_indices = @transform_3, window_bounds = array<i64: 256, 512>}]} {
    %get3A = arith.constant 0 : index
    %get3A_0 = arith.constant 0 : index
    %get3A_1 = vector.load %arg1[%get3A, %get3A_0] : memref<256x512xf32, #tpu.memory_space<vmem>>, vector<256x512xf32>
    %get3A_2 = arith.constant 0 : index
    %get3A_3 = arith.constant 0 : index
    %get3A_4 = vector.load %arg2[%get3A_2, %get3A_3] : memref<512x512xf32, #tpu.memory_space<vmem>>, vector<512x512xf32>
    %dot_general3A = arith.constant dense<0.000000e+00> : vector<256x512xf32>
    %dot_general3A_5 = tpu.matmul %get3A_1, %get3A_4, %dot_general3A {dimension_numbers = #tpu.dot_dimension_numbers<[1], [1], [0], [0], [0, 0, 1, 0], [], []>, transpose_lhs_hint = false} : vector<256x512xf32>, vector<512x512xf32>, vector<256x512xf32> -> vector<256x512xf32>
    %get3A_6 = arith.constant 0 : index
    %get3A_7 = arith.constant 0 : index
    %get3A_8 = vector.load %arg3[%get3A_6, %get3A_7] : memref<1x512xf32, #tpu.memory_space<vmem>>, vector<1x512xf32>
    %add3A = vector.broadcast %get3A_8 : vector<1x512xf32> to vector<256x512xf32>
    %add3A_9 = arith.addf %dot_general3A_5, %add3A : vector<256x512xf32>
    %swap3A = arith.constant 0 : index
    %swap3A_10 = arith.constant 0 : index
    %swap3A_11 = vector.load %arg4[%swap3A, %swap3A_10] : memref<256x512xf32, #tpu.memory_space<vmem>>, vector<256x512xf32>
    tpu.vector_store %arg4[%swap3A, %swap3A_10], %add3A_9 {strides = array<i32>} : memref<256x512xf32, #tpu.memory_space<vmem>>, vector<256x512xf32>,
    return
  }
  func.func @transform_0(%arg0: i32) -> (i32, i32) {
    %c0_i32 = arith.constant 0 : i32
    %c0_i32_0 = arith.constant 0 : i32
    return %arg0, %c0_i32 : i32, i32
  }
  func.func @transform_1(%arg0: i32) -> (i32, i32) {
    %c0_i32 = arith.constant 0 : i32
    %c0_i32_0 = arith.constant 0 : i32
    %c0_i32_1 = arith.constant 0 : i32
    return %c0_i32, %c0_i32_0 : i32, i32
  }
  func.func @transform_2(%arg0: i32) -> (i32, i32) {
    %c0_i32 = arith.constant 0 : i32
    %c0_i32_0 = arith.constant 0 : i32
    %c0_i32_1 = arith.constant 0 : i32
    return %c0_i32, %c0_i32_0 : i32, i32
  }
  func.func @transform_3(%arg0: i32) -> (i32, i32) {
    %c0_i32 = arith.constant 0 : i32
    %c0_i32_0 = arith.constant 0 : i32
    return %arg0, %c0_i32 : i32, i32
  }
}

module attributes {stable_mosaic.version = 14 : i64} {
  func.func @_tc_main_body(%arg0: i32, %arg1: memref<256x512xf32, #tpu.memory_space<vmem>>, %arg2: memref<512x512xf32, #tpu.memory_space<vmem>>, %arg3: memref<1x512xf32, #tpu.memory_space<vmem>>, %arg4: memref<512x512xf32, #tpu.memory_space<vmem>>, %arg5: memref<64x512xf32, #tpu.memory_space<vmem>>, %arg6: memref<1x64xf32, #tpu.memory_space<vmem>>, %arg7: memref<8x2048xi32, #tpu.memory_space<vmem>>, %arg8: memref<256x512xf32, #tpu.memory_space<vmem>>, %arg9: memref<512x512xf32, #tpu.memory_space<vmem>>, %arg10: memref<1x512xf32, #tpu.memory_space<vmem>>) attributes {dimension_semantics = [#tpu.dimension_semantics<arbitrary>], iteration_bounds = array<i64: 32>, scalar_prefetch = 0 : i64, scratch_operands = 2 : i64, tpu.core_type = #tpu.core_type<tc>, window_params = [{transform_indices = @transform_0, window_bounds = array<i64: 256, 512>}, {pipeline_mode = #tpu.pipeline_mode<synchronous>, transform_indices = @transform_1, window_bounds = array<i64: 512, 512>}, {pipeline_mode = #tpu.pipeline_mode<synchronous>, transform_indices = @transform_2, window_bounds = array<i64: 1, 512>}, {pipeline_mode = #tpu.pipeline_mode<synchronous>, transform_indices = @transform_3, window_bounds = array<i64: 512, 512>}, {pipeline_mode = #tpu.pipeline_mode<synchronous>, transform_indices = @transform_4, window_bounds = array<i64: 64, 512>}, {pipeline_mode = #tpu.pipeline_mode<synchronous>, transform_indices = @transform_5, window_bounds = array<i64: 1, 64>}, {pipeline_mode = #tpu.pipeline_mode<synchronous>, transform_indices = @transform_6, window_bounds = array<i64: 8, 2048>}, {transform_indices = @transform_7, window_bounds = array<i64: 256, 512>}]} {
    %eq3A = arith.constant 0 : i32
    %eq3A_0 = arith.cmpi eq, %arg0, %eq3A : i32
    %convert_element_type3A = arith.extui %eq3A_0 : i1 to i32
    %cond3A = arith.constant 0 : i32
    %cond3A_1 = arith.cmpi ne, %convert_element_type3A, %cond3A : i32
    scf.if %cond3A_1 {
      %iota3A = tpu.iota {dimensions = array<i32: 0>} : vector<512x1xi32>
      %convert_element_type3A_23 = arith.sitofp %iota3A : vector<512x1xi32> to vector<512x1xf32>
      %get3A_24 = arith.constant 0 : index
      %get3A_25 = arith.constant 0 : index
      %get3A_26 = vector.load %arg6[%get3A_24, %get3A_25] : memref<1x64xf32, #tpu.memory_space<vmem>>, vector<1x64xf32>
      %eq3A_27 = vector.broadcast %convert_element_type3A_23 : vector<512x1xf32> to vector<512x64xf32>
      %eq3A_28 = vector.broadcast %get3A_26 : vector<1x64xf32> to vector<512x64xf32>
      %eq3A_29 = arith.cmpf oeq, %eq3A_27, %eq3A_28 : vector<512x64xf32>
      %convert_element_type3A_30 = arith.extui %eq3A_29 : vector<512x64xi1> to vector<512x64xi32>
      %convert_element_type3A_31 = arith.sitofp %convert_element_type3A_30 : vector<512x64xi32> to vector<512x64xf32>
      %get3A_32 = arith.constant 0 : index
      %get3A_33 = arith.constant 0 : index
      %get3A_34 = vector.load %arg4[%get3A_32, %get3A_33] : memref<512x512xf32, #tpu.memory_space<vmem>>, vector<512x512xf32>
      %get3A_35 = arith.constant 0 : index
      %get3A_36 = arith.constant 0 : index
      %get3A_37 = vector.load %arg5[%get3A_35, %get3A_36] : memref<64x512xf32, #tpu.memory_space<vmem>>, vector<64x512xf32>
      %dot_general3A_38 = arith.constant dense<0.000000e+00> : vector<512x512xf32>
      %dot_general3A_39 = tpu.matmul %convert_element_type3A_31, %get3A_37, %dot_general3A_38 {dimension_numbers = #tpu.dot_dimension_numbers<[1], [0], [0], [1], [0, 0, 1, 1], [], []>, transpose_lhs_hint = false} : vector<512x64xf32>, vector<64x512xf32>, vector<512x512xf32> -> vector<512x512xf32>
      %add3A_40 = arith.addf %get3A_34, %dot_general3A_39 : vector<512x512xf32>
      %broadcast_in_dim3A_41 = arith.constant 0.000000e+00 : f32
      %broadcast_in_dim3A_42 = vector.broadcast %broadcast_in_dim3A_41 : f32 to vector<512x1xf32>
      %get3A_43 = arith.constant 0 : index
      %get3A_44 = arith.constant 0 : index
      %get3A_45 = vector.load %arg7[%get3A_43, %get3A_44] : memref<8x2048xi32, #tpu.memory_space<vmem>>, vector<8x2048xi32>
      %slice3A = vector.extract_strided_slice %get3A_45 {offsets = [0, 0], sizes = [1, 2048], strides = [1, 1]} : vector<8x2048xi32> to vector<1x2048xi32>
      %eq3A_46 = vector.broadcast %slice3A : vector<1x2048xi32> to vector<512x2048xi32>
      %eq3A_47 = vector.broadcast %iota3A : vector<512x1xi32> to vector<512x2048xi32>
      %eq3A_48 = arith.cmpi eq, %eq3A_46, %eq3A_47 : vector<512x2048xi32>
      %convert_element_type3A_49 = arith.extui %eq3A_48 : vector<512x2048xi1> to vector<512x2048xi32>
      %convert_element_type3A_50 = arith.sitofp %convert_element_type3A_49 : vector<512x2048xi32> to vector<512x2048xf32>
      %reduce_sum3A_51 = arith.constant dense<0.000000e+00> : vector<512xf32>
      %reduce_sum3A_52 = vector.multi_reduction <add>, %convert_element_type3A_50, %reduce_sum3A_51 [1] : vector<512x2048xf32> to vector<512xf32>
      %broadcast_in_dim3A_53 = vector.shape_cast %reduce_sum3A_52 : vector<512xf32> to vector<512x1xf32>
      %add3A_54 = arith.addf %broadcast_in_dim3A_42, %broadcast_in_dim3A_53 : vector<512x1xf32>
      %slice3A_55 = vector.extract_strided_slice %get3A_45 {offsets = [1, 0], sizes = [1, 2048], strides = [1, 1]} : vector<8x2048xi32> to vector<1x2048xi32>
      %eq3A_56 = vector.broadcast %slice3A_55 : vector<1x2048xi32> to vector<512x2048xi32>
      %eq3A_57 = vector.broadcast %iota3A : vector<512x1xi32> to vector<512x2048xi32>
      %eq3A_58 = arith.cmpi eq, %eq3A_56, %eq3A_57 : vector<512x2048xi32>
      %convert_element_type3A_59 = arith.extui %eq3A_58 : vector<512x2048xi1> to vector<512x2048xi32>
      %convert_element_type3A_60 = arith.sitofp %convert_element_type3A_59 : vector<512x2048xi32> to vector<512x2048xf32>
      %reduce_sum3A_61 = arith.constant dense<0.000000e+00> : vector<512xf32>
      %reduce_sum3A_62 = vector.multi_reduction <add>, %convert_element_type3A_60, %reduce_sum3A_61 [1] : vector<512x2048xf32> to vector<512xf32>
      %broadcast_in_dim3A_63 = vector.shape_cast %reduce_sum3A_62 : vector<512xf32> to vector<512x1xf32>
      %add3A_64 = arith.addf %add3A_54, %broadcast_in_dim3A_63 : vector<512x1xf32>
      %slice3A_65 = vector.extract_strided_slice %get3A_45 {offsets = [2, 0], sizes = [1, 2048], strides = [1, 1]} : vector<8x2048xi32> to vector<1x2048xi32>
      %eq3A_66 = vector.broadcast %slice3A_65 : vector<1x2048xi32> to vector<512x2048xi32>
      %eq3A_67 = vector.broadcast %iota3A : vector<512x1xi32> to vector<512x2048xi32>
      %eq3A_68 = arith.cmpi eq, %eq3A_66, %eq3A_67 : vector<512x2048xi32>
      %convert_element_type3A_69 = arith.extui %eq3A_68 : vector<512x2048xi1> to vector<512x2048xi32>
      %convert_element_type3A_70 = arith.sitofp %convert_element_type3A_69 : vector<512x2048xi32> to vector<512x2048xf32>
      %reduce_sum3A_71 = arith.constant dense<0.000000e+00> : vector<512xf32>
      %reduce_sum3A_72 = vector.multi_reduction <add>, %convert_element_type3A_70, %reduce_sum3A_71 [1] : vector<512x2048xf32> to vector<512xf32>
      %broadcast_in_dim3A_73 = vector.shape_cast %reduce_sum3A_72 : vector<512xf32> to vector<512x1xf32>
      %add3A_74 = arith.addf %add3A_64, %broadcast_in_dim3A_73 : vector<512x1xf32>
      %slice3A_75 = vector.extract_strided_slice %get3A_45 {offsets = [3, 0], sizes = [1, 2048], strides = [1, 1]} : vector<8x2048xi32> to vector<1x2048xi32>
      %eq3A_76 = vector.broadcast %slice3A_75 : vector<1x2048xi32> to vector<512x2048xi32>
      %eq3A_77 = vector.broadcast %iota3A : vector<512x1xi32> to vector<512x2048xi32>
      %eq3A_78 = arith.cmpi eq, %eq3A_76, %eq3A_77 : vector<512x2048xi32>
      %convert_element_type3A_79 = arith.extui %eq3A_78 : vector<512x2048xi1> to vector<512x2048xi32>
      %convert_element_type3A_80 = arith.sitofp %convert_element_type3A_79 : vector<512x2048xi32> to vector<512x2048xf32>
      %reduce_sum3A_81 = arith.constant dense<0.000000e+00> : vector<512xf32>
      %reduce_sum3A_82 = vector.multi_reduction <add>, %convert_element_type3A_80, %reduce_sum3A_81 [1] : vector<512x2048xf32> to vector<512xf32>
      %broadcast_in_dim3A_83 = vector.shape_cast %reduce_sum3A_82 : vector<512xf32> to vector<512x1xf32>
      %add3A_84 = arith.addf %add3A_74, %broadcast_in_dim3A_83 : vector<512x1xf32>
      %slice3A_85 = vector.extract_strided_slice %get3A_45 {offsets = [4, 0], sizes = [1, 2048], strides = [1, 1]} : vector<8x2048xi32> to vector<1x2048xi32>
      %eq3A_86 = vector.broadcast %slice3A_85 : vector<1x2048xi32> to vector<512x2048xi32>
      %eq3A_87 = vector.broadcast %iota3A : vector<512x1xi32> to vector<512x2048xi32>
      %eq3A_88 = arith.cmpi eq, %eq3A_86, %eq3A_87 : vector<512x2048xi32>
      %convert_element_type3A_89 = arith.extui %eq3A_88 : vector<512x2048xi1> to vector<512x2048xi32>
      %convert_element_type3A_90 = arith.sitofp %convert_element_type3A_89 : vector<512x2048xi32> to vector<512x2048xf32>
      %reduce_sum3A_91 = arith.constant dense<0.000000e+00> : vector<512xf32>
      %reduce_sum3A_92 = vector.multi_reduction <add>, %convert_element_type3A_90, %reduce_sum3A_91 [1] : vector<512x2048xf32> to vector<512xf32>
      %broadcast_in_dim3A_93 = vector.shape_cast %reduce_sum3A_92 : vector<512xf32> to vector<512x1xf32>
      %add3A_94 = arith.addf %add3A_84, %broadcast_in_dim3A_93 : vector<512x1xf32>
      %slice3A_95 = vector.extract_strided_slice %get3A_45 {offsets = [5, 0], sizes = [1, 2048], strides = [1, 1]} : vector<8x2048xi32> to vector<1x2048xi32>
      %eq3A_96 = vector.broadcast %slice3A_95 : vector<1x2048xi32> to vector<512x2048xi32>
      %eq3A_97 = vector.broadcast %iota3A : vector<512x1xi32> to vector<512x2048xi32>
      %eq3A_98 = arith.cmpi eq, %eq3A_96, %eq3A_97 : vector<512x2048xi32>
      %convert_element_type3A_99 = arith.extui %eq3A_98 : vector<512x2048xi1> to vector<512x2048xi32>
      %convert_element_type3A_100 = arith.sitofp %convert_element_type3A_99 : vector<512x2048xi32> to vector<512x2048xf32>
      %reduce_sum3A_101 = arith.constant dense<0.000000e+00> : vector<512xf32>
      %reduce_sum3A_102 = vector.multi_reduction <add>, %convert_element_type3A_100, %reduce_sum3A_101 [1] : vector<512x2048xf32> to vector<512xf32>
      %broadcast_in_dim3A_103 = vector.shape_cast %reduce_sum3A_102 : vector<512xf32> to vector<512x1xf32>
      %add3A_104 = arith.addf %add3A_94, %broadcast_in_dim3A_103 : vector<512x1xf32>
      %slice3A_105 = vector.extract_strided_slice %get3A_45 {offsets = [6, 0], sizes = [1, 2048], strides = [1, 1]} : vector<8x2048xi32> to vector<1x2048xi32>
      %eq3A_106 = vector.broadcast %slice3A_105 : vector<1x2048xi32> to vector<512x2048xi32>
      %eq3A_107 = vector.broadcast %iota3A : vector<512x1xi32> to vector<512x2048xi32>
      %eq3A_108 = arith.cmpi eq, %eq3A_106, %eq3A_107 : vector<512x2048xi32>
      %convert_element_type3A_109 = arith.extui %eq3A_108 : vector<512x2048xi1> to vector<512x2048xi32>
      %convert_element_type3A_110 = arith.sitofp %convert_element_type3A_109 : vector<512x2048xi32> to vector<512x2048xf32>
      %reduce_sum3A_111 = arith.constant dense<0.000000e+00> : vector<512xf32>
      %reduce_sum3A_112 = vector.multi_reduction <add>, %convert_element_type3A_110, %reduce_sum3A_111 [1] : vector<512x2048xf32> to vector<512xf32>
      %broadcast_in_dim3A_113 = vector.shape_cast %reduce_sum3A_112 : vector<512xf32> to vector<512x1xf32>
      %add3A_114 = arith.addf %add3A_104, %broadcast_in_dim3A_113 : vector<512x1xf32>
      %slice3A_115 = vector.extract_strided_slice %get3A_45 {offsets = [7, 0], sizes = [1, 2048], strides = [1, 1]} : vector<8x2048xi32> to vector<1x2048xi32>
      %eq3A_116 = vector.broadcast %slice3A_115 : vector<1x2048xi32> to vector<512x2048xi32>
      %eq3A_117 = vector.broadcast %iota3A : vector<512x1xi32> to vector<512x2048xi32>
      %eq3A_118 = arith.cmpi eq, %eq3A_116, %eq3A_117 : vector<512x2048xi32>
      %convert_element_type3A_119 = arith.extui %eq3A_118 : vector<512x2048xi1> to vector<512x2048xi32>
      %convert_element_type3A_120 = arith.sitofp %convert_element_type3A_119 : vector<512x2048xi32> to vector<512x2048xf32>
      %reduce_sum3A_121 = arith.constant dense<0.000000e+00> : vector<512xf32>
      %reduce_sum3A_122 = vector.multi_reduction <add>, %convert_element_type3A_120, %reduce_sum3A_121 [1] : vector<512x2048xf32> to vector<512xf32>
      %broadcast_in_dim3A_123 = vector.shape_cast %reduce_sum3A_122 : vector<512xf32> to vector<512x1xf32>
      %add3A_124 = arith.addf %add3A_114, %broadcast_in_dim3A_123 : vector<512x1xf32>
      %max3A_125 = arith.constant 1.000000e+00 : f32
      %max3A_126 = vector.broadcast %max3A_125 : f32 to vector<512x1xf32>
      %max3A_127 = arith.maximumf %add3A_124, %max3A_126 : vector<512x1xf32>
      %div3A = arith.constant 1.000000e+00 : f32
      %div3A_128 = vector.broadcast %div3A : f32 to vector<512x1xf32>
      %div3A_129 = arith.divf %div3A_128, %max3A_127 : vector<512x1xf32>
      %get3A_130 = arith.constant 0 : index
      %get3A_131 = arith.constant 0 : index
      %get3A_132 = vector.load %arg2[%get3A_130, %get3A_131] : memref<512x512xf32, #tpu.memory_space<vmem>>, vector<512x512xf32>
      %dot_general3A_133 = arith.constant dense<0.000000e+00> : vector<512x512xf32>
      %dot_general3A_134 = tpu.matmul %add3A_40, %get3A_132, %dot_general3A_133 {dimension_numbers = #tpu.dot_dimension_numbers<[1], [1], [0], [0], [0, 0, 1, 0], [], []>, transpose_lhs_hint = false} : vector<512x512xf32>, vector<512x512xf32>, vector<512x512xf32> -> vector<512x512xf32>
      %mul3A_135 = vector.broadcast %div3A_129 : vector<512x1xf32> to vector<512x512xf32>
      %mul3A_136 = arith.mulf %dot_general3A_134, %mul3A_135 : vector<512x512xf32>
      %mul3A_137 = arith.mulf %add3A_124, %div3A_129 : vector<512x1xf32>
      %get3A_138 = arith.constant 0 : index
      %get3A_139 = arith.constant 0 : index
      %get3A_140 = vector.load %arg3[%get3A_138, %get3A_139] : memref<1x512xf32, #tpu.memory_space<vmem>>, vector<1x512xf32>
      %mul3A_141 = vector.broadcast %mul3A_137 : vector<512x1xf32> to vector<512x512xf32>
      %mul3A_142 = vector.broadcast %get3A_140 : vector<1x512xf32> to vector<512x512xf32>
      %mul3A_143 = arith.mulf %mul3A_141, %mul3A_142 : vector<512x512xf32>
      %add3A_144 = arith.addf %mul3A_136, %mul3A_143 : vector<512x512xf32>
      %swap3A_145 = arith.constant 0 : index
      %swap3A_146 = arith.constant 0 : index
      %swap3A_147 = vector.load %arg9[%swap3A_145, %swap3A_146] : memref<512x512xf32, #tpu.memory_space<vmem>>, vector<512x512xf32>
      tpu.vector_store %arg9[%swap3A_145, %swap3A_146], %add3A_144 {strides = array<i32>} : memref<512x512xf32, #tpu.memory_space<vmem>>, vector<512x512xf32>,
      %broadcast_in_dim3A_148 = arith.constant 1.000000e+00 : f32
      %broadcast_in_dim3A_149 = vector.broadcast %broadcast_in_dim3A_148 : f32 to vector<1x512xf32>
      %mul3A_150 = arith.mulf %add3A_144, %add3A_144 : vector<512x512xf32>
      %dot_general3A_151 = arith.constant dense<0.000000e+00> : vector<1x512xf32>
      %dot_general3A_152 = tpu.matmul %broadcast_in_dim3A_149, %mul3A_150, %dot_general3A_151 {dimension_numbers = #tpu.dot_dimension_numbers<[1], [1], [0], [0], [0, 0, 1, 0], [], []>, transpose_lhs_hint = false} : vector<1x512xf32>, vector<512x512xf32>, vector<1x512xf32> -> vector<1x512xf32>
      %swap3A_153 = arith.constant 0 : index
      %swap3A_154 = arith.constant 0 : index
      %swap3A_155 = vector.load %arg10[%swap3A_153, %swap3A_154] : memref<1x512xf32, #tpu.memory_space<vmem>>, vector<1x512xf32>
      tpu.vector_store %arg10[%swap3A_153, %swap3A_154], %dot_general3A_152 {strides = array<i32>} : memref<1x512xf32, #tpu.memory_space<vmem>>, vector<1x512xf32>,
    } else {
    }
    %get3A = arith.constant 0 : index
    %get3A_2 = arith.constant 0 : index
    %get3A_3 = vector.load %arg1[%get3A, %get3A_2] : memref<256x512xf32, #tpu.memory_space<vmem>>, vector<256x512xf32>
    %get3A_4 = arith.constant 0 : index
    %get3A_5 = arith.constant 0 : index
    %get3A_6 = vector.load %arg9[%get3A_4, %get3A_5] : memref<512x512xf32, #tpu.memory_space<vmem>>, vector<512x512xf32>
    %dot_general3A = arith.constant dense<0.000000e+00> : vector<256x512xf32>
    %dot_general3A_7 = tpu.matmul %get3A_3, %get3A_6, %dot_general3A {dimension_numbers = #tpu.dot_dimension_numbers<[1], [1], [0], [0], [0, 0, 1, 0], [], []>, transpose_lhs_hint = false} : vector<256x512xf32>, vector<512x512xf32>, vector<256x512xf32> -> vector<256x512xf32>
    %mul3A = arith.mulf %get3A_3, %get3A_3 : vector<256x512xf32>
    %reduce_sum3A = arith.constant dense<0.000000e+00> : vector<256xf32>
    %reduce_sum3A_8 = vector.multi_reduction <add>, %mul3A, %reduce_sum3A [1] : vector<256x512xf32> to vector<256xf32>
    %broadcast_in_dim3A = vector.shape_cast %reduce_sum3A_8 : vector<256xf32> to vector<256x1xf32>
    %get3A_9 = arith.constant 0 : index
    %get3A_10 = arith.constant 0 : index
    %get3A_11 = vector.load %arg10[%get3A_9, %get3A_10] : memref<1x512xf32, #tpu.memory_space<vmem>>, vector<1x512xf32>
    %add3A = vector.broadcast %broadcast_in_dim3A : vector<256x1xf32> to vector<256x512xf32>
    %add3A_12 = vector.broadcast %get3A_11 : vector<1x512xf32> to vector<256x512xf32>
    %add3A_13 = arith.addf %add3A, %add3A_12 : vector<256x512xf32>
    %mul3A_14 = arith.constant 2.000000e+00 : f32
    %mul3A_15 = vector.broadcast %mul3A_14 : f32 to vector<256x512xf32>
    %mul3A_16 = arith.mulf %mul3A_15, %dot_general3A_7 : vector<256x512xf32>
    %sub3A = arith.subf %add3A_13, %mul3A_16 : vector<256x512xf32>
    %max3A = arith.constant 9.99999996E-13 : f32
    %max3A_17 = vector.broadcast %max3A : f32 to vector<256x512xf32>
    %max3A_18 = arith.maximumf %sub3A, %max3A_17 : vector<256x512xf32>
    %sqrt3A = math.sqrt %max3A_18 : vector<256x512xf32>
    %neg3A = arith.constant 0.000000e+00 : f32
    %neg3A_19 = vector.broadcast %neg3A : f32 to vector<256x512xf32>
    %neg3A_20 = arith.subf %neg3A_19, %sqrt3A : vector<256x512xf32>
    %swap3A = arith.constant 0 : index
    %swap3A_21 = arith.constant 0 : index
    %swap3A_22 = vector.load %arg8[%swap3A, %swap3A_21] : memref<256x512xf32, #tpu.memory_space<vmem>>, vector<256x512xf32>
    tpu.vector_store %arg8[%swap3A, %swap3A_21], %neg3A_20 {strides = array<i32>} : memref<256x512xf32, #tpu.memory_space<vmem>>, vector<256x512xf32>,
    return
  }
  func.func @transform_0(%arg0: i32) -> (i32, i32) {
    %c0_i32 = arith.constant 0 : i32
    %c0_i32_0 = arith.constant 0 : i32
    return %arg0, %c0_i32 : i32, i32
  }
  func.func @transform_1(%arg0: i32) -> (i32, i32) {
    %c0_i32 = arith.constant 0 : i32
    %c0_i32_0 = arith.constant 0 : i32
    %c0_i32_1 = arith.constant 0 : i32
    return %c0_i32, %c0_i32_0 : i32, i32
  }
  func.func @transform_2(%arg0: i32) -> (i32, i32) {
    %c0_i32 = arith.constant 0 : i32
    %c0_i32_0 = arith.constant 0 : i32
    %c0_i32_1 = arith.constant 0 : i32
    return %c0_i32, %c0_i32_0 : i32, i32
  }
  func.func @transform_3(%arg0: i32) -> (i32, i32) {
    %c0_i32 = arith.constant 0 : i32
    %c0_i32_0 = arith.constant 0 : i32
    %c0_i32_1 = arith.constant 0 : i32
    return %c0_i32, %c0_i32_0 : i32, i32
  }
  func.func @transform_4(%arg0: i32) -> (i32, i32) {
    %c0_i32 = arith.constant 0 : i32
    %c0_i32_0 = arith.constant 0 : i32
    %c0_i32_1 = arith.constant 0 : i32
    return %c0_i32, %c0_i32_0 : i32, i32
  }
  func.func @transform_5(%arg0: i32) -> (i32, i32) {
    %c0_i32 = arith.constant 0 : i32
    %c0_i32_0 = arith.constant 0 : i32
    %c0_i32_1 = arith.constant 0 : i32
    return %c0_i32, %c0_i32_0 : i32, i32
  }
  func.func @transform_6(%arg0: i32) -> (i32, i32) {
    %c0_i32 = arith.constant 0 : i32
    %c0_i32_0 = arith.constant 0 : i32
    %c0_i32_1 = arith.constant 0 : i32
    return %c0_i32, %c0_i32_0 : i32, i32
  }
  func.func @transform_7(%arg0: i32) -> (i32, i32) {
    %c0_i32 = arith.constant 0 : i32
    %c0_i32_0 = arith.constant 0 : i32
    return %arg0, %c0_i32 : i32, i32
  }
}

</mosaic_0001>

<sc_bundles>
// kernel: kernel.5.cloned.1.call-start
scs
__scs_entry_jumppad:
0x0: {  	(pc) =	sbr.rel $0x88, $3  }
0x1: {  	(tag) =	ssettag $0x0;
	lr =	simm.s32 $0x1  }
0x2: {  	[smem:$0x3F9C] =	sst lr;
	_ =	strace $0xD0000000  }
0x3: {  	_ = 	snop  }
0x4: {  	_ = 	snop  }
0x5: {  	_ = 	snop  }
0x6: {  	_ = 	snop  }
0x7: {  	_ = 	snop  }
__scs_overlays_trampoline_lowered:
0x8: {  	[smem:$0x3FAB] =	sst s0  }
0x9: {  	[smem:$0x3FAC] =	sst s1  }
0xa: {  	[smem:$0x3FAD] =	sst s2  }
0xb: {  	[smem:$0x3FAE] =	sst s3  }
0xc: {  	[smem:$0x3FAF] =	sst s4  }
0xd: {  	[smem:$0x3FB0] =	sst s5  }
0xe: {  	[smem:$0x3FB1] =	sst s6  }
0xf: {  	[smem:$0x3FB2] =	sst s7  }
0x10: {  	[smem:$0x3FB3] =	sst s8  }
0x11: {  	[smem:$0x3FB4] =	sst s9;
	s0 =	simm.s32 @!p0 $0x0  }
0x12: {  	s1 =	sld [smem:$0x3F9A];
	s0 =	simm.s32 @p0 $0x1  }
0x13: {  	[smem:$0x3FB5] =	sst s0;
	s0 =	simm.s32 @!p1 $0x0  }
0x14: {  	s2 =	sld [smem:$0x3F99];
	s0 =	simm.s32 @p1 $0x1  }
0x15: {  	[smem:$0x3FB6] =	sst s0;
	s0 =	simm.s32 @!p2 $0x0  }
0x16: {  	s3 =	sld [smem:$0x3FDB];
	s0 =	simm.s32 @p2 $0x1  }
0x17: {  	s4 =	simm.s32 $0x1BF5;
	[smem:$0x3FB8] =	sst s0  }
0x18: {  	s0 =	sld [smem:$0x3F9B];
	_ =	swait.ge [sflag:s4], $0x0  }
0x19: {  	s7 =	sld [smem:$0x3F9C]  }
0x1a: {  	s8 =	sadd.s32 $0xFFFFE003, lr  }
0x1b: {  	s9 =	sadd.s32 $0xFFFFFEF7, lr;
	s5 =	simm.s32 $0xFFFFFFFF;
	p2 =	slt.u32 s8, $0xFFFFF086  }
0x1c: {  	p1 =	slt.u32 s9, $0xF7A;
	s5 =	simm.s32 @!p2 $0x0  }
0x1d: {  	s5 =	simm.s32 @p1 $0x1;
	p0 =	seq.s32 s7, s2  }
0x1e: {  	s7 =	smul.u32 @!p0 $0xF7A, s2;
	p2 =	seq.s32 @!p0 s5, $0x0  }
0x1f: {  	s9 =	smul.u32 $0xF7A, s1;
	s8 =	simm.s32 @!p0 $0x1BF5;
	p2 =	por !p2, p0  }
0x20: {  	[sflag:s8] =	ssyncset.s32 @!p0 $0xFFFFF086;
	s6 =	sadd.s32 @!p0 s3, s7;
	s7 =	simm.s32 @!p0 $0x108  }
0x21: {  	s3 =	sadd.s32 s3, s9;
	s6 =	sadd.s32 @!p0 $0x88, s6;
	s7 =	simm.s32 @p2 $0x1082  }
0x22: {  	[simem:s7], [sflag:s8] =	dma.local @!p0 [hbm:s6], $0xF7A  }
0x23: {  	s9 =	sor.u32 $0xD0000000, s2;
	s6 =	simm.s32 $0x108;
	_ =	swait.ge @!p0 [sflag:s8], $0x0  }
0x24: {  	s3 =	sadd.s32 $0x88, s3;
	s6 =	simm.s32 @!p1 $0x1082;
	[sflag:s4] =	ssyncset.s32 $0xFFFFF086  }
0x25: {  	[simem:s6], [sflag:s4] =	dma.local [hbm:s3], $0xF7A  }
0x26: {  	[smem:$0x3F9C] =	sst s1;
	(tag) =	ssettag s2;
	_ =	strace s9  }
0x27: {  	s1 =	sld [smem:$0x3FAC]  }
0x28: {  	s2 =	sld [smem:$0x3FAD]  }
0x29: {  	s4 =	sld [smem:$0x3FAF]  }
0x2a: {  	p0 =	seq.s32 s5, $0x0;
	s5 =	sld [smem:$0x3FB0]  }
0x2b: {  	s6 =	sld [smem:$0x3FB1]  }
0x2c: {  	s7 =	sld [smem:$0x3FB2]  }
0x2d: {  	s3 =	simm.s32 $0x108;
	s8 =	sld [smem:$0x3FB3]  }
0x2e: {  	s3 =	simm.s32 @!p0 $0x1082;
	s9 =	sld [smem:$0x3FB4]  }
0x2f: {  	lr =	sadd.s32 s0, s3;
	s0 =	sld [smem:$0x3FAB]  }
0x30: {  	s3 =	sld [smem:$0x3FAE]  }
0x31: {  	[smem:$0x3FB7] =	sst s10  }
0x32: {  	s10 =	sld [smem:$0x3FB5];
	_ =	sdelay $0x3  }
0x33: {  	p0 =	seq.s32 s10, $0x1;
	s10 =	sld [smem:$0x3FB7];
	_ =	sdelay $0x3  }
0x34: {  	[smem:$0x3FB7] =	sst s10  }
0x35: {  	s10 =	sld [smem:$0x3FB6];
	_ =	sdelay $0x3  }
0x36: {  	p1 =	seq.s32 s10, $0x1;
	s10 =	sld [smem:$0x3FB7];
	_ =	sdelay $0x3  }
0x37: {  	[smem:$0x3FB7] =	sst s10  }
0x38: {  	s10 =	sld [smem:$0x3FB8]  }
0x39: {  	_ = 	snop;
	(pc) =	sbr.ind lr, $3  }
0x3a: {  	_ = 	snop  }
0x3b: {  	_ = 	snop  }
0x3c: {  	p2 =	seq.s32 s10, $0x1;
	s10 =	sld [smem:$0x3FB7]  }
0x3d: {  	_ =	shalt  }
0x3e: {  	_ =	shalt  }
0x3f: {  	_ =	shalt  }
0x40: {  	_ =	shalt  }
0x41: {  	_ =	shalt  }
0x42: {  	_ =	shalt  }
0x43: {  	_ =	shalt  }
0x44: {  	_ =	shalt  }
0x45: {  	_ =	shalt  }
0x46: {  	_ =	shalt  }
0x47: {  	_ =	shalt  }
0x48: {  	_ =	shalt  }
0x49: {  	_ =	shalt  }
0x4a: {  	_ =	shalt  }
0x4b: {  	_ =	shalt  }
0x4c: {  	_ =	shalt  }
0x4d: {  	_ =	shalt  }
0x4e: {  	_ =	shalt  }
0x4f: {  	_ =	shalt  }
0x50: {  	_ =	shalt  }
0x51: {  	_ =	shalt  }
0x52: {  	_ =	shalt  }
0x53: {  	_ =	shalt  }
0x54: {  	_ =	shalt  }
0x55: {  	_ =	shalt  }
0x56: {  	_ =	shalt  }
0x57: {  	_ =	shalt  }
0x58: {  	_ =	shalt  }
0x59: {  	_ =	shalt  }
0x5a: {  	_ =	shalt  }
0x5b: {  	_ =	shalt  }
0x5c: {  	_ =	shalt  }
0x5d: {  	_ =	shalt  }
0x5e: {  	_ =	shalt  }
0x5f: {  	_ =	shalt  }
0x60: {  	_ =	shalt  }
0x61: {  	_ =	shalt  }
0x62: {  	_ =	shalt  }
0x63: {  	_ =	shalt  }
0x64: {  	_ =	shalt  }
0x65: {  	_ =	shalt  }
0x66: {  	_ =	shalt  }
0x67: {  	_ =	shalt  }
0x68: {  	_ =	shalt  }
0x69: {  	_ =	shalt  }
0x6a: {  	_ =	shalt  }
0x6b: {  	_ =	shalt  }
0x6c: {  	_ =	shalt  }
0x6d: {  	_ =	shalt  }
0x6e: {  	_ =	shalt  }
0x6f: {  	_ =	shalt  }
0x70: {  	_ =	shalt  }
0x71: {  	_ =	shalt  }
0x72: {  	_ =	shalt  }
0x73: {  	_ =	shalt  }
0x74: {  	_ =	shalt  }
0x75: {  	_ =	shalt  }
0x76: {  	_ =	shalt  }
0x77: {  	_ =	shalt  }
0x78: {  	_ =	shalt  }
0x79: {  	_ =	shalt  }
0x7a: {  	_ =	shalt  }
0x7b: {  	_ =	shalt  }
0x7c: {  	_ =	shalt  }
0x7d: {  	_ =	shalt  }
0x7e: {  	_ =	shalt  }
0x7f: {  	_ =	shalt  }
0x80: {  	_ =	shalt  }
0x81: {  	_ =	shalt  }
0x82: {  	_ =	shalt  }
0x83: {  	_ =	shalt  }
0x84: {  	_ =	shalt  }
0x85: {  	_ =	shalt  }
0x86: {  	_ =	shalt  }
0x87: {  	_ =	shalt  }
.Lfunc_end0:
.L_simem_size_0:
called_computation.1_lowered:
.L_overlay_start_0:
0x88: {  	s2 =	sld [smem:$0x3FD9]  }
0x89: {  	s3 =	sld [smem:$0x3FFE];
	_ =	sdelay $0x1  }
0x8a: {  	s1 =	srdreg.scid  }
0x8b: {  	s0 =	sand.u32 $0x1, s1  }
0x8c: {  	s17 =	sshll.u32 s0, $0xA;
	s2 =	sadd.s32 s3, s2  }
0x8d: {  	s2 =	sadd.s32 s2, s17  }
0x8e: {  	[smem:$0x3FC3] =	sst s2  }
0x8f: {  	_ = 	snop  }
0x90: {  	s2 =	sld [smem:$0x3FC7]  }
0x91: {  	s18 =	sld [smem:$0x3FD0];
	(tm) =	ssettm $0x1  }
0x92: {  	s4 =	sld [smem:$0x3FFB];
	_ =	sdelay $0x3  }
0x93: {  	_ =	strace s4  }
0x94: {  	s4 =	sld [smem:$0x3FFC];
	_ =	sdelay $0x3  }
0x95: {  	_ =	strace s4  }
0x96: {  	s4 =	sld [smem:$0x3FFD];
	_ =	sdelay $0x3  }
0x97: {  	_ =	strace s4  }
0x98: {  	_ =	strace $0x8FFFFFFF  }
0x99: {  	s19 =	sld [smem:$0x3FDB];
	_ =	sdelay $0x1  }
0x9a: {  	s5 =	simm.s32 $_scs_section_size  }
0x9b: {  	s6 =	simm.s32 $_size__tile_overlayer_lowered;
	s7 =	simm.s32 $_tile_overlayer_lowered  }
0x9c: {  	s22 =	simm.s32 $0x1BFF;
	s21 =	sshll.u32 s7, $0x1;
	s4 =	sadd.s32 s5, s19  }
0x9d: {  	s8 =	simm.s32 $0x0;
	s20 =	sshll.u32 s6, $0x1;
	s6 =	sadd.s32 s21, s4  }
0x9e: {  	[timem:s8], [sflag:s22] =	dma.local [hbm:s6], s20  }
0x9f: {  	_ =	swait.ge [sflag:s22], s20  }
0xa0: {  	s5 =	ssub.s32 $0x0, s20;
	[sflag:s22] =	ssyncset.done $0x0  }
0xa1: {  	[sflag:s22] =	ssyncadd.s32 s5;
	_ =	sdelay $0x1  }
0xa2: {  	s23 =	simm.s32 $0x1B8B  }
0xa3: {  	_ =	swait.ge [sflag:s23], $0x1  }
0xa4: {  	[sflag:s23] =	ssyncset.done $0x0  }
0xa5: {  	s25 =	simm.s32 $0x1B8E;
	s24 =	sld [smem:$0x3FFE];
	[sflag:s23] =	ssyncadd.s32 $0xFFFFFFFF  }
0xa6: {  	s26 =	simm.s32 $execute0_lowered;
	[smem:$0x3FD2] =	sst s25  }
0xa7: {  	s6 =	sshll.u32 s26, $0x1;
	_ =	strace $0x80000049;
	[dreg:$0x1] =	wrdreg $0xFFFFFFFF  }
0xa8: {  	s28 =	simm.s32 $_size_execute0_lowered;
	s4 =	sadd.s32 s4, s6;
	[dreg:$0x0] =	wrdreg $0x0  }
0xa9: {  	s6 =	sshll.u32 s28, $0x1;
	[dreg:$0x2] =	wrdreg s4  }
0xaa: {  	[dreg:$0x3] =	wrdreg s6  }
0xab: {  	[dreg:$0x4] =	wrdreg $0xC0  }
0xac: {  	_ =	task [dreg:s8], $0x5FFFF  }
0xad: {  	[dreg:$0x1] =	wrdreg $0xFFFFFFFF  }
0xae: {  	[dreg:$0x0] =	wrdreg $0x60  }
0xaf: {  	[dreg:$0x2] =	wrdreg s24  }
0xb0: {  	[dreg:$0x3] =	wrdreg s2  }
0xb1: {  	[dreg:$0x4] =	wrdreg s18  }
0xb2: {  	[dreg:$0x5] =	wrdreg $0x9  }
0xb3: {  	_ =	task.clear_ibuf [dreg:s8], $0x6FFFF;
	_ =	strace $0x90000049  }
0xb4: {  	s29 =	simm.s32 $0x9;
	_ =	strace $0x8000004B  }
0xb5: {  	_ =	swait.ge [sflag:s29], $0x1  }
0xb6: {  	[sflag:s29] =	ssyncadd.s32 $0xFFFFFFFF  }
0xb7: {  	_ =	strace $0x9000004B  }
0xb8: {  	_ =	sfence  }
0xb9: {  	s30 =	sld [smem:$0x0];
	_ =	sdelay $0x2  }
0xba: {  	s31 =	sshll.u32 s1, $0xD;
	s1 =	sshrl.u32 s1, $0x2  }
0xbb: {  	s3 =	sand.u32 $0x4000, s31;
	s1 =	sadd.s32 s1, s30  }
0xbc: {  	s0 =	sor.u32 s3, s0;
	s1 =	sshll.u32 s1, $0x11  }
0xbd: {  	s0 =	sor.u32 s1, s0  }
0xbe: {  	s0 =	sadd.s32 $0x8F2B, s0  }
0xbf: {  	[sflag:s0] =	ssyncadd.remote.s32 $0x1  }
0xc0: {  	_ =	sfence.sel $0xFFFF  }
0xc1: {  	[dreg:$0x0] =	wrdreg $0xFFFFFFFF;
	(pc) =	sbr.abs _section_cstart, $3  }
0xc2: {  	[dreg:$0x1] =	wrdreg $0xFFFFFFFF  }
0xc3: {  	_ =	task.clear_ibuf [dreg:s8], $0x2FFFF;
	_ =	strace $0x9FFFFFFF  }
0xc4: {  	(tm) =	ssettm $0x7FFFFFFF  }
0xc5: {  	_ =	shalt  }
tec
execute0_lowered:
.L_overlay_start_1:
0x0: {  	(tag) =	ssettag $0x1  }
0x1: {  	s0 =	rddreg [dreg:$0x0]  }
0x2: {  	s3 =	rddreg [dreg:$0x1]  }
0x3: {  	s1 =	rddreg [dreg:$0x2]  }
0x4: {  	s2 =	simm.s32 $0x0;
	s4 =	srdreg.scid;
	s7 =	stileid.u32  }
0x5: {  	s15 =	simm.s32 $0x4;
	s17 =	simm.s32 $0x14000;
	s18 =	simm.s32 $0x1  }
0x6: {  	s19 =	simm.s32 $0x8000;
	s20 =	simm.s32 $0x2;
	s21 =	simm.s32 $0x3  }
0x7: {  	s22 =	simm.s32 $0x0;
	s28 =	simm.s32 $0x0;
	[smem:$0x7FF] =	sst s2  }
0x8: {  	s6 =	sand.u32 $0x1, s4;
	s4 =	sadd.s32 $0x1200, s0;
	s26 =	sadd.s32 $0x101200, s0  }
0x9: {  	_ =	strace $0x8000004A;
	s5 =	sshll.u32 s6, $0x4;
	s6 =	ssub.s32 $0x2, s6  }
0xa: {  	[dreg:$0x4] =	wrdreg s26;
	s5 =	sor.u32 s7, s5;
	s8 =	sshrl.u32 s6, $0x1  }
.Ltmp0:
0xb: {  	s29 =	sshll.u32 s5, $0x7;
	s6 =	ssub.s32 s6, s8;
	(pc) =	sbr.rel .LBB2_1-.Ltmp0, $4  }
0xc: {  	s30 =	sshll.u32 s5, $0x6;
	s7 =	sshll.u32 s5, $0x9;
	s31 =	sshll.u32 s5, $0xF  }
0xd: {  	p0 =	sne.s32 s5, $0x0;
	s0 =	sadd.s32 s29, s0;
	s3 =	sadd.s32 s3, s30  }
0xe: {  	s9 =	sadd.s32 s4, s31;
	s11 =	sor.u32 $0x80, s7;
	s13 =	smax.u32 s6, $0x1  }
0xf: {  	v0 =	vimm.f32 $0.0e+00;
	[dreg:$0x5] =	wrdreg s3;
	s10 =	sadd.s32 $0x101400, s0;
	s12 =	sadd.s32 $0x101440, s0  }
.LBB2_27:
0x10: {  	[sflag:s21] =	ssyncadd.s32 $0xFFFFFE00  }
.LBB2_28:
0x11: {  	s22 =	sadd.s32 $0x1, s22  }
0x12: {  	p1 =	sne.s32 s22, s13  }
.Ltmp1:
0x13: {  	_ = 	snop;
	(pc) =	sbr.rel @!p1 .LBB2_29-.Ltmp1, $1  }
0x14: {  	_ =	sdelay $0x3  }
.LBB2_1:
0x15: {  	s0 =	rddreg [dreg:$0x5];
	s3 =	simm.s32 $0x14200  }
0x16: {  	[tilespmem:s3], [sflag:$0x4] =	stream.linear.gather [hbm4b:s0+s2], $0x200, $0x38;
	[tilespmem:$0x14500] =	vst v63  }
0x17: {  	_ =	swait.ge [sflag:s15], $0x200  }
0x18: {  	[sflag:s15] =	ssyncset.done $0x0  }
0x19: {  	s31 =	simm.s32 $0x14480;
	s30 =	rddreg [dreg:$0x4];
	[sflag:s15] =	ssyncadd.s32 $0xFFFFFE00  }
0x1a: {  	[tilespmem:s31], [sflag:$0x4] =	stream.linear.gather [hbm4b:s30+s2], $0x20, $0x38;
	[tilespmem:$0x14500] =	vst v63  }
0x1b: {  	_ =	swait.ge [sflag:s15], $0x20  }
0x1c: {  	[sflag:s15] =	ssyncset.done $0x0  }
0x1d: {  	[sflag:s15] =	ssyncadd.s32 $0xFFFFFFE0  }
0x1e: {  	[tilespmem:$0x14000] =	vst v0  }
0x1f: {  	[tilespmem:$0x14010] =	vst v0  }
0x20: {  	[tilespmem:$0x14020] =	vst v0  }
0x21: {  	[tilespmem:$0x14030] =	vst v0  }
0x22: {  	[tilespmem:$0x14040] =	vst v0  }
0x23: {  	[tilespmem:$0x14050] =	vst v0  }
0x24: {  	[tilespmem:$0x14060] =	vst v0  }
0x25: {  	[tilespmem:$0x14070] =	vst v0  }
0x26: {  	[tilespmem:$0x14080] =	vst v0  }
0x27: {  	[tilespmem:$0x14090] =	vst v0  }
0x28: {  	[tilespmem:$0x140A0] =	vst v0  }
0x29: {  	[tilespmem:$0x140B0] =	vst v0  }
0x2a: {  	[tilespmem:$0x140C0] =	vst v0  }
0x2b: {  	[tilespmem:$0x140D0] =	vst v0  }
0x2c: {  	[tilespmem:$0x140E0] =	vst v0  }
0x2d: {  	[tilespmem:$0x140F0] =	vst v0  }
0x2e: {  	[tilespmem:$0x14100] =	vst v0  }
0x2f: {  	[tilespmem:$0x14110] =	vst v0  }
0x30: {  	[tilespmem:$0x14120] =	vst v0  }
0x31: {  	[tilespmem:$0x14130] =	vst v0  }
0x32: {  	[tilespmem:$0x14140] =	vst v0  }
0x33: {  	[tilespmem:$0x14150] =	vst v0  }
0x34: {  	[tilespmem:$0x14160] =	vst v0  }
0x35: {  	[tilespmem:$0x14170] =	vst v0  }
0x36: {  	[tilespmem:$0x14180] =	vst v0  }
0x37: {  	[tilespmem:$0x14190] =	vst v0;
	v1 =	vld [tilespmem:$0x14200]  }
0x38: {  	[tilespmem:$0x141A0] =	vst v0  }
0x39: {  	[tilespmem:$0x141B0] =	vst v0  }
0x3a: {  	[tilespmem:$0x141C0] =	vst v0  }
0x3b: {  	[tilespmem:$0x141D0] =	vst v0  }
0x3c: {  	[tilespmem:$0x141E0] =	vst v0;
	(v2sf) =	vpush v1, $0x0  }
0x3d: {  	[tilespmem:$0x141F0] =	vst v0  }
0x3e: {  	v2 =	vld [tilespmem:s5+$0x14480];
	_ =	sdelay $0x4  }
0x3f: {  	(v2sf) =	vpush v2, $0x0;
	_ =	sdelay $0x7  }
0x40: {  	s24 =	spop (v2sf)  }
0x41: {  	p1 =	slt.s32 @!p0 s24, $0x1  }
0x42: {  	p1 =	por p0, p1  }
.Ltmp2:
0x43: {  	_ = 	snop;
	(pc) =	sbr.rel @p1 .LBB2_2-.Ltmp2, $2  }
0x44: {  	_ =	sdelay $0x2  }
0x45: {  	s3 =	simm.s32 @!p0 $0x0;
	s23 =	spop (v2sf)  }
0x46: {  	p1 =	sne.s32 s24, $0x1  }
.Ltmp3:
0x47: {  	_ = 	snop;
	(pc) =	sbr.rel @!p1 .LBB2_5-.Ltmp3, $3  }
0x48: {  	_ =	sdelay $0x1  }
0x49: {  	s6 =	sand.u32 $0x1FFFFFC0, s3  }
0x4a: {  	s0 =	sadd.s32 $0xFFFFFFFF, s24;
	s3 =	sadd.s32 $0x40, s3;
	s14 =	sadd.s32 s1, s6  }
.LBB2_4:
0x4b: {  	[hbm4b:s14+s2] =	stream.linear.scatter [tilespmem:s17], [sflag:$0x3], $0x200, $0x38;
	[tilespmem:$0x14500] =	vst v63  }
0x4c: {  	p1 =	sne.s32 s0, $0x1  }
.Ltmp4:
0x4d: {  	s0 =	sadd.s32 $0xFFFFFFFF, s0;
	(pc) =	sbr.rel @p1 .LBB2_4-.Ltmp4, $3  }
0x4e: {  	_ =	sdelay $0x1  }
0x4f: {  	s6 =	sand.u32 $0x1FFFFFC0, s3  }
0x50: {  	s3 =	sadd.s32 $0x40, s3;
	s14 =	sadd.s32 s1, s6  }
.LBB2_5:
.Ltmp5:
0x51: {  	(pc) =	sbr.rel .LBB2_6-.Ltmp5, $3  }
0x52: {  	_ =	sdelay $0x1  }
0x53: {  	[hbm4b:s14+s2] =	stream.linear.scatter [tilespmem:s17], [sflag:$0x3], $0x200, $0x38;
	[tilespmem:$0x14500] =	vst v63  }
0x54: {  	s25 =	smov.u32 s24  }
.LBB2_2:
0x55: {  	s25 =	smov.u32 s24  }
0x56: {  	s25 =	simm.s32 @p0 $0x0  }
.LBB2_6:
0x57: {  	v1 =	vimm.f32 $0.0e+00;
	v2 =	vimm.f32 $0.0e+00  }
0x58: {  	v4 =	vimm.f32 $0.0e+00;
	v3 =	vimm.f32 $0.0e+00;
	v7 =	vimm.f32 $0.0e+00  }
0x59: {  	v10 =	vimm.f32 $0.0e+00;
	v8 =	vimm.f32 $0.0e+00;
	v5 =	vimm.f32 $0.0e+00  }
0x5a: {  	v6 =	vimm.f32 $0.0e+00;
	v9 =	vimm.f32 $0.0e+00;
	v11 =	vimm.f32 $0.0e+00  }
0x5b: {  	v12 =	vimm.f32 $0.0e+00;
	v13 =	vimm.f32 $0.0e+00;
	v14 =	vimm.f32 $0.0e+00  }
0x5c: {  	v15 =	vimm.f32 $0.0e+00;
	v16 =	vimm.f32 $0.0e+00;
	v17 =	vimm.f32 $0.0e+00  }
.Ltmp6:
0x5d: {  	v18 =	vimm.f32 $0.0e+00;
	v19 =	vimm.f32 $0.0e+00;
	v20 =	vimm.f32 $0.0e+00;
	(pc) =	sbr.rel .LBB2_7-.Ltmp6, $4  }
0x5e: {  	v21 =	vimm.f32 $0.0e+00;
	v22 =	vimm.f32 $0.0e+00;
	v23 =	vimm.f32 $0.0e+00  }
0x5f: {  	v24 =	vimm.f32 $0.0e+00;
	v25 =	vimm.f32 $0.0e+00;
	v26 =	vimm.f32 $0.0e+00  }
0x60: {  	[tilespmem:s28], [sflag:$0x1] =	stream.linear.gather [hbm4b:s9+s28], $0x8000, $0x38;
	v27 =	vimm.f32 $0.0e+00;
	v28 =	vimm.f32 $0.0e+00;
	v29 =	vimm.f32 $0.0e+00;
	[tilespmem:$0x14500] =	vst v63  }
0x61: {  	v30 =	vimm.f32 $0.0e+00;
	v31 =	vimm.f32 $0.0e+00;
	v32 =	vimm.f32 $0.0e+00;
	s26 =	smov.u32 s24;
	s29 =	simm.s32 $0x0  }
.LBB2_19:
0x62: {  	s29 =	sadd.s32 $0x1, s29  }
0x63: {  	p1 =	sne.s32 s29, $0x4  }
.Ltmp7:
0x64: {  	_ = 	snop;
	(pc) =	sbr.rel @!p1 .LBB2_20-.Ltmp7, $1  }
0x65: {  	_ =	sdelay $0x3  }
.LBB2_7:
0x66: {  	s0 =	sshll.u32 s29, $0x7  }
0x67: {  	s31 =	sor.u32 $0x40, s0  }
0x68: {  	s3 =	sadd.s32 s7, s31  }
0x69: {  	_ =	swait.ge [sflag:s18], $0x8000;
	s3 =	sshll.u32 s3, $0x6  }
.Ltmp8:
0x6a: {  	[sflag:s18] =	ssyncset.done $0x0;
	s3 =	sand.u32 $0x1FFFF000, s3;
	(pc) =	sbr.rel .LBB2_8-.Ltmp8, $4  }
0x6b: {  	s30 =	sand.u32 $0x3FFFFF80, s0;
	[sflag:s18] =	ssyncadd.s32 $0xFFFF8000;
	s3 =	sadd.s32 s4, s3  }
0x6c: {  	[tilespmem:s19], [sflag:$0x2] =	stream.linear.gather [hbm4b:s3+s28], $0x8000, $0x38;
	[tilespmem:$0x14500] =	vst v63  }
0x6d: {  	s3 =	sadd.s32 $0x14200, s30  }
0x6e: {  	v33 =	vmov s3;
	s3 =	simm.s32 $0x0  }
.LBB2_11:
0x6f: {  	[hbm4b:s6+s2] =	stream.linear.scatter [tilespmem:s17], [sflag:$0x3], $0x200, $0x38;
	[tilespmem:$0x14500] =	vst v63  }
.LBB2_12:
0x70: {  	s6 =	sshll.u32 s3, $0x9  }
0x71: {  	s14 =	sand.u32 $0x3FFFFE00, s6  }
0x72: {  	v34 =	vld [tilespmem:s14+$0x0]  }
0x73: {  	v35 =	vld [tilespmem:s14+$0x10]  }
0x74: {  	v36 =	vld [tilespmem:s14+$0x20]  }
0x75: {  	v37 =	vld [tilespmem:s14+$0x30]  }
0x76: {  	v38 =	vld [tilespmem:s14+$0x40]  }
0x77: {  	v39 =	vld [tilespmem:s14+$0x50]  }
0x78: {  	v40 =	vld [tilespmem:s14+$0x60]  }
0x79: {  	v41 =	vld [tilespmem:s14+$0x70]  }
0x7a: {  	v42 =	vld [tilespmem:s14+$0x80]  }
0x7b: {  	v43 =	vld [tilespmem:s14+$0x90]  }
0x7c: {  	v44 =	vld [tilespmem:s14+$0xA0]  }
0x7d: {  	v45 =	vld [tilespmem:s14+$0xB0]  }
0x7e: {  	v46 =	vld [tilespmem:s14+$0xC0]  }
0x7f: {  	v47 =	vld [tilespmem:s14+$0xD0]  }
0x80: {  	v48 =	vld [tilespmem:s14+$0xE0]  }
0x81: {  	v49 =	vld [tilespmem:s14+$0xF0]  }
0x82: {  	v50 =	vld [tilespmem:s14+$0x100]  }
0x83: {  	v51 =	vld [tilespmem:s14+$0x110]  }
0x84: {  	v52 =	vld [tilespmem:s14+$0x120]  }
0x85: {  	v53 =	vld [tilespmem:s14+$0x130]  }
0x86: {  	v54 =	vld [tilespmem:s14+$0x160];
	v32 =	vadd.f32 v34, v32;
	v31 =	vadd.f32 v35, v31  }
0x87: {  	v55 =	vld [tilespmem:s14+$0x170];
	v30 =	vadd.f32 v36, v30;
	v29 =	vadd.f32 v37, v29  }
0x88: {  	v56 =	vld [tilespmem:s14+$0x180];
	v28 =	vadd.f32 v38, v28;
	v27 =	vadd.f32 v39, v27  }
0x89: {  	v57 =	vld [tilespmem:s14+$0x190];
	v26 =	vadd.f32 v40, v26;
	v25 =	vadd.f32 v41, v25  }
0x8a: {  	v58 =	vld [tilespmem:s14+$0x1A0];
	v24 =	vadd.f32 v42, v24;
	v23 =	vadd.f32 v43, v23  }
0x8b: {  	v59 =	vld [tilespmem:s14+$0x1B0];
	v22 =	vadd.f32 v44, v22;
	v21 =	vadd.f32 v45, v21  }
0x8c: {  	v60 =	vld [tilespmem:s14+$0x1C0];
	v20 =	vadd.f32 v46, v20;
	v19 =	vadd.f32 v47, v19  }
0x8d: {  	v61 =	vld [tilespmem:s14+$0x1D0];
	v18 =	vadd.f32 v48, v18;
	v17 =	vadd.f32 v49, v17  }
0x8e: {  	v62 =	vld [tilespmem:s14+$0x1E0];
	v16 =	vadd.f32 v50, v16;
	v15 =	vadd.f32 v51, v15  }
0x8f: {  	v63 =	vld [tilespmem:s14+$0x1F0];
	v14 =	vadd.f32 v52, v14;
	v13 =	vadd.f32 v53, v13  }
0x90: {  	v9 =	vadd.f32 v54, v9;
	v6 =	vadd.f32 v55, v6  }
0x91: {  	v5 =	vadd.f32 v56, v5;
	v8 =	vadd.f32 v57, v8  }
0x92: {  	v10 =	vadd.f32 v58, v10;
	v7 =	vadd.f32 v59, v7  }
0x93: {  	v3 =	vadd.f32 v60, v3;
	v4 =	vadd.f32 v61, v4  }
0x94: {  	v2 =	vadd.f32 v62, v2;
	v1 =	vadd.f32 v63, v1;
	v32 =	vpsel p1, v32, v34  }
0x95: {  	v31 =	vpsel p1, v31, v35;
	v30 =	vpsel p1, v30, v36;
	v29 =	vpsel p1, v29, v37  }
0x96: {  	v28 =	vpsel p1, v28, v38;
	v27 =	vpsel p1, v27, v39;
	v26 =	vpsel p1, v26, v40  }
0x97: {  	v34 =	vld [tilespmem:s14+$0x140];
	v25 =	vpsel p1, v25, v41;
	v24 =	vpsel p1, v24, v42;
	v23 =	vpsel p1, v23, v43  }
0x98: {  	v35 =	vld [tilespmem:s14+$0x150];
	v22 =	vpsel p1, v22, v44;
	v21 =	vpsel p1, v21, v45;
	v20 =	vpsel p1, v20, v46  }
0x99: {  	s3 =	sadd.s32 $0x1, s3;
	v19 =	vpsel p1, v19, v47;
	v18 =	vpsel p1, v18, v48;
	v17 =	vpsel p1, v17, v49  }
0x9a: {  	p2 =	sne.s32 s3, $0x40;
	v16 =	vpsel p1, v16, v50;
	v15 =	vpsel p1, v15, v51;
	v14 =	vpsel p1, v14, v52  }
.Ltmp9:
0x9b: {  	v13 =	vpsel p1, v13, v53;
	v9 =	vpsel p1, v9, v54;
	v6 =	vpsel p1, v6, v55;
	(pc) =	sbr.rel @!p2 .LBB2_13-.Ltmp9, $4  }
0x9c: {  	v5 =	vpsel p1, v5, v56;
	v8 =	vpsel p1, v8, v57;
	v10 =	vpsel p1, v10, v58  }
0x9d: {  	v7 =	vpsel p1, v7, v59;
	v12 =	vadd.f32 v34, v12;
	v11 =	vadd.f32 v35, v11  }
0x9e: {  	s26 =	ssub.s32 s25, s26;
	v3 =	vpsel p1, v3, v60;
	v4 =	vpsel p1, v4, v61;
	v2 =	vpsel p1, v2, v62  }
0x9f: {  	s25 =	sadd.s32 s30, s26;
	s26 =	smov.u32 s30;
	v1 =	vpsel p1, v1, v63;
	v12 =	vpsel p1, v12, v34;
	v11 =	vpsel p1, v11, v35  }
.LBB2_8:
0xa0: {  	_ =	sdelay $0x3  }
0xa1: {  	v34 =	vld.idx.msk [tilespmem:v33+s3+$0x0 ss:$0x1], $0xffff;
	_ =	sdelay $0x4  }
0xa2: {  	(v2sf) =	vpush v34, $0x0;
	_ =	sdelay $0xe  }
0xa3: {  	s30 =	spop (v2sf)  }
0xa4: {  	p1 =	seq.s32 s30, s26  }
0xa5: {  	s6 =	sshll.u32 @!p1 s25, $0x9  }
0xa6: {  	s6 =	sand.u32 @!p1 $0x3E00, s6  }
0xa7: {  	[tilespmem:s6+$0x10000] =	vst @!p1 v32  }
0xa8: {  	[tilespmem:s6+$0x10010] =	vst @!p1 v31  }
0xa9: {  	[tilespmem:s6+$0x10020] =	vst @!p1 v30  }
0xaa: {  	[tilespmem:s6+$0x10030] =	vst @!p1 v29  }
0xab: {  	[tilespmem:s6+$0x10040] =	vst @!p1 v28  }
0xac: {  	[tilespmem:s6+$0x10050] =	vst @!p1 v27  }
0xad: {  	[tilespmem:s6+$0x10060] =	vst @!p1 v26  }
0xae: {  	[tilespmem:s6+$0x10070] =	vst @!p1 v25  }
0xaf: {  	[tilespmem:s6+$0x10080] =	vst @!p1 v24  }
0xb0: {  	[tilespmem:s6+$0x10090] =	vst @!p1 v23  }
0xb1: {  	[tilespmem:s6+$0x100A0] =	vst @!p1 v22  }
0xb2: {  	[tilespmem:s6+$0x100B0] =	vst @!p1 v21  }
0xb3: {  	[tilespmem:s6+$0x100C0] =	vst @!p1 v20  }
0xb4: {  	[tilespmem:s6+$0x100D0] =	vst @!p1 v19  }
0xb5: {  	[tilespmem:s6+$0x100E0] =	vst @!p1 v18  }
0xb6: {  	[tilespmem:s6+$0x100F0] =	vst @!p1 v17  }
0xb7: {  	[tilespmem:s6+$0x10100] =	vst @!p1 v16  }
0xb8: {  	[tilespmem:s6+$0x10110] =	vst @!p1 v15  }
0xb9: {  	[tilespmem:s6+$0x10120] =	vst @!p1 v14  }
0xba: {  	[tilespmem:s6+$0x10130] =	vst @!p1 v13  }
0xbb: {  	[tilespmem:s6+$0x10140] =	vst @!p1 v12  }
0xbc: {  	[tilespmem:s6+$0x10150] =	vst @!p1 v11  }
0xbd: {  	[tilespmem:s6+$0x10160] =	vst @!p1 v9  }
0xbe: {  	[tilespmem:s6+$0x10170] =	vst @!p1 v6  }
0xbf: {  	[tilespmem:s6+$0x10180] =	vst @!p1 v5  }
0xc0: {  	[tilespmem:s6+$0x10190] =	vst @!p1 v8  }
0xc1: {  	[tilespmem:s6+$0x101A0] =	vst @!p1 v10  }
0xc2: {  	[tilespmem:s6+$0x101B0] =	vst @!p1 v7  }
0xc3: {  	s14 =	sshll.u32 @!p1 s26, $0x6;
	[tilespmem:s6+$0x101C0] =	vst @!p1 v3  }
0xc4: {  	p2 =	seq.s32 @!p1 s26, s24;
	s14 =	sand.u32 @!p1 $0x1FFFFFC0, s14;
	[tilespmem:s6+$0x101D0] =	vst @!p1 v4  }
0xc5: {  	s16 =	smov.u32 s10;
	p2 =	por !p2, p1;
	[tilespmem:s6+$0x101E0] =	vst @!p1 v2;
	s14 =	sadd.s32 @!p1 s1, s14  }
0xc6: {  	[tilespmem:s6+$0x101F0] =	vst @!p1 v1;
	s6 =	sor.u32 @!p1 $0x10000, s6;
	s16 =	smov.u32 @p2 s14;
	s14 =	simm.s32 @!p1 $0x0  }
0xc7: {  	[hbm4b:s16+s14] =	stream.linear.scatter @!p1 [tilespmem:s6], [sflag:$0x3], $0x200, $0x38;
	[tilespmem:$0x14500] =	vst v63  }
0xc8: {  	s6 =	sadd.s32 @!p1 $0x1, s26  }
0xc9: {  	p2 =	sge.s32 @!p1 s6, s30  }
0xca: {  	p2 =	por p1, p2  }
.Ltmp10:
0xcb: {  	_ = 	snop;
	(pc) =	sbr.rel @p2 .LBB2_12-.Ltmp10, $1  }
0xcc: {  	_ =	sdelay $0x3  }
0xcd: {  	s6 =	sxor.u32 $0xFFFFFFFF, s26  }
0xce: {  	s6 =	sadd.s32 s30, s6  }
0xcf: {  	p2 =	sne.s32 s6, $0x1  }
.Ltmp11:
0xd0: {  	_ = 	snop;
	(pc) =	sbr.rel @!p2 .LBB2_11-.Ltmp11, $4  }
0xd1: {  	s14 =	sshll.u32 s26, $0x6  }
0xd2: {  	s16 =	sadd.s32 $0x40, s14  }
0xd3: {  	s8 =	sand.u32 $0x1FFFFFC0, s16  }
0xd4: {  	s14 =	sadd.s32 $0xFFFFFFFF, s6;
	s16 =	sadd.s32 $0x40, s16;
	s6 =	sadd.s32 s1, s8  }
.LBB2_10:
0xd5: {  	[hbm4b:s6+s2] =	stream.linear.scatter [tilespmem:s17], [sflag:$0x3], $0x200, $0x38;
	[tilespmem:$0x14500] =	vst v63  }
0xd6: {  	p2 =	sne.s32 s14, $0x1  }
.Ltmp12:
0xd7: {  	s14 =	sadd.s32 $0xFFFFFFFF, s14;
	(pc) =	sbr.rel @p2 .LBB2_10-.Ltmp12, $3  }
0xd8: {  	_ =	sdelay $0x1  }
0xd9: {  	s6 =	sand.u32 $0x1FFFFFC0, s16  }
0xda: {  	s16 =	sadd.s32 $0x40, s16;
	s6 =	sadd.s32 s1, s6  }
.Ltmp13:
0xdb: {  	_ = 	snop;
	(pc) =	sbr.rel .LBB2_11-.Ltmp13, $1  }
0xdc: {  	_ =	sdelay $0x3  }
.LBB2_13:
0xdd: {  	p1 =	seq.s32 s29, $0x3  }
0xde: {  	s0 =	sadd.s32 @!p1 s0, s11  }
.Ltmp14:
0xdf: {  	_ =	swait.ge [sflag:s20], $0x8000;
	s0 =	sshll.u32 @!p1 s0, $0x6;
	(pc) =	sbr.rel .LBB2_14-.Ltmp14, $4  }
0xe0: {  	s31 =	sadd.s32 $0x14200, s31;
	[sflag:s20] =	ssyncset.done $0x0;
	s0 =	sand.u32 @!p1 $0x1FFFE000, s0  }
0xe1: {  	s3 =	simm.s32 @!p1 $0x0;
	[sflag:s20] =	ssyncadd.s32 $0xFFFF8000;
	s0 =	sadd.s32 @!p1 s4, s0  }
0xe2: {  	[tilespmem:s3], [sflag:$0x1] =	stream.linear.gather @!p1 [hbm4b:s0+s3], $0x8000, $0x38;
	[tilespmem:$0x14500] =	vst v63  }
0xe3: {  	v33 =	vmov s31;
	s0 =	simm.s32 $0x0  }
.LBB2_17:
0xe4: {  	[hbm4b:s6+s2] =	stream.linear.scatter [tilespmem:s17], [sflag:$0x3], $0x200, $0x38;
	[tilespmem:$0x14500] =	vst v63  }
.LBB2_18:
0xe5: {  	s3 =	sshll.u32 s0, $0x9  }
0xe6: {  	s3 =	sand.u32 $0x3FFFFE00, s3  }
0xe7: {  	v34 =	vld [tilespmem:s3+$0x8000]  }
0xe8: {  	v35 =	vld [tilespmem:s3+$0x8010]  }
0xe9: {  	v36 =	vld [tilespmem:s3+$0x8020]  }
0xea: {  	v37 =	vld [tilespmem:s3+$0x8030]  }
0xeb: {  	v38 =	vld [tilespmem:s3+$0x8040]  }
0xec: {  	v39 =	vld [tilespmem:s3+$0x8050]  }
0xed: {  	v40 =	vld [tilespmem:s3+$0x8060]  }
0xee: {  	v41 =	vld [tilespmem:s3+$0x8070]  }
0xef: {  	v42 =	vld [tilespmem:s3+$0x8080]  }
0xf0: {  	v43 =	vld [tilespmem:s3+$0x8090]  }
0xf1: {  	v44 =	vld [tilespmem:s3+$0x80A0]  }
0xf2: {  	v45 =	vld [tilespmem:s3+$0x80B0]  }
0xf3: {  	v46 =	vld [tilespmem:s3+$0x80C0]  }
0xf4: {  	v47 =	vld [tilespmem:s3+$0x80D0]  }
0xf5: {  	v48 =	vld [tilespmem:s3+$0x80E0]  }
0xf6: {  	v49 =	vld [tilespmem:s3+$0x80F0]  }
0xf7: {  	v50 =	vld [tilespmem:s3+$0x8100]  }
0xf8: {  	v51 =	vld [tilespmem:s3+$0x8110]  }
0xf9: {  	v52 =	vld [tilespmem:s3+$0x8120]  }
0xfa: {  	v53 =	vld [tilespmem:s3+$0x8130]  }
0xfb: {  	v54 =	vld [tilespmem:s3+$0x8160];
	v32 =	vadd.f32 v34, v32;
	v31 =	vadd.f32 v35, v31  }
0xfc: {  	v55 =	vld [tilespmem:s3+$0x8170];
	v30 =	vadd.f32 v36, v30;
	v29 =	vadd.f32 v37, v29  }
0xfd: {  	v56 =	vld [tilespmem:s3+$0x8180];
	v28 =	vadd.f32 v38, v28;
	v27 =	vadd.f32 v39, v27  }
0xfe: {  	v57 =	vld [tilespmem:s3+$0x8190];
	v26 =	vadd.f32 v40, v26;
	v25 =	vadd.f32 v41, v25  }
0xff: {  	v58 =	vld [tilespmem:s3+$0x81A0];
	v24 =	vadd.f32 v42, v24;
	v23 =	vadd.f32 v43, v23  }
0x100: {  	v59 =	vld [tilespmem:s3+$0x81B0];
	v22 =	vadd.f32 v44, v22;
	v21 =	vadd.f32 v45, v21  }
0x101: {  	v60 =	vld [tilespmem:s3+$0x81C0];
	v20 =	vadd.f32 v46, v20;
	v19 =	vadd.f32 v47, v19  }
0x102: {  	v61 =	vld [tilespmem:s3+$0x81D0];
	v18 =	vadd.f32 v48, v18;
	v17 =	vadd.f32 v49, v17  }
0x103: {  	v62 =	vld [tilespmem:s3+$0x81E0];
	v16 =	vadd.f32 v50, v16;
	v15 =	vadd.f32 v51, v15  }
0x104: {  	v63 =	vld [tilespmem:s3+$0x81F0];
	v14 =	vadd.f32 v52, v14;
	v13 =	vadd.f32 v53, v13  }
0x105: {  	v9 =	vadd.f32 v54, v9;
	v6 =	vadd.f32 v55, v6  }
0x106: {  	v5 =	vadd.f32 v56, v5;
	v8 =	vadd.f32 v57, v8  }
0x107: {  	v10 =	vadd.f32 v58, v10;
	v7 =	vadd.f32 v59, v7  }
0x108: {  	v3 =	vadd.f32 v60, v3;
	v4 =	vadd.f32 v61, v4  }
0x109: {  	v2 =	vadd.f32 v62, v2;
	v1 =	vadd.f32 v63, v1;
	v32 =	vpsel p1, v32, v34  }
0x10a: {  	v31 =	vpsel p1, v31, v35;
	v30 =	vpsel p1, v30, v36;
	v29 =	vpsel p1, v29, v37  }
0x10b: {  	v28 =	vpsel p1, v28, v38;
	v27 =	vpsel p1, v27, v39;
	v26 =	vpsel p1, v26, v40  }
0x10c: {  	v34 =	vld [tilespmem:s3+$0x8140];
	v25 =	vpsel p1, v25, v41;
	v24 =	vpsel p1, v24, v42;
	v23 =	vpsel p1, v23, v43  }
0x10d: {  	v35 =	vld [tilespmem:s3+$0x8150];
	v22 =	vpsel p1, v22, v44;
	v21 =	vpsel p1, v21, v45;
	v20 =	vpsel p1, v20, v46  }
0x10e: {  	s0 =	sadd.s32 $0x1, s0;
	v19 =	vpsel p1, v19, v47;
	v18 =	vpsel p1, v18, v48;
	v17 =	vpsel p1, v17, v49  }
0x10f: {  	p2 =	sne.s32 s0, $0x40;
	v16 =	vpsel p1, v16, v50;
	v15 =	vpsel p1, v15, v51;
	v14 =	vpsel p1, v14, v52  }
.Ltmp15:
0x110: {  	v13 =	vpsel p1, v13, v53;
	v9 =	vpsel p1, v9, v54;
	v6 =	vpsel p1, v6, v55;
	(pc) =	sbr.rel @!p2 .LBB2_19-.Ltmp15, $4  }
0x111: {  	v5 =	vpsel p1, v5, v56;
	v8 =	vpsel p1, v8, v57;
	v10 =	vpsel p1, v10, v58  }
0x112: {  	v7 =	vpsel p1, v7, v59;
	v12 =	vadd.f32 v34, v12;
	v11 =	vadd.f32 v35, v11  }
0x113: {  	v3 =	vpsel p1, v3, v60;
	s3 =	ssub.s32 s25, s30;
	v4 =	vpsel p1, v4, v61;
	v2 =	vpsel p1, v2, v62  }
0x114: {  	v1 =	vpsel p1, v1, v63;
	s30 =	smov.u32 s26;
	s25 =	sadd.s32 s26, s3;
	v12 =	vpsel p1, v12, v34;
	v11 =	vpsel p1, v11, v35  }
.LBB2_14:
0x115: {  	_ =	sdelay $0x3  }
0x116: {  	v34 =	vld.idx.msk [tilespmem:v33+s0+$0x0 ss:$0x1], $0xffff;
	_ =	sdelay $0x4  }
0x117: {  	(v2sf) =	vpush v34, $0x0;
	_ =	sdelay $0xe  }
0x118: {  	s26 =	spop (v2sf)  }
0x119: {  	p1 =	seq.s32 s26, s30  }
0x11a: {  	s3 =	sshll.u32 @!p1 s25, $0x9  }
0x11b: {  	s3 =	sand.u32 @!p1 $0x3E00, s3  }
0x11c: {  	[tilespmem:s3+$0x10000] =	vst @!p1 v32  }
0x11d: {  	[tilespmem:s3+$0x10010] =	vst @!p1 v31  }
0x11e: {  	[tilespmem:s3+$0x10020] =	vst @!p1 v30  }
0x11f: {  	[tilespmem:s3+$0x10030] =	vst @!p1 v29  }
0x120: {  	[tilespmem:s3+$0x10040] =	vst @!p1 v28  }
0x121: {  	[tilespmem:s3+$0x10050] =	vst @!p1 v27  }
0x122: {  	[tilespmem:s3+$0x10060] =	vst @!p1 v26  }
0x123: {  	[tilespmem:s3+$0x10070] =	vst @!p1 v25  }
0x124: {  	[tilespmem:s3+$0x10080] =	vst @!p1 v24  }
0x125: {  	[tilespmem:s3+$0x10090] =	vst @!p1 v23  }
0x126: {  	[tilespmem:s3+$0x100A0] =	vst @!p1 v22  }
0x127: {  	[tilespmem:s3+$0x100B0] =	vst @!p1 v21  }
0x128: {  	[tilespmem:s3+$0x100C0] =	vst @!p1 v20  }
0x129: {  	[tilespmem:s3+$0x100D0] =	vst @!p1 v19  }
0x12a: {  	[tilespmem:s3+$0x100E0] =	vst @!p1 v18  }
0x12b: {  	[tilespmem:s3+$0x100F0] =	vst @!p1 v17  }
0x12c: {  	[tilespmem:s3+$0x10100] =	vst @!p1 v16  }
0x12d: {  	[tilespmem:s3+$0x10110] =	vst @!p1 v15  }
0x12e: {  	[tilespmem:s3+$0x10120] =	vst @!p1 v14  }
0x12f: {  	[tilespmem:s3+$0x10130] =	vst @!p1 v13  }
0x130: {  	[tilespmem:s3+$0x10140] =	vst @!p1 v12  }
0x131: {  	[tilespmem:s3+$0x10150] =	vst @!p1 v11  }
0x132: {  	[tilespmem:s3+$0x10160] =	vst @!p1 v9  }
0x133: {  	[tilespmem:s3+$0x10170] =	vst @!p1 v6  }
0x134: {  	[tilespmem:s3+$0x10180] =	vst @!p1 v5  }
0x135: {  	[tilespmem:s3+$0x10190] =	vst @!p1 v8  }
0x136: {  	[tilespmem:s3+$0x101A0] =	vst @!p1 v10  }
0x137: {  	[tilespmem:s3+$0x101B0] =	vst @!p1 v7  }
0x138: {  	s6 =	sshll.u32 @!p1 s30, $0x6;
	[tilespmem:s3+$0x101C0] =	vst @!p1 v3  }
0x139: {  	p2 =	seq.s32 @!p1 s30, s24;
	s6 =	sand.u32 @!p1 $0x1FFFFFC0, s6;
	[tilespmem:s3+$0x101D0] =	vst @!p1 v4  }
0x13a: {  	s8 =	smov.u32 s10;
	p2 =	por !p2, p1;
	[tilespmem:s3+$0x101E0] =	vst @!p1 v2;
	s6 =	sadd.s32 @!p1 s1, s6  }
0x13b: {  	[tilespmem:s3+$0x101F0] =	vst @!p1 v1;
	s3 =	sor.u32 @!p1 $0x10000, s3;
	s8 =	smov.u32 @p2 s6;
	s6 =	simm.s32 @!p1 $0x0  }
0x13c: {  	[hbm4b:s8+s6] =	stream.linear.scatter @!p1 [tilespmem:s3], [sflag:$0x3], $0x200, $0x38;
	[tilespmem:$0x14500] =	vst v63  }
0x13d: {  	s3 =	sadd.s32 @!p1 $0x1, s30  }
0x13e: {  	p2 =	sge.s32 @!p1 s3, s26  }
0x13f: {  	p2 =	por p1, p2  }
.Ltmp16:
0x140: {  	_ = 	snop;
	(pc) =	sbr.rel @p2 .LBB2_18-.Ltmp16, $1  }
0x141: {  	_ =	sdelay $0x3  }
0x142: {  	s3 =	sxor.u32 $0xFFFFFFFF, s30  }
0x143: {  	s3 =	sadd.s32 s26, s3  }
0x144: {  	p2 =	sne.s32 s3, $0x1  }
.Ltmp17:
0x145: {  	_ = 	snop;
	(pc) =	sbr.rel @!p2 .LBB2_17-.Ltmp17, $4  }
0x146: {  	s6 =	sshll.u32 s30, $0x6  }
0x147: {  	s8 =	sadd.s32 $0x40, s6  }
0x148: {  	s6 =	sand.u32 $0x1FFFFFC0, s8  }
0x149: {  	s3 =	sadd.s32 $0xFFFFFFFF, s3;
	s14 =	sadd.s32 $0x40, s8;
	s6 =	sadd.s32 s1, s6  }
.LBB2_16:
0x14a: {  	[hbm4b:s6+s2] =	stream.linear.scatter [tilespmem:s17], [sflag:$0x3], $0x200, $0x38;
	[tilespmem:$0x14500] =	vst v63  }
0x14b: {  	p2 =	sne.s32 s3, $0x1  }
.Ltmp18:
0x14c: {  	s3 =	sadd.s32 $0xFFFFFFFF, s3;
	(pc) =	sbr.rel @p2 .LBB2_16-.Ltmp18, $3  }
0x14d: {  	_ =	sdelay $0x1  }
0x14e: {  	s6 =	sand.u32 $0x1FFFFFC0, s14  }
0x14f: {  	s14 =	sadd.s32 $0x40, s14;
	s6 =	sadd.s32 s1, s6  }
.Ltmp19:
0x150: {  	_ = 	snop;
	(pc) =	sbr.rel .LBB2_17-.Ltmp19, $1  }
0x151: {  	_ =	sdelay $0x3  }
.LBB2_20:
0x152: {  	s0 =	sshll.u32 s25, $0x9  }
0x153: {  	s0 =	sand.u32 $0x3E00, s0  }
0x154: {  	[tilespmem:s0+$0x10000] =	vst v32  }
0x155: {  	[tilespmem:s0+$0x10010] =	vst v31  }
0x156: {  	[tilespmem:s0+$0x10020] =	vst v30  }
0x157: {  	[tilespmem:s0+$0x10030] =	vst v29  }
0x158: {  	[tilespmem:s0+$0x10040] =	vst v28  }
0x159: {  	[tilespmem:s0+$0x10050] =	vst v27  }
0x15a: {  	[tilespmem:s0+$0x10060] =	vst v26  }
0x15b: {  	[tilespmem:s0+$0x10070] =	vst v25  }
0x15c: {  	[tilespmem:s0+$0x10080] =	vst v24  }
0x15d: {  	[tilespmem:s0+$0x10090] =	vst v23  }
0x15e: {  	[tilespmem:s0+$0x100A0] =	vst v22  }
0x15f: {  	[tilespmem:s0+$0x100B0] =	vst v21  }
0x160: {  	[tilespmem:s0+$0x100C0] =	vst v20  }
0x161: {  	[tilespmem:s0+$0x100D0] =	vst v19  }
0x162: {  	[tilespmem:s0+$0x100E0] =	vst v18  }
0x163: {  	[tilespmem:s0+$0x100F0] =	vst v17  }
0x164: {  	[tilespmem:s0+$0x10100] =	vst v16  }
0x165: {  	[tilespmem:s0+$0x10110] =	vst v15  }
0x166: {  	[tilespmem:s0+$0x10120] =	vst v14  }
0x167: {  	[tilespmem:s0+$0x10130] =	vst v13  }
0x168: {  	[tilespmem:s0+$0x10140] =	vst v12  }
0x169: {  	[tilespmem:s0+$0x10150] =	vst v11  }
0x16a: {  	[tilespmem:s0+$0x10160] =	vst v9  }
0x16b: {  	[tilespmem:s0+$0x10170] =	vst v6  }
0x16c: {  	[tilespmem:s0+$0x10180] =	vst v5  }
0x16d: {  	[tilespmem:s0+$0x10190] =	vst v8  }
0x16e: {  	[tilespmem:s0+$0x101A0] =	vst v10  }
0x16f: {  	[tilespmem:s0+$0x101B0] =	vst v7  }
0x170: {  	[tilespmem:s0+$0x101C0] =	vst v3  }
0x171: {  	[tilespmem:s0+$0x101D0] =	vst v4  }
0x172: {  	p1 =	seq.s32 s26, s24;
	s31 =	sadd.s32 $0x1, s23;
	[tilespmem:s0+$0x101E0] =	vst v2  }
0x173: {  	p2 =	sge.s32 s26, s31;
	s6 =	sor.u32 $0x10000, s0;
	[tilespmem:s0+$0x101F0] =	vst v1;
	s0 =	simm.s32 @p1 $0x0  }
0x174: {  	[hbm4b:s10+s0] =	stream.linear.scatter @p1 [tilespmem:s6], [sflag:$0x3], $0x200, $0x38;
	[tilespmem:$0x14500] =	vst v63  }
.Ltmp20:
0x175: {  	s0 =	sshll.u32 @!p1 s26, $0x6;
	(pc) =	sbr.rel @p2 .LBB2_24-.Ltmp20, $4  }
0x176: {  	s0 =	sand.u32 @!p1 $0x1FFFFFC0, s0  }
0x177: {  	s0 =	sadd.s32 @!p1 s1, s0  }
0x178: {  	s6 =	simm.s32 @p1 $0x14000;
	s0 =	smov.u32 @p1 s12  }
0x179: {  	[hbm4b:s0+s2] =	stream.linear.scatter [tilespmem:s6], [sflag:$0x3], $0x200, $0x38;
	[tilespmem:$0x14500] =	vst v63  }
0x17a: {  	s0 =	ssub.s32 s23, s26  }
0x17b: {  	s0 =	sadd.s32 $0x1, s0  }
0x17c: {  	p2 =	sne.s32 s0, $0x1  }
.Ltmp21:
0x17d: {  	_ = 	snop;
	(pc) =	sbr.rel @!p2 .LBB2_23-.Ltmp21, $4  }
0x17e: {  	_ = 	snop  }
0x17f: {  	s8 =	sshll.u32 s26, $0x6  }
0x180: {  	s6 =	sand.u32 $0x1FFFFFC0, s8  }
0x181: {  	s14 =	sadd.s32 $0x40, s8;
	s0 =	sadd.s32 $0xFFFFFFFF, s0;
	s6 =	sadd.s32 s1, s6  }
.LBB2_22:
0x182: {  	[hbm4b:s6+s2] =	stream.linear.scatter [tilespmem:s17], [sflag:$0x3], $0x200, $0x38;
	[tilespmem:$0x14500] =	vst v63  }
0x183: {  	p2 =	sne.s32 s0, $0x1  }
.Ltmp22:
0x184: {  	s0 =	sadd.s32 $0xFFFFFFFF, s0;
	(pc) =	sbr.rel @p2 .LBB2_22-.Ltmp22, $3  }
0x185: {  	_ =	sdelay $0x1  }
0x186: {  	s6 =	sand.u32 $0x1FFFFFC0, s14  }
0x187: {  	s14 =	sadd.s32 $0x40, s14;
	s6 =	sadd.s32 s1, s6  }
.LBB2_23:
0x188: {  	[hbm4b:s6+s2] =	stream.linear.scatter [tilespmem:s17], [sflag:$0x3], $0x200, $0x38;
	[tilespmem:$0x14500] =	vst v63  }
.LBB2_24:
0x189: {  	s0 =	simm.s32 $0x1  }
0x18a: {  	s3 =	sadd.s32 s3, s23;
	s0 =	simm.s32 @!p1 $0x0  }
0x18b: {  	s0 =	sadd.s32 s0, s3  }
0x18c: {  	s0 =	sadd.s32 $0x2, s0  }
0x18d: {  	p1 =	slt.s32 s0, $0x1  }
.Ltmp23:
0x18e: {  	_ = 	snop;
	(pc) =	sbr.rel @p1 .LBB2_28-.Ltmp23, $2  }
0x18f: {  	_ =	sdelay $0x2  }
0x190: {  	s3 =	simm.s32 $0x0  }
0x191: {  	s3 =	sadd.s32 $0x1, s3  }
0x192: {  	p1 =	slt.s32 s3, s0  }
.Ltmp24:
0x193: {  	_ = 	snop;
	(pc) =	sbr.rel @!p1 .LBB2_27-.Ltmp24, $3  }
0x194: {  	_ =	sdelay $0x1  }
0x195: {  	_ =	swait.ge [sflag:s21], $0x200  }
0x196: {  	[sflag:s21] =	ssyncset.done $0x0  }
.LBB2_26:
0x197: {  	s3 =	sadd.s32 $0x1, s3  }
0x198: {  	[sflag:s21] =	ssyncadd.s32 $0xFFFFFE00;
	p1 =	slt.s32 s3, s0  }
.Ltmp25:
0x199: {  	(pc) =	sbr.rel @p1 .LBB2_26-.Ltmp25, $3  }
0x19a: {  	_ =	sdelay $0x1  }
0x19b: {  	_ =	swait.ge [sflag:s21], $0x200  }
0x19c: {  	[sflag:s21] =	ssyncset.done $0x0  }
.Ltmp26:
0x19d: {  	_ = 	snop;
	(pc) =	sbr.rel .LBB2_27-.Ltmp26, $1  }
0x19e: {  	_ =	sdelay $0x3  }
.LBB2_29:
0x19f: {  	_ =	sfence.sel $0x180000  }
0x1a0: {  	[bflag:$0x0] =	sbarrier.arrive $0xFFFF  }
0x1a1: {  	_ =	strace $0x9000004A  }
0x1a2: {  	s0 =	stileid.u32;
	[bflag:$0x2] =	sbarrier.arrive $0xFFFF  }
0x1a3: {  	p0 =	sne.s32 s0, $0x0;
	s0 =	rddreg [dreg:$0x3]  }
0x1a4: {  	s0 =	sadd.s32 @!p0 $0x100000, s0  }
0x1a5: {  	[sflag:s0] =	ssyncadd.tile.s32 @!p0 $0x1;
	_ =	shalt  }
.Lfunc_end2:
_tile_overlayer_lowered:
.L_overlay_start_2:
0x1a6: {  	(tag) =	ssettag $0x2  }
0x1a7: {  	s0 =	rddreg [dreg:$0x0];
	s2 =	stileid.u32  }
0x1a8: {  	s1 =	rddreg [dreg:$0x1];
	p0 =	sne.s32 s2, $0x0  }
0x1a9: {  	s3 =	rddreg [dreg:$0x2];
	[bflag:$0x3] =	sbarrier.arrive $0xFFFF;
	s2 =	simm.s32 @!p0 $0x1C04  }
0x1aa: {  	[timem:s3], [sflag:s2] =	dma.local @!p0 [hbm:s0], s1  }
0x1ab: {  	s0 =	simm.s32 @!p0 $0x4  }
0x1ac: {  	_ =	swait.ge @!p0 [sflag:s0], s1  }
0x1ad: {  	s1 =	ssub.s32 @!p0 $0x0, s1;
	[sflag:s0] =	ssyncset.done @!p0 $0x0  }
0x1ae: {  	[sflag:s0] =	ssyncadd.s32 @!p0 s1  }
0x1af: {  	[bflag:$0x3] =	sbarrier.arrive $0xFFFF  }
0x1b0: {  	_ =	shalt  }

// kernel: sparse-core-data-format-call.cloned.1.call-start
scs
called_computation_lowered:
.L_overlay_start_0:
0x0: {  	s2 =	sld [smem:$0x3FD9]  }
0x1: {  	s3 =	sld [smem:$0x3FFE];
	_ =	sdelay $0x1  }
0x2: {  	s1 =	srdreg.scid  }
0x3: {  	s0 =	sand.u32 $0x1, s1  }
0x4: {  	s18 =	sshll.u32 s0, $0xA;
	s2 =	sadd.s32 s3, s2  }
0x5: {  	s2 =	sadd.s32 s2, s18  }
0x6: {  	[smem:$0x3FC3] =	sst s2  }
0x7: {  	_ = 	snop  }
0x8: {  	s2 =	sld [smem:$0x3FC8];
	(tm) =	ssettm $0x1  }
0x9: {  	s19 =	sld [smem:$0x3FFB];
	_ =	sdelay $0x3  }
0xa: {  	_ =	strace s19  }
0xb: {  	s3 =	sld [smem:$0x3FFC];
	_ =	sdelay $0x3  }
0xc: {  	_ =	strace s3  }
0xd: {  	s3 =	sld [smem:$0x3FFD];
	_ =	sdelay $0x3  }
0xe: {  	_ =	strace s3  }
0xf: {  	_ =	strace $0x8FFFFFFF  }
0x10: {  	s20 =	sld [smem:$0x3FDB];
	_ =	sdelay $0x1  }
0x11: {  	s4 =	simm.s32 $_scs_section_size  }
0x12: {  	s5 =	simm.s32 $_size__tile_overlayer_lowered;
	s6 =	simm.s32 $_tile_overlayer_lowered  }
0x13: {  	s23 =	simm.s32 $0x1BFF;
	s22 =	sshll.u32 s6, $0x1;
	s3 =	sadd.s32 s4, s20  }
0x14: {  	s7 =	simm.s32 $0x0;
	s21 =	sshll.u32 s5, $0x1;
	s5 =	sadd.s32 s22, s3  }
0x15: {  	[timem:s7], [sflag:s23] =	dma.local [hbm:s5], s21  }
0x16: {  	_ =	swait.ge [sflag:s23], s21  }
0x17: {  	s4 =	ssub.s32 $0x0, s21;
	[sflag:s23] =	ssyncset.done $0x0  }
0x18: {  	[sflag:s23] =	ssyncadd.s32 s4;
	_ =	sdelay $0x1  }
0x19: {  	s24 =	simm.s32 $0x1B8B  }
0x1a: {  	_ =	swait.ge [sflag:s24], $0x1  }
0x1b: {  	[sflag:s24] =	ssyncset.done $0x0  }
0x1c: {  	s26 =	simm.s32 $0x1B8E;
	s25 =	sld [smem:$0x3FFE];
	[sflag:s24] =	ssyncadd.s32 $0xFFFFFFFF  }
0x1d: {  	s27 =	simm.s32 $execute0_lowered;
	[smem:$0x3FD2] =	sst s26  }
0x1e: {  	s5 =	sshll.u32 s27, $0x1;
	_ =	strace $0x80000046;
	[dreg:$0x1] =	wrdreg $0xFFFFFFFF  }
0x1f: {  	s28 =	simm.s32 $_size_execute0_lowered;
	s3 =	sadd.s32 s3, s5;
	[dreg:$0x0] =	wrdreg $0x0  }
0x20: {  	s5 =	sshll.u32 s28, $0x1;
	[dreg:$0x2] =	wrdreg s3  }
0x21: {  	[dreg:$0x3] =	wrdreg s5  }
0x22: {  	[dreg:$0x4] =	wrdreg $0xC0  }
0x23: {  	_ =	task [dreg:s7], $0x5FFFF  }
0x24: {  	[dreg:$0x1] =	wrdreg $0xFFFFFFFF  }
0x25: {  	[dreg:$0x0] =	wrdreg $0x60  }
0x26: {  	[dreg:$0x2] =	wrdreg s2  }
0x27: {  	[dreg:$0x3] =	wrdreg s25  }
0x28: {  	[dreg:$0x4] =	wrdreg $0x9  }
0x29: {  	_ =	task.clear_ibuf [dreg:s7], $0x5FFFF;
	_ =	strace $0x90000046  }
0x2a: {  	s29 =	simm.s32 $0x9;
	_ =	strace $0x80000048  }
0x2b: {  	_ =	swait.ge [sflag:s29], $0x1  }
0x2c: {  	[sflag:s29] =	ssyncadd.s32 $0xFFFFFFFF  }
0x2d: {  	_ =	strace $0x90000048  }
0x2e: {  	_ =	sfence  }
0x2f: {  	s30 =	sld [smem:$0x0];
	_ =	sdelay $0x2  }
0x30: {  	s31 =	sshll.u32 s1, $0xD;
	s1 =	sshrl.u32 s1, $0x2  }
0x31: {  	s3 =	sand.u32 $0x4000, s31;
	s1 =	sadd.s32 s1, s30  }
0x32: {  	s0 =	sor.u32 s3, s0;
	s1 =	sshll.u32 s1, $0x11  }
0x33: {  	s0 =	sor.u32 s1, s0  }
0x34: {  	s0 =	sadd.s32 $0x8F2B, s0  }
0x35: {  	[sflag:s0] =	ssyncadd.remote.s32 $0x1  }
0x36: {  	_ =	sfence.sel $0xFFFF  }
0x37: {  	[dreg:$0x0] =	wrdreg $0xFFFFFFFF;
	(pc) =	sbr.abs _section_cstart, $3  }
0x38: {  	[dreg:$0x1] =	wrdreg $0xFFFFFFFF  }
0x39: {  	_ =	task.clear_ibuf [dreg:s7], $0x2FFFF;
	_ =	strace $0x9FFFFFFF  }
0x3a: {  	(tm) =	ssettm $0x7FFFFFFF  }
0x3b: {  	_ =	shalt  }
tec
execute0_lowered:
.L_overlay_start_1:
0x0: {  	(tag) =	ssettag $0x1  }
0x1: {  	s0 =	srdreg.scid  }
0x2: {  	s1 =	sshll.u32 s0, $0x4  }
0x3: {  	s2 =	rddreg [dreg:$0x0];
	s0 =	stileid.u32;
	s1 =	sand.u32 $0x10, s1  }
0x4: {  	s4 =	rddreg [dreg:$0x1];
	s7 =	simm.s32 $0x1;
	s1 =	sor.u32 s0, s1  }
0x5: {  	s8 =	simm.s32 $0x2;
	s9 =	simm.s32 $0x0;
	s3 =	sshll.u32 s1, $0x2  }
0x6: {  	s12 =	simm.s32 $0x0;
	s11 =	simm.s32 $0x0;
	s6 =	ssub.s32 $0x800, s3  }
.Ltmp0:
0x7: {  	s4 =	sadd.s32 $0x1200, s4;
	s5 =	sand.u32 $0x7C, s6;
	(pc) =	sbr.rel .LBB1_1-.Ltmp0, $4  }
0x8: {  	s1 =	rddreg [dreg:$0x2];
	_ =	strace $0x80000047;
	p0 =	sne.s32 s5, $0x0  }
0x9: {  	s6 =	sshrl.u32 s6, $0x7;
	s5 =	simm.s32 $0x1;
	s7 =	simm.s32 @!p0 $0x0  }
0xa: {  	s10 =	smov.u32 s3;
	[sflag:s5] =	ssyncpa.u1 $0x0;
	s6 =	sadd.s32 s7, s6  }
0xb: {  	[sflag:s8] =	ssyncpa.u1 $0x0;
	s8 =	simm.s32 $0x0;
	s7 =	sadd.s32 $0x1, s6  }
.LBB1_9:
0xc: {  	s14 =	sadd.s32 $0x80, s10  }
0xd: {  	p1 =	sgt.s32 s14, $0x7FF  }
0xe: {  	s14 =	smov.u32 @p1 s3;
	p1 =	sne.s32 s11, s7  }
.Ltmp1:
0xf: {  	p0 =	slt.u32 s11, $0x2;
	(pc) =	sbr.rel @!p1 .LBB1_10-.Ltmp1, $4  }
0x10: {  	s13 =	simm.s32 @!p0 $0x2  }
0x11: {  	s15 =	sadd.s32 $0x1, s11;
	_ =	swait.ge @!p0 [sflag:s13], $0x4000  }
0x12: {  	s12 =	smov.u32 s10;
	s9 =	sadd.s32 $0x4000, s9;
	[sflag:s13] =	ssyncset.done @!p0 $0x0  }
0x13: {  	s11 =	smov.u32 s15;
	s10 =	smov.u32 s14;
	[sflag:s13] =	ssyncadd.s32 @!p0 $0xFFFFC000  }
.LBB1_1:
0x14: {  	p0 =	sge.u32 s11, s6  }
0x15: {  	s13 =	sxor.u32 @!p0 $0xFFFFFFFF, s11  }
0x16: {  	s31 =	sadd.s32 $0xFFFFFFFF, s11;
	s14 =	sshll.u32 @!p0 s10, $0x9;
	s13 =	sshll.u32 @!p0 s13, $0xE  }
0x17: {  	s15 =	simm.s32 @!p0 $0x0;
	s14 =	sadd.s32 @!p0 s2, s14;
	s13 =	sand.u32 @!p0 $0x4000, s13  }
0x18: {  	[tilespmem:s13], [sflag:$0x1] =	stream.linear.gather @!p0 [hbm4b:s14+s15], $0x4000, $0x38;
	[tilespmem:$0x10000] =	vst v63  }
0x19: {  	p0 =	sge.u32 s31, s6  }
.Ltmp2:
0x1a: {  	_ = 	snop;
	(pc) =	sbr.rel @p0 .LBB1_9-.Ltmp2, $1  }
0x1b: {  	_ =	sdelay $0x3  }
0x1c: {  	s14 =	sand.u32 $0x4000, s9  }
0x1d: {  	_ =	swait.ge [sflag:s5], $0x4000;
	s15 =	sshll.u32 s11, $0xE;
	s16 =	simm.s32 $0x0  }
0x1e: {  	s13 =	sor.u32 $0x40, s14;
	[sflag:s5] =	ssyncset.done $0x0;
	s15 =	sand.u32 $0x4000, s15  }
0x1f: {  	s14 =	sor.u32 $0x8040, s14;
	[sflag:s5] =	ssyncadd.s32 $0xFFFFC000;
	s15 =	sor.u32 $0x8000, s15  }
.LBB1_3:
0x20: {  	s17 =	smov.u32 s14;
	s18 =	smov.u32 s13;
	s19 =	simm.s32 $0x0  }
.LBB1_4:
0x21: {  	v0 =	vmov s17;
	v2 =	vld [tilespmem:s18+$0x30]  }
0x22: {  	v4 =	vld [tilespmem:s18+$0xFFFFFFD0]  }
0x23: {  	v6 =	vld [tilespmem:s18+$0xFFFFFFE0]  }
0x24: {  	v7 =	vld [tilespmem:s18+$0xFFFFFFF0]  }
0x25: {  	s20 =	simm.s32 $0x0;
	v1 =	vld [tilespmem:s18+$0x0]  }
0x26: {  	v3 =	vld [tilespmem:s18+$0x10];
	[tilespmem:v0+s20+$0x30 ss:$0x1] =	vst.idx.msk $0xffff, v2  }
0x27: {  	v5 =	vld [tilespmem:s18+$0x20];
	[tilespmem:v0+s20+$0xFFFFFFD0 ss:$0x1] =	vst.idx.msk $0xffff, v4  }
0x28: {  	s21 =	sadd.s32 $0x80, s18;
	v2 =	vld [tilespmem:s18+$0xFFFFFFC0];
	[tilespmem:v0+s20+$0xFFFFFFE0 ss:$0x1] =	vst.idx.msk $0xffff, v6  }
0x29: {  	s22 =	simm.s32 $0x800;
	s23 =	simm.s32 $0x1000;
	v4 =	vld [tilespmem:s21+$0x30];
	[tilespmem:v0+s20+$0xFFFFFFF0 ss:$0x1] =	vst.idx.msk $0xffff, v7  }
.LBB1_5:
0x2a: {  	p0 =	sne.s32 s23, $0x3800;
	v6 =	vld [tilespmem:s21+$0xFFFFFFD0];
	[tilespmem:v0+s20+$0x0 ss:$0x1] =	vst.idx.msk $0xffff, v1  }
0x2b: {  	v7 =	vld [tilespmem:s21+$0xFFFFFFE0];
	[tilespmem:v0+s20+$0x10 ss:$0x1] =	vst.idx.msk $0xffff, v3  }
0x2c: {  	v8 =	vld [tilespmem:s21+$0xFFFFFFF0];
	[tilespmem:v0+s20+$0x20 ss:$0x1] =	vst.idx.msk $0xffff, v5  }
.Ltmp3:
0x2d: {  	v1 =	vld [tilespmem:s21+$0x0];
	[tilespmem:v0+s20+$0xFFFFFFC0 ss:$0x1] =	vst.idx.msk $0xffff, v2;
	s20 =	sshra.s32 s22, $0x2;
	s22 =	smov.u32 s23;
	(pc) =	sbr.rel @p0 .LBB1_5-.Ltmp3, $4  }
0x2e: {  	v3 =	vld [tilespmem:s21+$0x10];
	[tilespmem:v0+s20+$0x30 ss:$0x1] =	vst.idx.msk $0xffff, v4  }
0x2f: {  	[tilespmem:v0+s20+$0xFFFFFFD0 ss:$0x1] =	vst.idx.msk $0xffff, v6;
	v5 =	vld [tilespmem:s21+$0x20]  }
0x30: {  	v2 =	vld [tilespmem:s21+$0xFFFFFFC0];
	[tilespmem:v0+s20+$0xFFFFFFE0 ss:$0x1] =	vst.idx.msk $0xffff, v7;
	s21 =	sadd.s32 $0x80, s21  }
0x31: {  	s23 =	sadd.s32 $0x800, s23;
	v4 =	vld [tilespmem:s21+$0x30];
	[tilespmem:v0+s20+$0xFFFFFFF0 ss:$0x1] =	vst.idx.msk $0xffff, v8  }
0x32: {  	_ =	sdelay $0x3  }
0x33: {  	v6 =	vld [tilespmem:s21+$0xFFFFFFD0];
	[tilespmem:v0+s20+$0x0 ss:$0x1] =	vst.idx.msk $0xffff, v1  }
0x34: {  	v58 =	vld [tilespmem:s21+$0xFFFFFFE0];
	[tilespmem:v0+s20+$0x10 ss:$0x1] =	vst.idx.msk $0xffff, v3  }
0x35: {  	v59 =	vld [tilespmem:s21+$0xFFFFFFF0];
	[tilespmem:v0+s20+$0x20 ss:$0x1] =	vst.idx.msk $0xffff, v5  }
0x36: {  	s22 =	sshra.s32 s22, $0x2;
	v60 =	vld [tilespmem:s21+$0x0];
	[tilespmem:v0+s20+$0xFFFFFFC0 ss:$0x1] =	vst.idx.msk $0xffff, v2  }
0x37: {  	v61 =	vld [tilespmem:s21+$0x10];
	[tilespmem:v0+s22+$0x30 ss:$0x1] =	vst.idx.msk $0xffff, v4  }
0x38: {  	v62 =	vld [tilespmem:s21+$0x20];
	s19 =	sadd.s32 $0x1, s19;
	[tilespmem:v0+s22+$0xFFFFFFD0 ss:$0x1] =	vst.idx.msk $0xffff, v6  }
0x39: {  	v63 =	vld [tilespmem:s21+$0xFFFFFFC0];
	p0 =	sne.s32 s19, $0x4;
	[tilespmem:v0+s22+$0xFFFFFFE0 ss:$0x1] =	vst.idx.msk $0xffff, v58  }
.Ltmp4:
0x3a: {  	[tilespmem:v0+s22+$0xFFFFFFF0 ss:$0x1] =	vst.idx.msk $0xffff, v59;
	(pc) =	sbr.rel @p0 .LBB1_4-.Ltmp4, $4  }
0x3b: {  	[tilespmem:v0+s22+$0x0 ss:$0x1] =	vst.idx.msk $0xffff, v60  }
0x3c: {  	[tilespmem:v0+s22+$0x10 ss:$0x1] =	vst.idx.msk $0xffff, v61  }
0x3d: {  	[tilespmem:v0+s22+$0x20 ss:$0x1] =	vst.idx.msk $0xffff, v62  }
0x3e: {  	s18 =	sadd.s32 $0x400, s18;
	s17 =	sadd.s32 $0x80, s17;
	[tilespmem:v0+s22+$0xFFFFFFC0 ss:$0x1] =	vst.idx.msk $0xffff, v63  }
0x3f: {  	s16 =	sadd.s32 $0x1, s16  }
0x40: {  	p0 =	sne.s32 s16, $0x4  }
.Ltmp5:
0x41: {  	_ = 	snop;
	(pc) =	sbr.rel @p0 .LBB1_3-.Ltmp5, $2  }
0x42: {  	_ =	sdelay $0x2  }
0x43: {  	s13 =	sadd.s32 $0x1000, s13;
	s14 =	sadd.s32 $0x1000, s14  }
.Ltmp6:
0x44: {  	(pc) =	sbr.rel .LBB1_9-.Ltmp6, $4  }
0x45: {  	_ = 	snop  }
0x46: {  	s12 =	sshll.u32 s12, $0x9  }
0x47: {  	s12 =	sadd.s32 s4, s12  }
0x48: {  	[hbm4b:s12+s8] =	stream.linear.scatter [tilespmem:s15], [sflag:$0x2], $0x4000, $0x38;
	[tilespmem:$0x10000] =	vst v63  }
.LBB1_10:
0x49: {  	_ =	sfence.sel $0x180000  }
0x4a: {  	s2 =	simm.s32 $0x1;
	[bflag:$0x0] =	sbarrier.arrive $0xFFFF  }
0x4b: {  	s31 =	simm.s32 $0x2;
	[sflag:s2] =	ssyncpa.u1 $0x1  }
0x4c: {  	[sflag:s31] =	ssyncpa.u1 $0x1  }
0x4d: {  	p0 =	sne.s32 s0, $0x0;
	_ =	strace $0x90000047  }
0x4e: {  	s0 =	sadd.s32 @!p0 $0x100000, s1;
	[bflag:$0x2] =	sbarrier.arrive $0xFFFF  }
0x4f: {  	[sflag:s0] =	ssyncadd.tile.s32 @!p0 $0x1;
	_ =	shalt  }
.Lfunc_end1:
_tile_overlayer_lowered:
.L_overlay_start_2:
0x50: {  	(tag) =	ssettag $0x2  }
0x51: {  	s0 =	rddreg [dreg:$0x0];
	s2 =	stileid.u32  }
0x52: {  	s1 =	rddreg [dreg:$0x1];
	p0 =	sne.s32 s2, $0x0  }
0x53: {  	s3 =	rddreg [dreg:$0x2];
	[bflag:$0x3] =	sbarrier.arrive $0xFFFF;
	s2 =	simm.s32 @!p0 $0x1C01  }
0x54: {  	[timem:s3], [sflag:s2] =	dma.local @!p0 [hbm:s0], s1  }
0x55: {  	s0 =	simm.s32 @!p0 $0x1  }
0x56: {  	_ =	swait.ge @!p0 [sflag:s0], s1  }
0x57: {  	s1 =	ssub.s32 @!p0 $0x0, s1;
	[sflag:s0] =	ssyncset.done @!p0 $0x0  }
0x58: {  	[sflag:s0] =	ssyncadd.s32 @!p0 s1  }
0x59: {  	[bflag:$0x3] =	sbarrier.arrive $0xFFFF  }
0x5a: {  	_ =	shalt  }

</sc_bundles>
